<compile_context>
chip_gen: v7x
topology: tpu7x:2x2x1
jax: 0.10.2.dev20260603
libtpu: 0.0.44.dev20260713+nightly
codegen_flags: <defaults>
</compile_context>

<pallas_src>
import functools

import jax
import jax.numpy as jnp
from jax import lax
from jax.experimental import pallas as pl
from jax.experimental.pallas import tpu as pltpu
from jax.experimental.pallas import tpu_sc as plsc

D = 64
NB = 4096
T = 200
BW = 128

_info = plsc.get_sparse_core_info()
NC, NS = _info.num_cores, _info.num_subcores
NW = NC * NS

_mesh = plsc.VectorSubcoreMesh(core_axis_name="c", subcore_axis_name="s")


@functools.partial(
    pl.kernel,
    mesh=_mesh,
    compiler_params=pltpu.CompilerParams(
        use_tc_tiling_on_sc=False, needs_layout_passes=False,
        disable_bounds_checks=True),
    out_type=jax.ShapeDtypeStruct((T, D // 8, NW, 8 * BW), jnp.float32),
    scratch_types=[
        pltpu.VMEM((T, BW), jnp.int32),
        pltpu.VMEM((2, BW, D), jnp.float32),
        pltpu.VMEM((2, D * BW), jnp.float32),
        pltpu.SemaphoreType.DMA((2,)),
        pltpu.SemaphoreType.DMA((2,)),
    ],
)
def _emb_lookup(w_hbm, xt_hbm, out_hbm, idx_v, raw_v, trans_v, gsem, wsem):
    wid = lax.axis_index("s") * NC + lax.axis_index("c")
    b0 = wid * BW
    pltpu.sync_copy(xt_hbm.at[:, pl.ds(b0, BW)], idx_v)

    def g_copy(t, j):
        return pltpu.make_async_copy(
            w_hbm.at[idx_v.at[t]], raw_v.at[j], gsem.at[j])

    def wb_copies(t, j):
        return [
            pltpu.make_async_copy(
                trans_v.at[j, pl.ds(dt * 8 * BW, 8 * BW)],
                out_hbm.at[t, dt, wid],
                wsem.at[j])
            for dt in range(D // 8)
        ]

    iota16 = lax.iota(jnp.int32, 16)
    row_ids = [iota16 + i0 * 16 for i0 in range(BW // 16)]

    def transpose(j):
        @plsc.parallel_loop(0, D, unroll=16)
        def per_d(d):
            colv = (iota16 + d) & (D - 1)
            colv128 = colv << 7
            for i0 in range(BW // 16):
                v = plsc.load_gather(raw_v.at[j], [row_ids[i0], colv])
                plsc.store_scatter(trans_v.at[j], [colv128 + row_ids[i0]], v)

    g_copy(0, 0).start()
    g_copy(1, 1).start()

    def pair(p, carry):
        t0 = p * 2
        for j in (0, 1):
            t = t0 + j
            g_copy(t, j).wait()

            @pl.when(t >= 2)
            def _():
                for cp in wb_copies(t - 2, j):
                    cp.wait()

            transpose(j)
            for cp in wb_copies(t, j):
                cp.start()

            @pl.when(t + 2 < T)
            def _():
                g_copy(t + 2, j).start()

        return carry

    lax.fori_loop(0, T // 2, pair, 0)
    for cp in wb_copies(T - 2, 0):
        cp.wait()
    for cp in wb_copies(T - 1, 1):
        cp.wait()


def kernel(X, W):
    x_t = jnp.transpose(X).astype(jnp.int32)
    out5 = _emb_lookup(W, x_t).reshape(T, D // 8, NW, 8, BW)
    return jnp.transpose(out5, (2, 4, 0, 1, 3)).reshape(NB, T, D)

# --- scband reference (transcript-rebuilt; emitter-appended) ---
"""Pipeline reference for scband-fixed-embedding-78056735637794 (READ-ONLY COPY).

The authoritative reference and input builder live on the scoring server;
editing this copy changes nothing except your own understanding.
"""

import jax, jax.numpy as jnp
import numpy as np
import math

C_IN = 100000
D_MODEL = 64

def make_fixed_table(c_in, d_model):
    position = jnp.arange(c_in, dtype=jnp.float32)[:, None]
    div_term = jnp.exp(jnp.arange(0, d_model, 2, dtype=jnp.float32) * (-(math.log(10000.0) / d_model)))
    w = jnp.zeros((c_in, d_model), dtype=jnp.float32)
    w = w.at[:, 0::2].set(jnp.sin(position * div_term))
    w = w.at[:, 1::2].set(jnp.cos(position * div_term))
    return w

def setup_inputs(seed: int = 0) -> dict:
    key = jax.random.key(seed)
    kx, = jax.random.split(key, 1)
    X = jax.random.randint(kx, (4096, 200), 0, C_IN, dtype=jnp.int64 if jax.config.read('jax_enable_x64') else jnp.int32)
    W = make_fixed_table(C_IN, D_MODEL)
    return {"X": X, "W": W}

def reference(X, W):
    # nn.Embedding lookup on a frozen sinusoidal table, output detached
    out = jnp.take(W, X, axis=0)
    return jax.lax.stop_gradient(out)

if __name__ == "__main__":
    import jax
    _d = setup_inputs()
    print(jax.jit(kernel)(*tuple(_d.values())))

</pallas_src>

<mosaic_0001>
#map = affine_map<(d0, d1) -> (0, 0)>
#map1 = affine_map<(d0, d1) -> (0, 0, 0, 0)>
module attributes {stable_mosaic.version = 14 : i64} {
  func.func @_emb_lookup(%arg0: i32, %arg1: i32, %arg2: memref<100000x64xf32, #tpu.memory_space<hbm>>, %arg3: memref<200x4096xi32, #tpu.memory_space<hbm>>, %arg4: memref<200x8x32x1024xf32, #tpu.memory_space<hbm>>, %arg5: memref<200x128xi32, #tpu.memory_space<vmem>>, %arg6: memref<2x128x64xf32, #tpu.memory_space<vmem>>, %arg7: memref<2x8192xf32, #tpu.memory_space<vmem>>, %arg8: memref<2x!tpu.dma_semaphore, #tpu.memory_space<semaphore_mem>>, %arg9: memref<2x!tpu.dma_semaphore, #tpu.memory_space<semaphore_mem>>) attributes {dimension_semantics = [#tpu.dimension_semantics<core_parallel>, #tpu.dimension_semantics<subcore_parallel>], iteration_bounds = array<i64: 2, 16>, scalar_prefetch = 0 : i64, scratch_operands = 5 : i64, tpu.core_type = #tpu.core_type<sc_vector_subcore>, window_params = [{transform_indices = #map}, {transform_indices = #map}, {transform_indices = #map1}]} {
    %mul3A = arith.constant 2 : i32
    %mul3A_0 = arith.muli %arg1, %mul3A : i32
    %add3A = arith.addi %mul3A_0, %arg0 : i32
    %mul3A_1 = arith.constant 128 : i32
    %mul3A_2 = arith.muli %add3A, %mul3A_1 : i32
    "tpu.region"() ({
      %run_scoped3A = tpu.sem_alloc : memref<!tpu.dma_semaphore, #tpu.memory_space<semaphore_mem>>
      %dma_start3A_348 = arith.constant 0 : i32
      %dma_start3A_349 = tpu.memref_slice %arg3[%dma_start3A_348, %mul3A_2] : memref<200x4096xi32, #tpu.memory_space<hbm>> -> memref<200x128xi32, #tpu.memory_space<hbm>>
      %dma_start3A_350 = arith.constant 0 : i32
      %dma_start3A_351 = tpu.memref_slice %arg3[%dma_start3A_350, %mul3A_2] : memref<200x4096xi32, #tpu.memory_space<hbm>> -> memref<200x128xi32, #tpu.memory_space<hbm>>
      tpu.enqueue_dma source(%dma_start3A_351 : memref<200x128xi32, #tpu.memory_space<hbm>>) target(%arg5 : memref<200x128xi32, #tpu.memory_space<vmem>>) target_semaphore(%run_scoped3A : memref<!tpu.dma_semaphore, #tpu.memory_space<semaphore_mem>>)
      %dma_wait3A_352 = arith.constant 0 : i32
      %dma_wait3A_353 = tpu.memref_slice %arg3[%dma_wait3A_352, %mul3A_2] : memref<200x4096xi32, #tpu.memory_space<hbm>> -> memref<200x128xi32, #tpu.memory_space<hbm>>
      %dma_wait3A_354 = arith.constant 0 : i32
      %dma_wait3A_355 = tpu.memref_slice %arg3[%dma_wait3A_354, %mul3A_2] : memref<200x4096xi32, #tpu.memory_space<hbm>> -> memref<200x128xi32, #tpu.memory_space<hbm>>
      tpu.wait_dma2 semaphore(%run_scoped3A : memref<!tpu.dma_semaphore, #tpu.memory_space<semaphore_mem>>) src(%dma_wait3A_355 : memref<200x128xi32, #tpu.memory_space<hbm>>) dst(%arg5 : memref<200x128xi32, #tpu.memory_space<vmem>>)
      tpu.yield
    }) : () -> ()
    %iota3A = tpu.iota {dimensions = array<i32: 0>} : vector<16xi32>
    %add3A_3 = arith.constant 0 : i32
    %add3A_4 = vector.broadcast %add3A_3 : i32 to vector<16xi32>
    %add3A_5 = arith.addi %iota3A, %add3A_4 : vector<16xi32>
    %add3A_6 = arith.constant 16 : i32
    %add3A_7 = vector.broadcast %add3A_6 : i32 to vector<16xi32>
    %add3A_8 = arith.addi %iota3A, %add3A_7 : vector<16xi32>
    %add3A_9 = arith.constant 32 : i32
    %add3A_10 = vector.broadcast %add3A_9 : i32 to vector<16xi32>
    %add3A_11 = arith.addi %iota3A, %add3A_10 : vector<16xi32>
    %add3A_12 = arith.constant 48 : i32
    %add3A_13 = vector.broadcast %add3A_12 : i32 to vector<16xi32>
    %add3A_14 = arith.addi %iota3A, %add3A_13 : vector<16xi32>
    %add3A_15 = arith.constant 64 : i32
    %add3A_16 = vector.broadcast %add3A_15 : i32 to vector<16xi32>
    %add3A_17 = arith.addi %iota3A, %add3A_16 : vector<16xi32>
    %add3A_18 = arith.constant 80 : i32
    %add3A_19 = vector.broadcast %add3A_18 : i32 to vector<16xi32>
    %add3A_20 = arith.addi %iota3A, %add3A_19 : vector<16xi32>
    %add3A_21 = arith.constant 96 : i32
    %add3A_22 = vector.broadcast %add3A_21 : i32 to vector<16xi32>
    %add3A_23 = arith.addi %iota3A, %add3A_22 : vector<16xi32>
    %add3A_24 = arith.constant 112 : i32
    %add3A_25 = vector.broadcast %add3A_24 : i32 to vector<16xi32>
    %add3A_26 = arith.addi %iota3A, %add3A_25 : vector<16xi32>
    %dma_start3A = arith.constant 0 : i32
    %dma_start3A_27 = arith.constant 0 : i32
    %dma_start3A_28 = arith.constant 0 : i32
    %dma_start3A_29 = arith.constant 0 : i32
    %dma_start3A_30 = arith.constant 0 : i32
    %dma_start3A_31 = tpu.memref_slice %arg6[%dma_start3A_27, %dma_start3A_29, %dma_start3A_30] : memref<2x128x64xf32, #tpu.memory_space<vmem>> -> memref<1x128x64xf32, #tpu.memory_space<vmem>>
    %dma_start3A_32 = tpu.memref_squeeze %dma_start3A_31 : memref<1x128x64xf32, #tpu.memory_space<vmem>> -> memref<128x64xf32, #tpu.memory_space<vmem>>
    %dma_start3A_33 = arith.constant 0 : i32
    %dma_start3A_34 = tpu.memref_slice %arg5[%dma_start3A, %dma_start3A_33] : memref<200x128xi32, #tpu.memory_space<vmem>> -> memref<1x128xi32, #tpu.memory_space<vmem>>
    %dma_start3A_35 = tpu.memref_squeeze %dma_start3A_34 : memref<1x128xi32, #tpu.memory_space<vmem>> -> memref<128xi32, #tpu.memory_space<vmem>>
    %dma_start3A_36 = arith.constant 0 : i32
    %dma_start3A_37 = arith.constant 0 : i32
    %dma_start3A_38 = tpu.memref_slice %arg2[%dma_start3A_36, %dma_start3A_37] : memref<100000x64xf32, #tpu.memory_space<hbm>> -> memref<100000x64xf32, #tpu.memory_space<hbm>>
    %dma_start3A_39 = tpu.memref_slice %arg8[%dma_start3A_28] : memref<2x!tpu.dma_semaphore, #tpu.memory_space<semaphore_mem>> -> memref<1x!tpu.dma_semaphore, #tpu.memory_space<semaphore_mem>>
    %dma_start3A_40 = tpu.memref_squeeze %dma_start3A_39 : memref<1x!tpu.dma_semaphore, #tpu.memory_space<semaphore_mem>> -> memref<!tpu.dma_semaphore, #tpu.memory_space<semaphore_mem>>
    tpu.enqueue_indirect_dma source(%dma_start3A_38 : memref<100000x64xf32, #tpu.memory_space<hbm>>) target(%dma_start3A_32 : memref<128x64xf32, #tpu.memory_space<vmem>>) offsets(%dma_start3A_35 : memref<128xi32, #tpu.memory_space<vmem>>) semaphore(%dma_start3A_40 : memref<!tpu.dma_semaphore, #tpu.memory_space<semaphore_mem>>)
    %dma_start3A_41 = arith.constant 1 : i32
    %dma_start3A_42 = arith.constant 1 : i32
    %dma_start3A_43 = arith.constant 1 : i32
    %dma_start3A_44 = arith.constant 0 : i32
    %dma_start3A_45 = arith.constant 0 : i32
    %dma_start3A_46 = tpu.memref_slice %arg6[%dma_start3A_42, %dma_start3A_44, %dma_start3A_45] : memref<2x128x64xf32, #tpu.memory_space<vmem>> -> memref<1x128x64xf32, #tpu.memory_space<vmem>>
    %dma_start3A_47 = tpu.memref_squeeze %dma_start3A_46 : memref<1x128x64xf32, #tpu.memory_space<vmem>> -> memref<128x64xf32, #tpu.memory_space<vmem>>
    %dma_start3A_48 = arith.constant 0 : i32
    %dma_start3A_49 = tpu.memref_slice %arg5[%dma_start3A_41, %dma_start3A_48] : memref<200x128xi32, #tpu.memory_space<vmem>> -> memref<1x128xi32, #tpu.memory_space<vmem>>
    %dma_start3A_50 = tpu.memref_squeeze %dma_start3A_49 : memref<1x128xi32, #tpu.memory_space<vmem>> -> memref<128xi32, #tpu.memory_space<vmem>>
    %dma_start3A_51 = arith.constant 0 : i32
    %dma_start3A_52 = arith.constant 0 : i32
    %dma_start3A_53 = tpu.memref_slice %arg2[%dma_start3A_51, %dma_start3A_52] : memref<100000x64xf32, #tpu.memory_space<hbm>> -> memref<100000x64xf32, #tpu.memory_space<hbm>>
    %dma_start3A_54 = tpu.memref_slice %arg8[%dma_start3A_43] : memref<2x!tpu.dma_semaphore, #tpu.memory_space<semaphore_mem>> -> memref<1x!tpu.dma_semaphore, #tpu.memory_space<semaphore_mem>>
    %dma_start3A_55 = tpu.memref_squeeze %dma_start3A_54 : memref<1x!tpu.dma_semaphore, #tpu.memory_space<semaphore_mem>> -> memref<!tpu.dma_semaphore, #tpu.memory_space<semaphore_mem>>
    tpu.enqueue_indirect_dma source(%dma_start3A_53 : memref<100000x64xf32, #tpu.memory_space<hbm>>) target(%dma_start3A_47 : memref<128x64xf32, #tpu.memory_space<vmem>>) offsets(%dma_start3A_50 : memref<128xi32, #tpu.memory_space<vmem>>) semaphore(%dma_start3A_55 : memref<!tpu.dma_semaphore, #tpu.memory_space<semaphore_mem>>)
    %scan3A = arith.constant 0 : i32
    %scan3A_56 = arith.constant 0 : i32
    %scan3A_57 = arith.constant 100 : i32
    %scan3A_58 = arith.addi %scan3A_56, %scan3A_57 : i32
    %scan3A_59 = arith.constant 1 : i32
    scf.for %scan3A_348 = %scan3A_56 to %scan3A_58 step %scan3A_59  : i32 {
      %mul3A_349 = arith.constant 2 : i32
      %mul3A_350 = arith.muli %scan3A_348, %mul3A_349 : i32
      %add3A_351 = arith.constant 0 : i32
      %add3A_352 = arith.addi %mul3A_350, %add3A_351 : i32
      %dma_wait3A_353 = arith.constant 0 : i32
      %dma_wait3A_354 = arith.constant 0 : i32
      %dma_wait3A_355 = arith.constant 0 : i32
      %dma_wait3A_356 = arith.constant 0 : i32
      %dma_wait3A_357 = tpu.memref_slice %arg6[%dma_wait3A_353, %dma_wait3A_355, %dma_wait3A_356] : memref<2x128x64xf32, #tpu.memory_space<vmem>> -> memref<1x128x64xf32, #tpu.memory_space<vmem>>
      %dma_wait3A_358 = tpu.memref_squeeze %dma_wait3A_357 : memref<1x128x64xf32, #tpu.memory_space<vmem>> -> memref<128x64xf32, #tpu.memory_space<vmem>>
      %dma_wait3A_359 = arith.constant 0 : i32
      %dma_wait3A_360 = tpu.memref_slice %arg5[%add3A_352, %dma_wait3A_359] : memref<200x128xi32, #tpu.memory_space<vmem>> -> memref<1x128xi32, #tpu.memory_space<vmem>>
      %dma_wait3A_361 = tpu.memref_squeeze %dma_wait3A_360 : memref<1x128xi32, #tpu.memory_space<vmem>> -> memref<128xi32, #tpu.memory_space<vmem>>
      %dma_wait3A_362 = arith.constant 0 : i32
      %dma_wait3A_363 = arith.constant 0 : i32
      %dma_wait3A_364 = tpu.memref_slice %arg2[%dma_wait3A_362, %dma_wait3A_363] : memref<100000x64xf32, #tpu.memory_space<hbm>> -> memref<100000x64xf32, #tpu.memory_space<hbm>>
      %dma_wait3A_365 = tpu.memref_slice %arg8[%dma_wait3A_354] : memref<2x!tpu.dma_semaphore, #tpu.memory_space<semaphore_mem>> -> memref<1x!tpu.dma_semaphore, #tpu.memory_space<semaphore_mem>>
      %dma_wait3A_366 = tpu.memref_squeeze %dma_wait3A_365 : memref<1x!tpu.dma_semaphore, #tpu.memory_space<semaphore_mem>> -> memref<!tpu.dma_semaphore, #tpu.memory_space<semaphore_mem>>
      tpu.wait_indirect_dma semaphore(%dma_wait3A_366 : memref<!tpu.dma_semaphore, #tpu.memory_space<semaphore_mem>>) src(%dma_wait3A_364 : memref<100000x64xf32, #tpu.memory_space<hbm>>) dst(%dma_wait3A_358 : memref<128x64xf32, #tpu.memory_space<vmem>>)
      %ge3A = arith.constant 2 : i32
      %ge3A_367 = arith.cmpi sge, %add3A_352, %ge3A : i32
      %convert_element_type3A = arith.extui %ge3A_367 : i1 to i32
      %cond3A = arith.constant 0 : i32
      %cond3A_368 = arith.cmpi ne, %convert_element_type3A, %cond3A : i32
      scf.if %cond3A_368 {
        %sub3A = arith.constant 2 : i32
        %sub3A_680 = arith.subi %add3A_352, %sub3A : i32
        %dma_wait3A_681 = arith.constant 0 : i32
        %dma_wait3A_682 = arith.constant 0 : i32
        %dma_wait3A_683 = arith.constant 0 : i32
        %dma_wait3A_684 = arith.constant 0 : i32
        %dma_wait3A_685 = tpu.memref_slice %arg7[%dma_wait3A_681, %dma_wait3A_684] : memref<2x8192xf32, #tpu.memory_space<vmem>> -> memref<1x1024xf32, #tpu.memory_space<vmem>>
        %dma_wait3A_686 = tpu.memref_squeeze %dma_wait3A_685 : memref<1x1024xf32, #tpu.memory_space<vmem>> -> memref<1024xf32, #tpu.memory_space<vmem>>
        %dma_wait3A_687 = arith.constant 0 : i32
        %dma_wait3A_688 = tpu.memref_slice %arg4[%sub3A_680, %dma_wait3A_682, %add3A, %dma_wait3A_687] : memref<200x8x32x1024xf32, #tpu.memory_space<hbm>> -> memref<1x1x1x1024xf32, #tpu.memory_space<hbm>>
        %dma_wait3A_689 = tpu.memref_squeeze %dma_wait3A_688 : memref<1x1x1x1024xf32, #tpu.memory_space<hbm>> -> memref<1024xf32, #tpu.memory_space<hbm>>
        %dma_wait3A_690 = tpu.memref_slice %arg9[%dma_wait3A_683] : memref<2x!tpu.dma_semaphore, #tpu.memory_space<semaphore_mem>> -> memref<1x!tpu.dma_semaphore, #tpu.memory_space<semaphore_mem>>
        %dma_wait3A_691 = tpu.memref_squeeze %dma_wait3A_690 : memref<1x!tpu.dma_semaphore, #tpu.memory_space<semaphore_mem>> -> memref<!tpu.dma_semaphore, #tpu.memory_space<semaphore_mem>>
        %dma_wait3A_692 = arith.constant 0 : i32
        %dma_wait3A_693 = tpu.memref_slice %arg4[%sub3A_680, %dma_wait3A_682, %add3A, %dma_wait3A_692] : memref<200x8x32x1024xf32, #tpu.memory_space<hbm>> -> memref<1x1x1x1024xf32, #tpu.memory_space<hbm>>
        %dma_wait3A_694 = tpu.memref_squeeze %dma_wait3A_693 : memref<1x1x1x1024xf32, #tpu.memory_space<hbm>> -> memref<1024xf32, #tpu.memory_space<hbm>>
        %dma_wait3A_695 = arith.constant 0 : i32
        %dma_wait3A_696 = tpu.memref_slice %arg7[%dma_wait3A_681, %dma_wait3A_695] : memref<2x8192xf32, #tpu.memory_space<vmem>> -> memref<1x1024xf32, #tpu.memory_space<vmem>>
        %dma_wait3A_697 = tpu.memref_squeeze %dma_wait3A_696 : memref<1x1024xf32, #tpu.memory_space<vmem>> -> memref<1024xf32, #tpu.memory_space<vmem>>
        tpu.wait_dma2 semaphore(%dma_wait3A_691 : memref<!tpu.dma_semaphore, #tpu.memory_space<semaphore_mem>>) src(%dma_wait3A_697 : memref<1024xf32, #tpu.memory_space<vmem>>) dst(%dma_wait3A_694 : memref<1024xf32, #tpu.memory_space<hbm>>)
        %dma_wait3A_698 = arith.constant 0 : i32
        %dma_wait3A_699 = arith.constant 1 : i32
        %dma_wait3A_700 = arith.constant 0 : i32
        %dma_wait3A_701 = arith.constant 1024 : i32
        %dma_wait3A_702 = tpu.memref_slice %arg7[%dma_wait3A_698, %dma_wait3A_701] : memref<2x8192xf32, #tpu.memory_space<vmem>> -> memref<1x1024xf32, #tpu.memory_space<vmem>>
        %dma_wait3A_703 = tpu.memref_squeeze %dma_wait3A_702 : memref<1x1024xf32, #tpu.memory_space<vmem>> -> memref<1024xf32, #tpu.memory_space<vmem>>
        %dma_wait3A_704 = arith.constant 0 : i32
        %dma_wait3A_705 = tpu.memref_slice %arg4[%sub3A_680, %dma_wait3A_699, %add3A, %dma_wait3A_704] : memref<200x8x32x1024xf32, #tpu.memory_space<hbm>> -> memref<1x1x1x1024xf32, #tpu.memory_space<hbm>>
        %dma_wait3A_706 = tpu.memref_squeeze %dma_wait3A_705 : memref<1x1x1x1024xf32, #tpu.memory_space<hbm>> -> memref<1024xf32, #tpu.memory_space<hbm>>
        %dma_wait3A_707 = tpu.memref_slice %arg9[%dma_wait3A_700] : memref<2x!tpu.dma_semaphore, #tpu.memory_space<semaphore_mem>> -> memref<1x!tpu.dma_semaphore, #tpu.memory_space<semaphore_mem>>
        %dma_wait3A_708 = tpu.memref_squeeze %dma_wait3A_707 : memref<1x!tpu.dma_semaphore, #tpu.memory_space<semaphore_mem>> -> memref<!tpu.dma_semaphore, #tpu.memory_space<semaphore_mem>>
        %dma_wait3A_709 = arith.constant 0 : i32
        %dma_wait3A_710 = tpu.memref_slice %arg4[%sub3A_680, %dma_wait3A_699, %add3A, %dma_wait3A_709] : memref<200x8x32x1024xf32, #tpu.memory_space<hbm>> -> memref<1x1x1x1024xf32, #tpu.memory_space<hbm>>
        %dma_wait3A_711 = tpu.memref_squeeze %dma_wait3A_710 : memref<1x1x1x1024xf32, #tpu.memory_space<hbm>> -> memref<1024xf32, #tpu.memory_space<hbm>>
        %dma_wait3A_712 = arith.constant 1024 : i32
        %dma_wait3A_713 = tpu.memref_slice %arg7[%dma_wait3A_698, %dma_wait3A_712] : memref<2x8192xf32, #tpu.memory_space<vmem>> -> memref<1x1024xf32, #tpu.memory_space<vmem>>
        %dma_wait3A_714 = tpu.memref_squeeze %dma_wait3A_713 : memref<1x1024xf32, #tpu.memory_space<vmem>> -> memref<1024xf32, #tpu.memory_space<vmem>>
        tpu.wait_dma2 semaphore(%dma_wait3A_708 : memref<!tpu.dma_semaphore, #tpu.memory_space<semaphore_mem>>) src(%dma_wait3A_714 : memref<1024xf32, #tpu.memory_space<vmem>>) dst(%dma_wait3A_711 : memref<1024xf32, #tpu.memory_space<hbm>>)
        %dma_wait3A_715 = arith.constant 0 : i32
        %dma_wait3A_716 = arith.constant 2 : i32
        %dma_wait3A_717 = arith.constant 0 : i32
        %dma_wait3A_718 = arith.constant 2048 : i32
        %dma_wait3A_719 = tpu.memref_slice %arg7[%dma_wait3A_715, %dma_wait3A_718] : memref<2x8192xf32, #tpu.memory_space<vmem>> -> memref<1x1024xf32, #tpu.memory_space<vmem>>
        %dma_wait3A_720 = tpu.memref_squeeze %dma_wait3A_719 : memref<1x1024xf32, #tpu.memory_space<vmem>> -> memref<1024xf32, #tpu.memory_space<vmem>>
        %dma_wait3A_721 = arith.constant 0 : i32
        %dma_wait3A_722 = tpu.memref_slice %arg4[%sub3A_680, %dma_wait3A_716, %add3A, %dma_wait3A_721] : memref<200x8x32x1024xf32, #tpu.memory_space<hbm>> -> memref<1x1x1x1024xf32, #tpu.memory_space<hbm>>
        %dma_wait3A_723 = tpu.memref_squeeze %dma_wait3A_722 : memref<1x1x1x1024xf32, #tpu.memory_space<hbm>> -> memref<1024xf32, #tpu.memory_space<hbm>>
        %dma_wait3A_724 = tpu.memref_slice %arg9[%dma_wait3A_717] : memref<2x!tpu.dma_semaphore, #tpu.memory_space<semaphore_mem>> -> memref<1x!tpu.dma_semaphore, #tpu.memory_space<semaphore_mem>>
        %dma_wait3A_725 = tpu.memref_squeeze %dma_wait3A_724 : memref<1x!tpu.dma_semaphore, #tpu.memory_space<semaphore_mem>> -> memref<!tpu.dma_semaphore, #tpu.memory_space<semaphore_mem>>
        %dma_wait3A_726 = arith.constant 0 : i32
        %dma_wait3A_727 = tpu.memref_slice %arg4[%sub3A_680, %dma_wait3A_716, %add3A, %dma_wait3A_726] : memref<200x8x32x1024xf32, #tpu.memory_space<hbm>> -> memref<1x1x1x1024xf32, #tpu.memory_space<hbm>>
        %dma_wait3A_728 = tpu.memref_squeeze %dma_wait3A_727 : memref<1x1x1x1024xf32, #tpu.memory_space<hbm>> -> memref<1024xf32, #tpu.memory_space<hbm>>
        %dma_wait3A_729 = arith.constant 2048 : i32
        %dma_wait3A_730 = tpu.memref_slice %arg7[%dma_wait3A_715, %dma_wait3A_729] : memref<2x8192xf32, #tpu.memory_space<vmem>> -> memref<1x1024xf32, #tpu.memory_space<vmem>>
        %dma_wait3A_731 = tpu.memref_squeeze %dma_wait3A_730 : memref<1x1024xf32, #tpu.memory_space<vmem>> -> memref<1024xf32, #tpu.memory_space<vmem>>
        tpu.wait_dma2 semaphore(%dma_wait3A_725 : memref<!tpu.dma_semaphore, #tpu.memory_space<semaphore_mem>>) src(%dma_wait3A_731 : memref<1024xf32, #tpu.memory_space<vmem>>) dst(%dma_wait3A_728 : memref<1024xf32, #tpu.memory_space<hbm>>)
        %dma_wait3A_732 = arith.constant 0 : i32
        %dma_wait3A_733 = arith.constant 3 : i32
        %dma_wait3A_734 = arith.constant 0 : i32
        %dma_wait3A_735 = arith.constant 3072 : i32
        %dma_wait3A_736 = tpu.memref_slice %arg7[%dma_wait3A_732, %dma_wait3A_735] : memref<2x8192xf32, #tpu.memory_space<vmem>> -> memref<1x1024xf32, #tpu.memory_space<vmem>>
        %dma_wait3A_737 = tpu.memref_squeeze %dma_wait3A_736 : memref<1x1024xf32, #tpu.memory_space<vmem>> -> memref<1024xf32, #tpu.memory_space<vmem>>
        %dma_wait3A_738 = arith.constant 0 : i32
        %dma_wait3A_739 = tpu.memref_slice %arg4[%sub3A_680, %dma_wait3A_733, %add3A, %dma_wait3A_738] : memref<200x8x32x1024xf32, #tpu.memory_space<hbm>> -> memref<1x1x1x1024xf32, #tpu.memory_space<hbm>>
        %dma_wait3A_740 = tpu.memref_squeeze %dma_wait3A_739 : memref<1x1x1x1024xf32, #tpu.memory_space<hbm>> -> memref<1024xf32, #tpu.memory_space<hbm>>
        %dma_wait3A_741 = tpu.memref_slice %arg9[%dma_wait3A_734] : memref<2x!tpu.dma_semaphore, #tpu.memory_space<semaphore_mem>> -> memref<1x!tpu.dma_semaphore, #tpu.memory_space<semaphore_mem>>
        %dma_wait3A_742 = tpu.memref_squeeze %dma_wait3A_741 : memref<1x!tpu.dma_semaphore, #tpu.memory_space<semaphore_mem>> -> memref<!tpu.dma_semaphore, #tpu.memory_space<semaphore_mem>>
        %dma_wait3A_743 = arith.constant 0 : i32
        %dma_wait3A_744 = tpu.memref_slice %arg4[%sub3A_680, %dma_wait3A_733, %add3A, %dma_wait3A_743] : memref<200x8x32x1024xf32, #tpu.memory_space<hbm>> -> memref<1x1x1x1024xf32, #tpu.memory_space<hbm>>
        %dma_wait3A_745 = tpu.memref_squeeze %dma_wait3A_744 : memref<1x1x1x1024xf32, #tpu.memory_space<hbm>> -> memref<1024xf32, #tpu.memory_space<hbm>>
        %dma_wait3A_746 = arith.constant 3072 : i32
        %dma_wait3A_747 = tpu.memref_slice %arg7[%dma_wait3A_732, %dma_wait3A_746] : memref<2x8192xf32, #tpu.memory_space<vmem>> -> memref<1x1024xf32, #tpu.memory_space<vmem>>
        %dma_wait3A_748 = tpu.memref_squeeze %dma_wait3A_747 : memref<1x1024xf32, #tpu.memory_space<vmem>> -> memref<1024xf32, #tpu.memory_space<vmem>>
        tpu.wait_dma2 semaphore(%dma_wait3A_742 : memref<!tpu.dma_semaphore, #tpu.memory_space<semaphore_mem>>) src(%dma_wait3A_748 : memref<1024xf32, #tpu.memory_space<vmem>>) dst(%dma_wait3A_745 : memref<1024xf32, #tpu.memory_space<hbm>>)
        %dma_wait3A_749 = arith.constant 0 : i32
        %dma_wait3A_750 = arith.constant 4 : i32
        %dma_wait3A_751 = arith.constant 0 : i32
        %dma_wait3A_752 = arith.constant 4096 : i32
        %dma_wait3A_753 = tpu.memref_slice %arg7[%dma_wait3A_749, %dma_wait3A_752] : memref<2x8192xf32, #tpu.memory_space<vmem>> -> memref<1x1024xf32, #tpu.memory_space<vmem>>
        %dma_wait3A_754 = tpu.memref_squeeze %dma_wait3A_753 : memref<1x1024xf32, #tpu.memory_space<vmem>> -> memref<1024xf32, #tpu.memory_space<vmem>>
        %dma_wait3A_755 = arith.constant 0 : i32
        %dma_wait3A_756 = tpu.memref_slice %arg4[%sub3A_680, %dma_wait3A_750, %add3A, %dma_wait3A_755] : memref<200x8x32x1024xf32, #tpu.memory_space<hbm>> -> memref<1x1x1x1024xf32, #tpu.memory_space<hbm>>
        %dma_wait3A_757 = tpu.memref_squeeze %dma_wait3A_756 : memref<1x1x1x1024xf32, #tpu.memory_space<hbm>> -> memref<1024xf32, #tpu.memory_space<hbm>>
        %dma_wait3A_758 = tpu.memref_slice %arg9[%dma_wait3A_751] : memref<2x!tpu.dma_semaphore, #tpu.memory_space<semaphore_mem>> -> memref<1x!tpu.dma_semaphore, #tpu.memory_space<semaphore_mem>>
        %dma_wait3A_759 = tpu.memref_squeeze %dma_wait3A_758 : memref<1x!tpu.dma_semaphore, #tpu.memory_space<semaphore_mem>> -> memref<!tpu.dma_semaphore, #tpu.memory_space<semaphore_mem>>
        %dma_wait3A_760 = arith.constant 0 : i32
        %dma_wait3A_761 = tpu.memref_slice %arg4[%sub3A_680, %dma_wait3A_750, %add3A, %dma_wait3A_760] : memref<200x8x32x1024xf32, #tpu.memory_space<hbm>> -> memref<1x1x1x1024xf32, #tpu.memory_space<hbm>>
        %dma_wait3A_762 = tpu.memref_squeeze %dma_wait3A_761 : memref<1x1x1x1024xf32, #tpu.memory_space<hbm>> -> memref<1024xf32, #tpu.memory_space<hbm>>
        %dma_wait3A_763 = arith.constant 4096 : i32
        %dma_wait3A_764 = tpu.memref_slice %arg7[%dma_wait3A_749, %dma_wait3A_763] : memref<2x8192xf32, #tpu.memory_space<vmem>> -> memref<1x1024xf32, #tpu.memory_space<vmem>>
        %dma_wait3A_765 = tpu.memref_squeeze %dma_wait3A_764 : memref<1x1024xf32, #tpu.memory_space<vmem>> -> memref<1024xf32, #tpu.memory_space<vmem>>
        tpu.wait_dma2 semaphore(%dma_wait3A_759 : memref<!tpu.dma_semaphore, #tpu.memory_space<semaphore_mem>>) src(%dma_wait3A_765 : memref<1024xf32, #tpu.memory_space<vmem>>) dst(%dma_wait3A_762 : memref<1024xf32, #tpu.memory_space<hbm>>)
        %dma_wait3A_766 = arith.constant 0 : i32
        %dma_wait3A_767 = arith.constant 5 : i32
        %dma_wait3A_768 = arith.constant 0 : i32
        %dma_wait3A_769 = arith.constant 5120 : i32
        %dma_wait3A_770 = tpu.memref_slice %arg7[%dma_wait3A_766, %dma_wait3A_769] : memref<2x8192xf32, #tpu.memory_space<vmem>> -> memref<1x1024xf32, #tpu.memory_space<vmem>>
        %dma_wait3A_771 = tpu.memref_squeeze %dma_wait3A_770 : memref<1x1024xf32, #tpu.memory_space<vmem>> -> memref<1024xf32, #tpu.memory_space<vmem>>
        %dma_wait3A_772 = arith.constant 0 : i32
        %dma_wait3A_773 = tpu.memref_slice %arg4[%sub3A_680, %dma_wait3A_767, %add3A, %dma_wait3A_772] : memref<200x8x32x1024xf32, #tpu.memory_space<hbm>> -> memref<1x1x1x1024xf32, #tpu.memory_space<hbm>>
        %dma_wait3A_774 = tpu.memref_squeeze %dma_wait3A_773 : memref<1x1x1x1024xf32, #tpu.memory_space<hbm>> -> memref<1024xf32, #tpu.memory_space<hbm>>
        %dma_wait3A_775 = tpu.memref_slice %arg9[%dma_wait3A_768] : memref<2x!tpu.dma_semaphore, #tpu.memory_space<semaphore_mem>> -> memref<1x!tpu.dma_semaphore, #tpu.memory_space<semaphore_mem>>
        %dma_wait3A_776 = tpu.memref_squeeze %dma_wait3A_775 : memref<1x!tpu.dma_semaphore, #tpu.memory_space<semaphore_mem>> -> memref<!tpu.dma_semaphore, #tpu.memory_space<semaphore_mem>>
        %dma_wait3A_777 = arith.constant 0 : i32
        %dma_wait3A_778 = tpu.memref_slice %arg4[%sub3A_680, %dma_wait3A_767, %add3A, %dma_wait3A_777] : memref<200x8x32x1024xf32, #tpu.memory_space<hbm>> -> memref<1x1x1x1024xf32, #tpu.memory_space<hbm>>
        %dma_wait3A_779 = tpu.memref_squeeze %dma_wait3A_778 : memref<1x1x1x1024xf32, #tpu.memory_space<hbm>> -> memref<1024xf32, #tpu.memory_space<hbm>>
        %dma_wait3A_780 = arith.constant 5120 : i32
        %dma_wait3A_781 = tpu.memref_slice %arg7[%dma_wait3A_766, %dma_wait3A_780] : memref<2x8192xf32, #tpu.memory_space<vmem>> -> memref<1x1024xf32, #tpu.memory_space<vmem>>
        %dma_wait3A_782 = tpu.memref_squeeze %dma_wait3A_781 : memref<1x1024xf32, #tpu.memory_space<vmem>> -> memref<1024xf32, #tpu.memory_space<vmem>>
        tpu.wait_dma2 semaphore(%dma_wait3A_776 : memref<!tpu.dma_semaphore, #tpu.memory_space<semaphore_mem>>) src(%dma_wait3A_782 : memref<1024xf32, #tpu.memory_space<vmem>>) dst(%dma_wait3A_779 : memref<1024xf32, #tpu.memory_space<hbm>>)
        %dma_wait3A_783 = arith.constant 0 : i32
        %dma_wait3A_784 = arith.constant 6 : i32
        %dma_wait3A_785 = arith.constant 0 : i32
        %dma_wait3A_786 = arith.constant 6144 : i32
        %dma_wait3A_787 = tpu.memref_slice %arg7[%dma_wait3A_783, %dma_wait3A_786] : memref<2x8192xf32, #tpu.memory_space<vmem>> -> memref<1x1024xf32, #tpu.memory_space<vmem>>
        %dma_wait3A_788 = tpu.memref_squeeze %dma_wait3A_787 : memref<1x1024xf32, #tpu.memory_space<vmem>> -> memref<1024xf32, #tpu.memory_space<vmem>>
        %dma_wait3A_789 = arith.constant 0 : i32
        %dma_wait3A_790 = tpu.memref_slice %arg4[%sub3A_680, %dma_wait3A_784, %add3A, %dma_wait3A_789] : memref<200x8x32x1024xf32, #tpu.memory_space<hbm>> -> memref<1x1x1x1024xf32, #tpu.memory_space<hbm>>
        %dma_wait3A_791 = tpu.memref_squeeze %dma_wait3A_790 : memref<1x1x1x1024xf32, #tpu.memory_space<hbm>> -> memref<1024xf32, #tpu.memory_space<hbm>>
        %dma_wait3A_792 = tpu.memref_slice %arg9[%dma_wait3A_785] : memref<2x!tpu.dma_semaphore, #tpu.memory_space<semaphore_mem>> -> memref<1x!tpu.dma_semaphore, #tpu.memory_space<semaphore_mem>>
        %dma_wait3A_793 = tpu.memref_squeeze %dma_wait3A_792 : memref<1x!tpu.dma_semaphore, #tpu.memory_space<semaphore_mem>> -> memref<!tpu.dma_semaphore, #tpu.memory_space<semaphore_mem>>
        %dma_wait3A_794 = arith.constant 0 : i32
        %dma_wait3A_795 = tpu.memref_slice %arg4[%sub3A_680, %dma_wait3A_784, %add3A, %dma_wait3A_794] : memref<200x8x32x1024xf32, #tpu.memory_space<hbm>> -> memref<1x1x1x1024xf32, #tpu.memory_space<hbm>>
        %dma_wait3A_796 = tpu.memref_squeeze %dma_wait3A_795 : memref<1x1x1x1024xf32, #tpu.memory_space<hbm>> -> memref<1024xf32, #tpu.memory_space<hbm>>
        %dma_wait3A_797 = arith.constant 6144 : i32
        %dma_wait3A_798 = tpu.memref_slice %arg7[%dma_wait3A_783, %dma_wait3A_797] : memref<2x8192xf32, #tpu.memory_space<vmem>> -> memref<1x1024xf32, #tpu.memory_space<vmem>>
        %dma_wait3A_799 = tpu.memref_squeeze %dma_wait3A_798 : memref<1x1024xf32, #tpu.memory_space<vmem>> -> memref<1024xf32, #tpu.memory_space<vmem>>
        tpu.wait_dma2 semaphore(%dma_wait3A_793 : memref<!tpu.dma_semaphore, #tpu.memory_space<semaphore_mem>>) src(%dma_wait3A_799 : memref<1024xf32, #tpu.memory_space<vmem>>) dst(%dma_wait3A_796 : memref<1024xf32, #tpu.memory_space<hbm>>)
        %dma_wait3A_800 = arith.constant 0 : i32
        %dma_wait3A_801 = arith.constant 7 : i32
        %dma_wait3A_802 = arith.constant 0 : i32
        %dma_wait3A_803 = arith.constant 7168 : i32
        %dma_wait3A_804 = tpu.memref_slice %arg7[%dma_wait3A_800, %dma_wait3A_803] : memref<2x8192xf32, #tpu.memory_space<vmem>> -> memref<1x1024xf32, #tpu.memory_space<vmem>>
        %dma_wait3A_805 = tpu.memref_squeeze %dma_wait3A_804 : memref<1x1024xf32, #tpu.memory_space<vmem>> -> memref<1024xf32, #tpu.memory_space<vmem>>
        %dma_wait3A_806 = arith.constant 0 : i32
        %dma_wait3A_807 = tpu.memref_slice %arg4[%sub3A_680, %dma_wait3A_801, %add3A, %dma_wait3A_806] : memref<200x8x32x1024xf32, #tpu.memory_space<hbm>> -> memref<1x1x1x1024xf32, #tpu.memory_space<hbm>>
        %dma_wait3A_808 = tpu.memref_squeeze %dma_wait3A_807 : memref<1x1x1x1024xf32, #tpu.memory_space<hbm>> -> memref<1024xf32, #tpu.memory_space<hbm>>
        %dma_wait3A_809 = tpu.memref_slice %arg9[%dma_wait3A_802] : memref<2x!tpu.dma_semaphore, #tpu.memory_space<semaphore_mem>> -> memref<1x!tpu.dma_semaphore, #tpu.memory_space<semaphore_mem>>
        %dma_wait3A_810 = tpu.memref_squeeze %dma_wait3A_809 : memref<1x!tpu.dma_semaphore, #tpu.memory_space<semaphore_mem>> -> memref<!tpu.dma_semaphore, #tpu.memory_space<semaphore_mem>>
        %dma_wait3A_811 = arith.constant 0 : i32
        %dma_wait3A_812 = tpu.memref_slice %arg4[%sub3A_680, %dma_wait3A_801, %add3A, %dma_wait3A_811] : memref<200x8x32x1024xf32, #tpu.memory_space<hbm>> -> memref<1x1x1x1024xf32, #tpu.memory_space<hbm>>
        %dma_wait3A_813 = tpu.memref_squeeze %dma_wait3A_812 : memref<1x1x1x1024xf32, #tpu.memory_space<hbm>> -> memref<1024xf32, #tpu.memory_space<hbm>>
        %dma_wait3A_814 = arith.constant 7168 : i32
        %dma_wait3A_815 = tpu.memref_slice %arg7[%dma_wait3A_800, %dma_wait3A_814] : memref<2x8192xf32, #tpu.memory_space<vmem>> -> memref<1x1024xf32, #tpu.memory_space<vmem>>
        %dma_wait3A_816 = tpu.memref_squeeze %dma_wait3A_815 : memref<1x1024xf32, #tpu.memory_space<vmem>> -> memref<1024xf32, #tpu.memory_space<vmem>>
        tpu.wait_dma2 semaphore(%dma_wait3A_810 : memref<!tpu.dma_semaphore, #tpu.memory_space<semaphore_mem>>) src(%dma_wait3A_816 : memref<1024xf32, #tpu.memory_space<vmem>>) dst(%dma_wait3A_813 : memref<1024xf32, #tpu.memory_space<hbm>>)
      } else {
      }
      %parallel_loop3A = arith.constant 0 : i32
      %parallel_loop3A_369 = arith.constant 64 : i32
      %parallel_loop3A_370 = arith.constant 1 : i32
      scf.for %parallel_loop3A_680 = %parallel_loop3A to %parallel_loop3A_369 step %parallel_loop3A_370  : i32 {
        %parallel_loop3A_681 = vector.broadcast %parallel_loop3A_680 : i32 to vector<16xi32>
        %parallel_loop3A_682 = arith.addi %iota3A, %parallel_loop3A_681 : vector<16xi32>
        %parallel_loop3A_683 = arith.constant 63 : i32
        %parallel_loop3A_684 = vector.broadcast %parallel_loop3A_683 : i32 to vector<16xi32>
        %parallel_loop3A_685 = arith.andi %parallel_loop3A_682, %parallel_loop3A_684 : vector<16xi32>
        %parallel_loop3A_686 = arith.constant 7 : i32
        %parallel_loop3A_687 = vector.broadcast %parallel_loop3A_686 : i32 to vector<16xi32>
        %parallel_loop3A_688 = arith.shli %parallel_loop3A_685, %parallel_loop3A_687 : vector<16xi32>
        %parallel_loop3A_689 = arith.constant 0 : i32
        %parallel_loop3A_690 = arith.constant 0 : i32
        %parallel_loop3A_691 = arith.constant 0 : i32
        %parallel_loop3A_692 = tpu.memref_slice %arg6[%parallel_loop3A_689, %parallel_loop3A_690, %parallel_loop3A_691] : memref<2x128x64xf32, #tpu.memory_space<vmem>> -> memref<1x128x64xf32, #tpu.memory_space<vmem>>
        %parallel_loop3A_693 = tpu.memref_squeeze %parallel_loop3A_692 : memref<1x128x64xf32, #tpu.memory_space<vmem>> -> memref<128x64xf32, #tpu.memory_space<vmem>>
        %parallel_loop3A_694 = tpu.vector_load_idx %parallel_loop3A_693[%add3A_5, %parallel_loop3A_685] : memref<128x64xf32, #tpu.memory_space<vmem>>[vector<16xi32>, vector<16xi32>], vector<16xf32>,
        %parallel_loop3A_695 = arith.addi %parallel_loop3A_688, %add3A_5 : vector<16xi32>
        %parallel_loop3A_696 = arith.constant 0 : i32
        %parallel_loop3A_697 = arith.constant 0 : i32
        %parallel_loop3A_698 = tpu.memref_slice %arg7[%parallel_loop3A_696, %parallel_loop3A_697] : memref<2x8192xf32, #tpu.memory_space<vmem>> -> memref<1x8192xf32, #tpu.memory_space<vmem>>
        %parallel_loop3A_699 = tpu.memref_squeeze %parallel_loop3A_698 : memref<1x8192xf32, #tpu.memory_space<vmem>> -> memref<8192xf32, #tpu.memory_space<vmem>>
        tpu.vector_store_idx %parallel_loop3A_699[%parallel_loop3A_695], %parallel_loop3A_694 : memref<8192xf32, #tpu.memory_space<vmem>>[vector<16xi32>], vector<16xf32>,
        %parallel_loop3A_700 = arith.constant 0 : i32
        %parallel_loop3A_701 = arith.constant 0 : i32
        %parallel_loop3A_702 = arith.constant 0 : i32
        %parallel_loop3A_703 = tpu.memref_slice %arg6[%parallel_loop3A_700, %parallel_loop3A_701, %parallel_loop3A_702] : memref<2x128x64xf32, #tpu.memory_space<vmem>> -> memref<1x128x64xf32, #tpu.memory_space<vmem>>
        %parallel_loop3A_704 = tpu.memref_squeeze %parallel_loop3A_703 : memref<1x128x64xf32, #tpu.memory_space<vmem>> -> memref<128x64xf32, #tpu.memory_space<vmem>>
        %parallel_loop3A_705 = tpu.vector_load_idx %parallel_loop3A_704[%add3A_8, %parallel_loop3A_685] : memref<128x64xf32, #tpu.memory_space<vmem>>[vector<16xi32>, vector<16xi32>], vector<16xf32>,
        %parallel_loop3A_706 = arith.addi %parallel_loop3A_688, %add3A_8 : vector<16xi32>
        %parallel_loop3A_707 = arith.constant 0 : i32
        %parallel_loop3A_708 = arith.constant 0 : i32
        %parallel_loop3A_709 = tpu.memref_slice %arg7[%parallel_loop3A_707, %parallel_loop3A_708] : memref<2x8192xf32, #tpu.memory_space<vmem>> -> memref<1x8192xf32, #tpu.memory_space<vmem>>
        %parallel_loop3A_710 = tpu.memref_squeeze %parallel_loop3A_709 : memref<1x8192xf32, #tpu.memory_space<vmem>> -> memref<8192xf32, #tpu.memory_space<vmem>>
        tpu.vector_store_idx %parallel_loop3A_710[%parallel_loop3A_706], %parallel_loop3A_705 : memref<8192xf32, #tpu.memory_space<vmem>>[vector<16xi32>], vector<16xf32>,
        %parallel_loop3A_711 = arith.constant 0 : i32
        %parallel_loop3A_712 = arith.constant 0 : i32
        %parallel_loop3A_713 = arith.constant 0 : i32
        %parallel_loop3A_714 = tpu.memref_slice %arg6[%parallel_loop3A_711, %parallel_loop3A_712, %parallel_loop3A_713] : memref<2x128x64xf32, #tpu.memory_space<vmem>> -> memref<1x128x64xf32, #tpu.memory_space<vmem>>
        %parallel_loop3A_715 = tpu.memref_squeeze %parallel_loop3A_714 : memref<1x128x64xf32, #tpu.memory_space<vmem>> -> memref<128x64xf32, #tpu.memory_space<vmem>>
        %parallel_loop3A_716 = tpu.vector_load_idx %parallel_loop3A_715[%add3A_11, %parallel_loop3A_685] : memref<128x64xf32, #tpu.memory_space<vmem>>[vector<16xi32>, vector<16xi32>], vector<16xf32>,
        %parallel_loop3A_717 = arith.addi %parallel_loop3A_688, %add3A_11 : vector<16xi32>
        %parallel_loop3A_718 = arith.constant 0 : i32
        %parallel_loop3A_719 = arith.constant 0 : i32
        %parallel_loop3A_720 = tpu.memref_slice %arg7[%parallel_loop3A_718, %parallel_loop3A_719] : memref<2x8192xf32, #tpu.memory_space<vmem>> -> memref<1x8192xf32, #tpu.memory_space<vmem>>
        %parallel_loop3A_721 = tpu.memref_squeeze %parallel_loop3A_720 : memref<1x8192xf32, #tpu.memory_space<vmem>> -> memref<8192xf32, #tpu.memory_space<vmem>>
        tpu.vector_store_idx %parallel_loop3A_721[%parallel_loop3A_717], %parallel_loop3A_716 : memref<8192xf32, #tpu.memory_space<vmem>>[vector<16xi32>], vector<16xf32>,
        %parallel_loop3A_722 = arith.constant 0 : i32
        %parallel_loop3A_723 = arith.constant 0 : i32
        %parallel_loop3A_724 = arith.constant 0 : i32
        %parallel_loop3A_725 = tpu.memref_slice %arg6[%parallel_loop3A_722, %parallel_loop3A_723, %parallel_loop3A_724] : memref<2x128x64xf32, #tpu.memory_space<vmem>> -> memref<1x128x64xf32, #tpu.memory_space<vmem>>
        %parallel_loop3A_726 = tpu.memref_squeeze %parallel_loop3A_725 : memref<1x128x64xf32, #tpu.memory_space<vmem>> -> memref<128x64xf32, #tpu.memory_space<vmem>>
        %parallel_loop3A_727 = tpu.vector_load_idx %parallel_loop3A_726[%add3A_14, %parallel_loop3A_685] : memref<128x64xf32, #tpu.memory_space<vmem>>[vector<16xi32>, vector<16xi32>], vector<16xf32>,
        %parallel_loop3A_728 = arith.addi %parallel_loop3A_688, %add3A_14 : vector<16xi32>
        %parallel_loop3A_729 = arith.constant 0 : i32
        %parallel_loop3A_730 = arith.constant 0 : i32
        %parallel_loop3A_731 = tpu.memref_slice %arg7[%parallel_loop3A_729, %parallel_loop3A_730] : memref<2x8192xf32, #tpu.memory_space<vmem>> -> memref<1x8192xf32, #tpu.memory_space<vmem>>
        %parallel_loop3A_732 = tpu.memref_squeeze %parallel_loop3A_731 : memref<1x8192xf32, #tpu.memory_space<vmem>> -> memref<8192xf32, #tpu.memory_space<vmem>>
        tpu.vector_store_idx %parallel_loop3A_732[%parallel_loop3A_728], %parallel_loop3A_727 : memref<8192xf32, #tpu.memory_space<vmem>>[vector<16xi32>], vector<16xf32>,
        %parallel_loop3A_733 = arith.constant 0 : i32
        %parallel_loop3A_734 = arith.constant 0 : i32
        %parallel_loop3A_735 = arith.constant 0 : i32
        %parallel_loop3A_736 = tpu.memref_slice %arg6[%parallel_loop3A_733, %parallel_loop3A_734, %parallel_loop3A_735] : memref<2x128x64xf32, #tpu.memory_space<vmem>> -> memref<1x128x64xf32, #tpu.memory_space<vmem>>
        %parallel_loop3A_737 = tpu.memref_squeeze %parallel_loop3A_736 : memref<1x128x64xf32, #tpu.memory_space<vmem>> -> memref<128x64xf32, #tpu.memory_space<vmem>>
        %parallel_loop3A_738 = tpu.vector_load_idx %parallel_loop3A_737[%add3A_17, %parallel_loop3A_685] : memref<128x64xf32, #tpu.memory_space<vmem>>[vector<16xi32>, vector<16xi32>], vector<16xf32>,
        %parallel_loop3A_739 = arith.addi %parallel_loop3A_688, %add3A_17 : vector<16xi32>
        %parallel_loop3A_740 = arith.constant 0 : i32
        %parallel_loop3A_741 = arith.constant 0 : i32
        %parallel_loop3A_742 = tpu.memref_slice %arg7[%parallel_loop3A_740, %parallel_loop3A_741] : memref<2x8192xf32, #tpu.memory_space<vmem>> -> memref<1x8192xf32, #tpu.memory_space<vmem>>
        %parallel_loop3A_743 = tpu.memref_squeeze %parallel_loop3A_742 : memref<1x8192xf32, #tpu.memory_space<vmem>> -> memref<8192xf32, #tpu.memory_space<vmem>>
        tpu.vector_store_idx %parallel_loop3A_743[%parallel_loop3A_739], %parallel_loop3A_738 : memref<8192xf32, #tpu.memory_space<vmem>>[vector<16xi32>], vector<16xf32>,
        %parallel_loop3A_744 = arith.constant 0 : i32
        %parallel_loop3A_745 = arith.constant 0 : i32
        %parallel_loop3A_746 = arith.constant 0 : i32
        %parallel_loop3A_747 = tpu.memref_slice %arg6[%parallel_loop3A_744, %parallel_loop3A_745, %parallel_loop3A_746] : memref<2x128x64xf32, #tpu.memory_space<vmem>> -> memref<1x128x64xf32, #tpu.memory_space<vmem>>
        %parallel_loop3A_748 = tpu.memref_squeeze %parallel_loop3A_747 : memref<1x128x64xf32, #tpu.memory_space<vmem>> -> memref<128x64xf32, #tpu.memory_space<vmem>>
        %parallel_loop3A_749 = tpu.vector_load_idx %parallel_loop3A_748[%add3A_20, %parallel_loop3A_685] : memref<128x64xf32, #tpu.memory_space<vmem>>[vector<16xi32>, vector<16xi32>], vector<16xf32>,
        %parallel_loop3A_750 = arith.addi %parallel_loop3A_688, %add3A_20 : vector<16xi32>
        %parallel_loop3A_751 = arith.constant 0 : i32
        %parallel_loop3A_752 = arith.constant 0 : i32
        %parallel_loop3A_753 = tpu.memref_slice %arg7[%parallel_loop3A_751, %parallel_loop3A_752] : memref<2x8192xf32, #tpu.memory_space<vmem>> -> memref<1x8192xf32, #tpu.memory_space<vmem>>
        %parallel_loop3A_754 = tpu.memref_squeeze %parallel_loop3A_753 : memref<1x8192xf32, #tpu.memory_space<vmem>> -> memref<8192xf32, #tpu.memory_space<vmem>>
        tpu.vector_store_idx %parallel_loop3A_754[%parallel_loop3A_750], %parallel_loop3A_749 : memref<8192xf32, #tpu.memory_space<vmem>>[vector<16xi32>], vector<16xf32>,
        %parallel_loop3A_755 = arith.constant 0 : i32
        %parallel_loop3A_756 = arith.constant 0 : i32
        %parallel_loop3A_757 = arith.constant 0 : i32
        %parallel_loop3A_758 = tpu.memref_slice %arg6[%parallel_loop3A_755, %parallel_loop3A_756, %parallel_loop3A_757] : memref<2x128x64xf32, #tpu.memory_space<vmem>> -> memref<1x128x64xf32, #tpu.memory_space<vmem>>
        %parallel_loop3A_759 = tpu.memref_squeeze %parallel_loop3A_758 : memref<1x128x64xf32, #tpu.memory_space<vmem>> -> memref<128x64xf32, #tpu.memory_space<vmem>>
        %parallel_loop3A_760 = tpu.vector_load_idx %parallel_loop3A_759[%add3A_23, %parallel_loop3A_685] : memref<128x64xf32, #tpu.memory_space<vmem>>[vector<16xi32>, vector<16xi32>], vector<16xf32>,
        %parallel_loop3A_761 = arith.addi %parallel_loop3A_688, %add3A_23 : vector<16xi32>
        %parallel_loop3A_762 = arith.constant 0 : i32
        %parallel_loop3A_763 = arith.constant 0 : i32
        %parallel_loop3A_764 = tpu.memref_slice %arg7[%parallel_loop3A_762, %parallel_loop3A_763] : memref<2x8192xf32, #tpu.memory_space<vmem>> -> memref<1x8192xf32, #tpu.memory_space<vmem>>
        %parallel_loop3A_765 = tpu.memref_squeeze %parallel_loop3A_764 : memref<1x8192xf32, #tpu.memory_space<vmem>> -> memref<8192xf32, #tpu.memory_space<vmem>>
        tpu.vector_store_idx %parallel_loop3A_765[%parallel_loop3A_761], %parallel_loop3A_760 : memref<8192xf32, #tpu.memory_space<vmem>>[vector<16xi32>], vector<16xf32>,
        %parallel_loop3A_766 = arith.constant 0 : i32
        %parallel_loop3A_767 = arith.constant 0 : i32
        %parallel_loop3A_768 = arith.constant 0 : i32
        %parallel_loop3A_769 = tpu.memref_slice %arg6[%parallel_loop3A_766, %parallel_loop3A_767, %parallel_loop3A_768] : memref<2x128x64xf32, #tpu.memory_space<vmem>> -> memref<1x128x64xf32, #tpu.memory_space<vmem>>
        %parallel_loop3A_770 = tpu.memref_squeeze %parallel_loop3A_769 : memref<1x128x64xf32, #tpu.memory_space<vmem>> -> memref<128x64xf32, #tpu.memory_space<vmem>>
        %parallel_loop3A_771 = tpu.vector_load_idx %parallel_loop3A_770[%add3A_26, %parallel_loop3A_685] : memref<128x64xf32, #tpu.memory_space<vmem>>[vector<16xi32>, vector<16xi32>], vector<16xf32>,
        %parallel_loop3A_772 = arith.addi %parallel_loop3A_688, %add3A_26 : vector<16xi32>
        %parallel_loop3A_773 = arith.constant 0 : i32
        %parallel_loop3A_774 = arith.constant 0 : i32
        %parallel_loop3A_775 = tpu.memref_slice %arg7[%parallel_loop3A_773, %parallel_loop3A_774] : memref<2x8192xf32, #tpu.memory_space<vmem>> -> memref<1x8192xf32, #tpu.memory_space<vmem>>
        %parallel_loop3A_776 = tpu.memref_squeeze %parallel_loop3A_775 : memref<1x8192xf32, #tpu.memory_space<vmem>> -> memref<8192xf32, #tpu.memory_space<vmem>>
        tpu.vector_store_idx %parallel_loop3A_776[%parallel_loop3A_772], %parallel_loop3A_771 : memref<8192xf32, #tpu.memory_space<vmem>>[vector<16xi32>], vector<16xf32>,
      } {sc.loop_unroll_factor = 16 : i64, sc.parallel_access}
      %dma_start3A_371 = arith.constant 0 : i32
      %dma_start3A_372 = arith.constant 0 : i32
      %dma_start3A_373 = arith.constant 0 : i32
      %dma_start3A_374 = arith.constant 0 : i32
      %dma_start3A_375 = tpu.memref_slice %arg7[%dma_start3A_371, %dma_start3A_374] : memref<2x8192xf32, #tpu.memory_space<vmem>> -> memref<1x1024xf32, #tpu.memory_space<vmem>>
      %dma_start3A_376 = tpu.memref_squeeze %dma_start3A_375 : memref<1x1024xf32, #tpu.memory_space<vmem>> -> memref<1024xf32, #tpu.memory_space<vmem>>
      %dma_start3A_377 = arith.constant 0 : i32
      %dma_start3A_378 = tpu.memref_slice %arg4[%add3A_352, %dma_start3A_372, %add3A, %dma_start3A_377] : memref<200x8x32x1024xf32, #tpu.memory_space<hbm>> -> memref<1x1x1x1024xf32, #tpu.memory_space<hbm>>
      %dma_start3A_379 = tpu.memref_squeeze %dma_start3A_378 : memref<1x1x1x1024xf32, #tpu.memory_space<hbm>> -> memref<1024xf32, #tpu.memory_space<hbm>>
      %dma_start3A_380 = tpu.memref_slice %arg9[%dma_start3A_373] : memref<2x!tpu.dma_semaphore, #tpu.memory_space<semaphore_mem>> -> memref<1x!tpu.dma_semaphore, #tpu.memory_space<semaphore_mem>>
      %dma_start3A_381 = tpu.memref_squeeze %dma_start3A_380 : memref<1x!tpu.dma_semaphore, #tpu.memory_space<semaphore_mem>> -> memref<!tpu.dma_semaphore, #tpu.memory_space<semaphore_mem>>
      %dma_start3A_382 = arith.constant 0 : i32
      %dma_start3A_383 = tpu.memref_slice %arg4[%add3A_352, %dma_start3A_372, %add3A, %dma_start3A_382] : memref<200x8x32x1024xf32, #tpu.memory_space<hbm>> -> memref<1x1x1x1024xf32, #tpu.memory_space<hbm>>
      %dma_start3A_384 = tpu.memref_squeeze %dma_start3A_383 : memref<1x1x1x1024xf32, #tpu.memory_space<hbm>> -> memref<1024xf32, #tpu.memory_space<hbm>>
      %dma_start3A_385 = arith.constant 0 : i32
      %dma_start3A_386 = tpu.memref_slice %arg7[%dma_start3A_371, %dma_start3A_385] : memref<2x8192xf32, #tpu.memory_space<vmem>> -> memref<1x1024xf32, #tpu.memory_space<vmem>>
      %dma_start3A_387 = tpu.memref_squeeze %dma_start3A_386 : memref<1x1024xf32, #tpu.memory_space<vmem>> -> memref<1024xf32, #tpu.memory_space<vmem>>
      tpu.enqueue_dma source(%dma_start3A_387 : memref<1024xf32, #tpu.memory_space<vmem>>) target(%dma_start3A_384 : memref<1024xf32, #tpu.memory_space<hbm>>) target_semaphore(%dma_start3A_381 : memref<!tpu.dma_semaphore, #tpu.memory_space<semaphore_mem>>)
      %dma_start3A_388 = arith.constant 0 : i32
      %dma_start3A_389 = arith.constant 1 : i32
      %dma_start3A_390 = arith.constant 0 : i32
      %dma_start3A_391 = arith.constant 1024 : i32
      %dma_start3A_392 = tpu.memref_slice %arg7[%dma_start3A_388, %dma_start3A_391] : memref<2x8192xf32, #tpu.memory_space<vmem>> -> memref<1x1024xf32, #tpu.memory_space<vmem>>
      %dma_start3A_393 = tpu.memref_squeeze %dma_start3A_392 : memref<1x1024xf32, #tpu.memory_space<vmem>> -> memref<1024xf32, #tpu.memory_space<vmem>>
      %dma_start3A_394 = arith.constant 0 : i32
      %dma_start3A_395 = tpu.memref_slice %arg4[%add3A_352, %dma_start3A_389, %add3A, %dma_start3A_394] : memref<200x8x32x1024xf32, #tpu.memory_space<hbm>> -> memref<1x1x1x1024xf32, #tpu.memory_space<hbm>>
      %dma_start3A_396 = tpu.memref_squeeze %dma_start3A_395 : memref<1x1x1x1024xf32, #tpu.memory_space<hbm>> -> memref<1024xf32, #tpu.memory_space<hbm>>
      %dma_start3A_397 = tpu.memref_slice %arg9[%dma_start3A_390] : memref<2x!tpu.dma_semaphore, #tpu.memory_space<semaphore_mem>> -> memref<1x!tpu.dma_semaphore, #tpu.memory_space<semaphore_mem>>
      %dma_start3A_398 = tpu.memref_squeeze %dma_start3A_397 : memref<1x!tpu.dma_semaphore, #tpu.memory_space<semaphore_mem>> -> memref<!tpu.dma_semaphore, #tpu.memory_space<semaphore_mem>>
      %dma_start3A_399 = arith.constant 0 : i32
      %dma_start3A_400 = tpu.memref_slice %arg4[%add3A_352, %dma_start3A_389, %add3A, %dma_start3A_399] : memref<200x8x32x1024xf32, #tpu.memory_space<hbm>> -> memref<1x1x1x1024xf32, #tpu.memory_space<hbm>>
      %dma_start3A_401 = tpu.memref_squeeze %dma_start3A_400 : memref<1x1x1x1024xf32, #tpu.memory_space<hbm>> -> memref<1024xf32, #tpu.memory_space<hbm>>
      %dma_start3A_402 = arith.constant 1024 : i32
      %dma_start3A_403 = tpu.memref_slice %arg7[%dma_start3A_388, %dma_start3A_402] : memref<2x8192xf32, #tpu.memory_space<vmem>> -> memref<1x1024xf32, #tpu.memory_space<vmem>>
      %dma_start3A_404 = tpu.memref_squeeze %dma_start3A_403 : memref<1x1024xf32, #tpu.memory_space<vmem>> -> memref<1024xf32, #tpu.memory_space<vmem>>
      tpu.enqueue_dma source(%dma_start3A_404 : memref<1024xf32, #tpu.memory_space<vmem>>) target(%dma_start3A_401 : memref<1024xf32, #tpu.memory_space<hbm>>) target_semaphore(%dma_start3A_398 : memref<!tpu.dma_semaphore, #tpu.memory_space<semaphore_mem>>)
      %dma_start3A_405 = arith.constant 0 : i32
      %dma_start3A_406 = arith.constant 2 : i32
      %dma_start3A_407 = arith.constant 0 : i32
      %dma_start3A_408 = arith.constant 2048 : i32
      %dma_start3A_409 = tpu.memref_slice %arg7[%dma_start3A_405, %dma_start3A_408] : memref<2x8192xf32, #tpu.memory_space<vmem>> -> memref<1x1024xf32, #tpu.memory_space<vmem>>
      %dma_start3A_410 = tpu.memref_squeeze %dma_start3A_409 : memref<1x1024xf32, #tpu.memory_space<vmem>> -> memref<1024xf32, #tpu.memory_space<vmem>>
      %dma_start3A_411 = arith.constant 0 : i32
      %dma_start3A_412 = tpu.memref_slice %arg4[%add3A_352, %dma_start3A_406, %add3A, %dma_start3A_411] : memref<200x8x32x1024xf32, #tpu.memory_space<hbm>> -> memref<1x1x1x1024xf32, #tpu.memory_space<hbm>>
      %dma_start3A_413 = tpu.memref_squeeze %dma_start3A_412 : memref<1x1x1x1024xf32, #tpu.memory_space<hbm>> -> memref<1024xf32, #tpu.memory_space<hbm>>
      %dma_start3A_414 = tpu.memref_slice %arg9[%dma_start3A_407] : memref<2x!tpu.dma_semaphore, #tpu.memory_space<semaphore_mem>> -> memref<1x!tpu.dma_semaphore, #tpu.memory_space<semaphore_mem>>
      %dma_start3A_415 = tpu.memref_squeeze %dma_start3A_414 : memref<1x!tpu.dma_semaphore, #tpu.memory_space<semaphore_mem>> -> memref<!tpu.dma_semaphore, #tpu.memory_space<semaphore_mem>>
      %dma_start3A_416 = arith.constant 0 : i32
      %dma_start3A_417 = tpu.memref_slice %arg4[%add3A_352, %dma_start3A_406, %add3A, %dma_start3A_416] : memref<200x8x32x1024xf32, #tpu.memory_space<hbm>> -> memref<1x1x1x1024xf32, #tpu.memory_space<hbm>>
      %dma_start3A_418 = tpu.memref_squeeze %dma_start3A_417 : memref<1x1x1x1024xf32, #tpu.memory_space<hbm>> -> memref<1024xf32, #tpu.memory_space<hbm>>
      %dma_start3A_419 = arith.constant 2048 : i32
      %dma_start3A_420 = tpu.memref_slice %arg7[%dma_start3A_405, %dma_start3A_419] : memref<2x8192xf32, #tpu.memory_space<vmem>> -> memref<1x1024xf32, #tpu.memory_space<vmem>>
      %dma_start3A_421 = tpu.memref_squeeze %dma_start3A_420 : memref<1x1024xf32, #tpu.memory_space<vmem>> -> memref<1024xf32, #tpu.memory_space<vmem>>
      tpu.enqueue_dma source(%dma_start3A_421 : memref<1024xf32, #tpu.memory_space<vmem>>) target(%dma_start3A_418 : memref<1024xf32, #tpu.memory_space<hbm>>) target_semaphore(%dma_start3A_415 : memref<!tpu.dma_semaphore, #tpu.memory_space<semaphore_mem>>)
      %dma_start3A_422 = arith.constant 0 : i32
      %dma_start3A_423 = arith.constant 3 : i32
      %dma_start3A_424 = arith.constant 0 : i32
      %dma_start3A_425 = arith.constant 3072 : i32
      %dma_start3A_426 = tpu.memref_slice %arg7[%dma_start3A_422, %dma_start3A_425] : memref<2x8192xf32, #tpu.memory_space<vmem>> -> memref<1x1024xf32, #tpu.memory_space<vmem>>
      %dma_start3A_427 = tpu.memref_squeeze %dma_start3A_426 : memref<1x1024xf32, #tpu.memory_space<vmem>> -> memref<1024xf32, #tpu.memory_space<vmem>>
      %dma_start3A_428 = arith.constant 0 : i32
      %dma_start3A_429 = tpu.memref_slice %arg4[%add3A_352, %dma_start3A_423, %add3A, %dma_start3A_428] : memref<200x8x32x1024xf32, #tpu.memory_space<hbm>> -> memref<1x1x1x1024xf32, #tpu.memory_space<hbm>>
      %dma_start3A_430 = tpu.memref_squeeze %dma_start3A_429 : memref<1x1x1x1024xf32, #tpu.memory_space<hbm>> -> memref<1024xf32, #tpu.memory_space<hbm>>
      %dma_start3A_431 = tpu.memref_slice %arg9[%dma_start3A_424] : memref<2x!tpu.dma_semaphore, #tpu.memory_space<semaphore_mem>> -> memref<1x!tpu.dma_semaphore, #tpu.memory_space<semaphore_mem>>
      %dma_start3A_432 = tpu.memref_squeeze %dma_start3A_431 : memref<1x!tpu.dma_semaphore, #tpu.memory_space<semaphore_mem>> -> memref<!tpu.dma_semaphore, #tpu.memory_space<semaphore_mem>>
      %dma_start3A_433 = arith.constant 0 : i32
      %dma_start3A_434 = tpu.memref_slice %arg4[%add3A_352, %dma_start3A_423, %add3A, %dma_start3A_433] : memref<200x8x32x1024xf32, #tpu.memory_space<hbm>> -> memref<1x1x1x1024xf32, #tpu.memory_space<hbm>>
      %dma_start3A_435 = tpu.memref_squeeze %dma_start3A_434 : memref<1x1x1x1024xf32, #tpu.memory_space<hbm>> -> memref<1024xf32, #tpu.memory_space<hbm>>
      %dma_start3A_436 = arith.constant 3072 : i32
      %dma_start3A_437 = tpu.memref_slice %arg7[%dma_start3A_422, %dma_start3A_436] : memref<2x8192xf32, #tpu.memory_space<vmem>> -> memref<1x1024xf32, #tpu.memory_space<vmem>>
      %dma_start3A_438 = tpu.memref_squeeze %dma_start3A_437 : memref<1x1024xf32, #tpu.memory_space<vmem>> -> memref<1024xf32, #tpu.memory_space<vmem>>
      tpu.enqueue_dma source(%dma_start3A_438 : memref<1024xf32, #tpu.memory_space<vmem>>) target(%dma_start3A_435 : memref<1024xf32, #tpu.memory_space<hbm>>) target_semaphore(%dma_start3A_432 : memref<!tpu.dma_semaphore, #tpu.memory_space<semaphore_mem>>)
      %dma_start3A_439 = arith.constant 0 : i32
      %dma_start3A_440 = arith.constant 4 : i32
      %dma_start3A_441 = arith.constant 0 : i32
      %dma_start3A_442 = arith.constant 4096 : i32
      %dma_start3A_443 = tpu.memref_slice %arg7[%dma_start3A_439, %dma_start3A_442] : memref<2x8192xf32, #tpu.memory_space<vmem>> -> memref<1x1024xf32, #tpu.memory_space<vmem>>
      %dma_start3A_444 = tpu.memref_squeeze %dma_start3A_443 : memref<1x1024xf32, #tpu.memory_space<vmem>> -> memref<1024xf32, #tpu.memory_space<vmem>>
      %dma_start3A_445 = arith.constant 0 : i32
      %dma_start3A_446 = tpu.memref_slice %arg4[%add3A_352, %dma_start3A_440, %add3A, %dma_start3A_445] : memref<200x8x32x1024xf32, #tpu.memory_space<hbm>> -> memref<1x1x1x1024xf32, #tpu.memory_space<hbm>>
      %dma_start3A_447 = tpu.memref_squeeze %dma_start3A_446 : memref<1x1x1x1024xf32, #tpu.memory_space<hbm>> -> memref<1024xf32, #tpu.memory_space<hbm>>
      %dma_start3A_448 = tpu.memref_slice %arg9[%dma_start3A_441] : memref<2x!tpu.dma_semaphore, #tpu.memory_space<semaphore_mem>> -> memref<1x!tpu.dma_semaphore, #tpu.memory_space<semaphore_mem>>
      %dma_start3A_449 = tpu.memref_squeeze %dma_start3A_448 : memref<1x!tpu.dma_semaphore, #tpu.memory_space<semaphore_mem>> -> memref<!tpu.dma_semaphore, #tpu.memory_space<semaphore_mem>>
      %dma_start3A_450 = arith.constant 0 : i32
      %dma_start3A_451 = tpu.memref_slice %arg4[%add3A_352, %dma_start3A_440, %add3A, %dma_start3A_450] : memref<200x8x32x1024xf32, #tpu.memory_space<hbm>> -> memref<1x1x1x1024xf32, #tpu.memory_space<hbm>>
      %dma_start3A_452 = tpu.memref_squeeze %dma_start3A_451 : memref<1x1x1x1024xf32, #tpu.memory_space<hbm>> -> memref<1024xf32, #tpu.memory_space<hbm>>
      %dma_start3A_453 = arith.constant 4096 : i32
      %dma_start3A_454 = tpu.memref_slice %arg7[%dma_start3A_439, %dma_start3A_453] : memref<2x8192xf32, #tpu.memory_space<vmem>> -> memref<1x1024xf32, #tpu.memory_space<vmem>>
      %dma_start3A_455 = tpu.memref_squeeze %dma_start3A_454 : memref<1x1024xf32, #tpu.memory_space<vmem>> -> memref<1024xf32, #tpu.memory_space<vmem>>
      tpu.enqueue_dma source(%dma_start3A_455 : memref<1024xf32, #tpu.memory_space<vmem>>) target(%dma_start3A_452 : memref<1024xf32, #tpu.memory_space<hbm>>) target_semaphore(%dma_start3A_449 : memref<!tpu.dma_semaphore, #tpu.memory_space<semaphore_mem>>)
      %dma_start3A_456 = arith.constant 0 : i32
      %dma_start3A_457 = arith.constant 5 : i32
      %dma_start3A_458 = arith.constant 0 : i32
      %dma_start3A_459 = arith.constant 5120 : i32
      %dma_start3A_460 = tpu.memref_slice %arg7[%dma_start3A_456, %dma_start3A_459] : memref<2x8192xf32, #tpu.memory_space<vmem>> -> memref<1x1024xf32, #tpu.memory_space<vmem>>
      %dma_start3A_461 = tpu.memref_squeeze %dma_start3A_460 : memref<1x1024xf32, #tpu.memory_space<vmem>> -> memref<1024xf32, #tpu.memory_space<vmem>>
      %dma_start3A_462 = arith.constant 0 : i32
      %dma_start3A_463 = tpu.memref_slice %arg4[%add3A_352, %dma_start3A_457, %add3A, %dma_start3A_462] : memref<200x8x32x1024xf32, #tpu.memory_space<hbm>> -> memref<1x1x1x1024xf32, #tpu.memory_space<hbm>>
      %dma_start3A_464 = tpu.memref_squeeze %dma_start3A_463 : memref<1x1x1x1024xf32, #tpu.memory_space<hbm>> -> memref<1024xf32, #tpu.memory_space<hbm>>
      %dma_start3A_465 = tpu.memref_slice %arg9[%dma_start3A_458] : memref<2x!tpu.dma_semaphore, #tpu.memory_space<semaphore_mem>> -> memref<1x!tpu.dma_semaphore, #tpu.memory_space<semaphore_mem>>
      %dma_start3A_466 = tpu.memref_squeeze %dma_start3A_465 : memref<1x!tpu.dma_semaphore, #tpu.memory_space<semaphore_mem>> -> memref<!tpu.dma_semaphore, #tpu.memory_space<semaphore_mem>>
      %dma_start3A_467 = arith.constant 0 : i32
      %dma_start3A_468 = tpu.memref_slice %arg4[%add3A_352, %dma_start3A_457, %add3A, %dma_start3A_467] : memref<200x8x32x1024xf32, #tpu.memory_space<hbm>> -> memref<1x1x1x1024xf32, #tpu.memory_space<hbm>>
      %dma_start3A_469 = tpu.memref_squeeze %dma_start3A_468 : memref<1x1x1x1024xf32, #tpu.memory_space<hbm>> -> memref<1024xf32, #tpu.memory_space<hbm>>
      %dma_start3A_470 = arith.constant 5120 : i32
      %dma_start3A_471 = tpu.memref_slice %arg7[%dma_start3A_456, %dma_start3A_470] : memref<2x8192xf32, #tpu.memory_space<vmem>> -> memref<1x1024xf32, #tpu.memory_space<vmem>>
      %dma_start3A_472 = tpu.memref_squeeze %dma_start3A_471 : memref<1x1024xf32, #tpu.memory_space<vmem>> -> memref<1024xf32, #tpu.memory_space<vmem>>
      tpu.enqueue_dma source(%dma_start3A_472 : memref<1024xf32, #tpu.memory_space<vmem>>) target(%dma_start3A_469 : memref<1024xf32, #tpu.memory_space<hbm>>) target_semaphore(%dma_start3A_466 : memref<!tpu.dma_semaphore, #tpu.memory_space<semaphore_mem>>)
      %dma_start3A_473 = arith.constant 0 : i32
      %dma_start3A_474 = arith.constant 6 : i32
      %dma_start3A_475 = arith.constant 0 : i32
      %dma_start3A_476 = arith.constant 6144 : i32
      %dma_start3A_477 = tpu.memref_slice %arg7[%dma_start3A_473, %dma_start3A_476] : memref<2x8192xf32, #tpu.memory_space<vmem>> -> memref<1x1024xf32, #tpu.memory_space<vmem>>
      %dma_start3A_478 = tpu.memref_squeeze %dma_start3A_477 : memref<1x1024xf32, #tpu.memory_space<vmem>> -> memref<1024xf32, #tpu.memory_space<vmem>>
      %dma_start3A_479 = arith.constant 0 : i32
      %dma_start3A_480 = tpu.memref_slice %arg4[%add3A_352, %dma_start3A_474, %add3A, %dma_start3A_479] : memref<200x8x32x1024xf32, #tpu.memory_space<hbm>> -> memref<1x1x1x1024xf32, #tpu.memory_space<hbm>>
      %dma_start3A_481 = tpu.memref_squeeze %dma_start3A_480 : memref<1x1x1x1024xf32, #tpu.memory_space<hbm>> -> memref<1024xf32, #tpu.memory_space<hbm>>
      %dma_start3A_482 = tpu.memref_slice %arg9[%dma_start3A_475] : memref<2x!tpu.dma_semaphore, #tpu.memory_space<semaphore_mem>> -> memref<1x!tpu.dma_semaphore, #tpu.memory_space<semaphore_mem>>
      %dma_start3A_483 = tpu.memref_squeeze %dma_start3A_482 : memref<1x!tpu.dma_semaphore, #tpu.memory_space<semaphore_mem>> -> memref<!tpu.dma_semaphore, #tpu.memory_space<semaphore_mem>>
      %dma_start3A_484 = arith.constant 0 : i32
      %dma_start3A_485 = tpu.memref_slice %arg4[%add3A_352, %dma_start3A_474, %add3A, %dma_start3A_484] : memref<200x8x32x1024xf32, #tpu.memory_space<hbm>> -> memref<1x1x1x1024xf32, #tpu.memory_space<hbm>>
      %dma_start3A_486 = tpu.memref_squeeze %dma_start3A_485 : memref<1x1x1x1024xf32, #tpu.memory_space<hbm>> -> memref<1024xf32, #tpu.memory_space<hbm>>
      %dma_start3A_487 = arith.constant 6144 : i32
      %dma_start3A_488 = tpu.memref_slice %arg7[%dma_start3A_473, %dma_start3A_487] : memref<2x8192xf32, #tpu.memory_space<vmem>> -> memref<1x1024xf32, #tpu.memory_space<vmem>>
      %dma_start3A_489 = tpu.memref_squeeze %dma_start3A_488 : memref<1x1024xf32, #tpu.memory_space<vmem>> -> memref<1024xf32, #tpu.memory_space<vmem>>
      tpu.enqueue_dma source(%dma_start3A_489 : memref<1024xf32, #tpu.memory_space<vmem>>) target(%dma_start3A_486 : memref<1024xf32, #tpu.memory_space<hbm>>) target_semaphore(%dma_start3A_483 : memref<!tpu.dma_semaphore, #tpu.memory_space<semaphore_mem>>)
      %dma_start3A_490 = arith.constant 0 : i32
      %dma_start3A_491 = arith.constant 7 : i32
      %dma_start3A_492 = arith.constant 0 : i32
      %dma_start3A_493 = arith.constant 7168 : i32
      %dma_start3A_494 = tpu.memref_slice %arg7[%dma_start3A_490, %dma_start3A_493] : memref<2x8192xf32, #tpu.memory_space<vmem>> -> memref<1x1024xf32, #tpu.memory_space<vmem>>
      %dma_start3A_495 = tpu.memref_squeeze %dma_start3A_494 : memref<1x1024xf32, #tpu.memory_space<vmem>> -> memref<1024xf32, #tpu.memory_space<vmem>>
      %dma_start3A_496 = arith.constant 0 : i32
      %dma_start3A_497 = tpu.memref_slice %arg4[%add3A_352, %dma_start3A_491, %add3A, %dma_start3A_496] : memref<200x8x32x1024xf32, #tpu.memory_space<hbm>> -> memref<1x1x1x1024xf32, #tpu.memory_space<hbm>>
      %dma_start3A_498 = tpu.memref_squeeze %dma_start3A_497 : memref<1x1x1x1024xf32, #tpu.memory_space<hbm>> -> memref<1024xf32, #tpu.memory_space<hbm>>
      %dma_start3A_499 = tpu.memref_slice %arg9[%dma_start3A_492] : memref<2x!tpu.dma_semaphore, #tpu.memory_space<semaphore_mem>> -> memref<1x!tpu.dma_semaphore, #tpu.memory_space<semaphore_mem>>
      %dma_start3A_500 = tpu.memref_squeeze %dma_start3A_499 : memref<1x!tpu.dma_semaphore, #tpu.memory_space<semaphore_mem>> -> memref<!tpu.dma_semaphore, #tpu.memory_space<semaphore_mem>>
      %dma_start3A_501 = arith.constant 0 : i32
      %dma_start3A_502 = tpu.memref_slice %arg4[%add3A_352, %dma_start3A_491, %add3A, %dma_start3A_501] : memref<200x8x32x1024xf32, #tpu.memory_space<hbm>> -> memref<1x1x1x1024xf32, #tpu.memory_space<hbm>>
      %dma_start3A_503 = tpu.memref_squeeze %dma_start3A_502 : memref<1x1x1x1024xf32, #tpu.memory_space<hbm>> -> memref<1024xf32, #tpu.memory_space<hbm>>
      %dma_start3A_504 = arith.constant 7168 : i32
      %dma_start3A_505 = tpu.memref_slice %arg7[%dma_start3A_490, %dma_start3A_504] : memref<2x8192xf32, #tpu.memory_space<vmem>> -> memref<1x1024xf32, #tpu.memory_space<vmem>>
      %dma_start3A_506 = tpu.memref_squeeze %dma_start3A_505 : memref<1x1024xf32, #tpu.memory_space<vmem>> -> memref<1024xf32, #tpu.memory_space<vmem>>
      tpu.enqueue_dma source(%dma_start3A_506 : memref<1024xf32, #tpu.memory_space<vmem>>) target(%dma_start3A_503 : memref<1024xf32, #tpu.memory_space<hbm>>) target_semaphore(%dma_start3A_500 : memref<!tpu.dma_semaphore, #tpu.memory_space<semaphore_mem>>)
      %add3A_507 = arith.constant 2 : i32
      %add3A_508 = arith.addi %add3A_352, %add3A_507 : i32
      %lt3A = arith.constant 200 : i32
      %lt3A_509 = arith.cmpi slt, %add3A_508, %lt3A : i32
      %convert_element_type3A_510 = arith.extui %lt3A_509 : i1 to i32
      %cond3A_511 = arith.constant 0 : i32
      %cond3A_512 = arith.cmpi ne, %convert_element_type3A_510, %cond3A_511 : i32
      scf.if %cond3A_512 {
        %add3A_680 = arith.constant 2 : i32
        %add3A_681 = arith.addi %add3A_352, %add3A_680 : i32
        %dma_start3A_682 = arith.constant 0 : i32
        %dma_start3A_683 = arith.constant 0 : i32
        %dma_start3A_684 = arith.constant 0 : i32
        %dma_start3A_685 = arith.constant 0 : i32
        %dma_start3A_686 = tpu.memref_slice %arg6[%dma_start3A_682, %dma_start3A_684, %dma_start3A_685] : memref<2x128x64xf32, #tpu.memory_space<vmem>> -> memref<1x128x64xf32, #tpu.memory_space<vmem>>
        %dma_start3A_687 = tpu.memref_squeeze %dma_start3A_686 : memref<1x128x64xf32, #tpu.memory_space<vmem>> -> memref<128x64xf32, #tpu.memory_space<vmem>>
        %dma_start3A_688 = arith.constant 0 : i32
        %dma_start3A_689 = tpu.memref_slice %arg5[%add3A_681, %dma_start3A_688] : memref<200x128xi32, #tpu.memory_space<vmem>> -> memref<1x128xi32, #tpu.memory_space<vmem>>
        %dma_start3A_690 = tpu.memref_squeeze %dma_start3A_689 : memref<1x128xi32, #tpu.memory_space<vmem>> -> memref<128xi32, #tpu.memory_space<vmem>>
        %dma_start3A_691 = arith.constant 0 : i32
        %dma_start3A_692 = arith.constant 0 : i32
        %dma_start3A_693 = tpu.memref_slice %arg2[%dma_start3A_691, %dma_start3A_692] : memref<100000x64xf32, #tpu.memory_space<hbm>> -> memref<100000x64xf32, #tpu.memory_space<hbm>>
        %dma_start3A_694 = tpu.memref_slice %arg8[%dma_start3A_683] : memref<2x!tpu.dma_semaphore, #tpu.memory_space<semaphore_mem>> -> memref<1x!tpu.dma_semaphore, #tpu.memory_space<semaphore_mem>>
        %dma_start3A_695 = tpu.memref_squeeze %dma_start3A_694 : memref<1x!tpu.dma_semaphore, #tpu.memory_space<semaphore_mem>> -> memref<!tpu.dma_semaphore, #tpu.memory_space<semaphore_mem>>
        tpu.enqueue_indirect_dma source(%dma_start3A_693 : memref<100000x64xf32, #tpu.memory_space<hbm>>) target(%dma_start3A_687 : memref<128x64xf32, #tpu.memory_space<vmem>>) offsets(%dma_start3A_690 : memref<128xi32, #tpu.memory_space<vmem>>) semaphore(%dma_start3A_695 : memref<!tpu.dma_semaphore, #tpu.memory_space<semaphore_mem>>)
      } else {
      }
      %add3A_513 = arith.constant 1 : i32
      %add3A_514 = arith.addi %mul3A_350, %add3A_513 : i32
      %dma_wait3A_515 = arith.constant 1 : i32
      %dma_wait3A_516 = arith.constant 1 : i32
      %dma_wait3A_517 = arith.constant 0 : i32
      %dma_wait3A_518 = arith.constant 0 : i32
      %dma_wait3A_519 = tpu.memref_slice %arg6[%dma_wait3A_515, %dma_wait3A_517, %dma_wait3A_518] : memref<2x128x64xf32, #tpu.memory_space<vmem>> -> memref<1x128x64xf32, #tpu.memory_space<vmem>>
      %dma_wait3A_520 = tpu.memref_squeeze %dma_wait3A_519 : memref<1x128x64xf32, #tpu.memory_space<vmem>> -> memref<128x64xf32, #tpu.memory_space<vmem>>
      %dma_wait3A_521 = arith.constant 0 : i32
      %dma_wait3A_522 = tpu.memref_slice %arg5[%add3A_514, %dma_wait3A_521] : memref<200x128xi32, #tpu.memory_space<vmem>> -> memref<1x128xi32, #tpu.memory_space<vmem>>
      %dma_wait3A_523 = tpu.memref_squeeze %dma_wait3A_522 : memref<1x128xi32, #tpu.memory_space<vmem>> -> memref<128xi32, #tpu.memory_space<vmem>>
      %dma_wait3A_524 = arith.constant 0 : i32
      %dma_wait3A_525 = arith.constant 0 : i32
      %dma_wait3A_526 = tpu.memref_slice %arg2[%dma_wait3A_524, %dma_wait3A_525] : memref<100000x64xf32, #tpu.memory_space<hbm>> -> memref<100000x64xf32, #tpu.memory_space<hbm>>
      %dma_wait3A_527 = tpu.memref_slice %arg8[%dma_wait3A_516] : memref<2x!tpu.dma_semaphore, #tpu.memory_space<semaphore_mem>> -> memref<1x!tpu.dma_semaphore, #tpu.memory_space<semaphore_mem>>
      %dma_wait3A_528 = tpu.memref_squeeze %dma_wait3A_527 : memref<1x!tpu.dma_semaphore, #tpu.memory_space<semaphore_mem>> -> memref<!tpu.dma_semaphore, #tpu.memory_space<semaphore_mem>>
      tpu.wait_indirect_dma semaphore(%dma_wait3A_528 : memref<!tpu.dma_semaphore, #tpu.memory_space<semaphore_mem>>) src(%dma_wait3A_526 : memref<100000x64xf32, #tpu.memory_space<hbm>>) dst(%dma_wait3A_520 : memref<128x64xf32, #tpu.memory_space<vmem>>)
      %ge3A_529 = arith.constant 2 : i32
      %ge3A_530 = arith.cmpi sge, %add3A_514, %ge3A_529 : i32
      %convert_element_type3A_531 = arith.extui %ge3A_530 : i1 to i32
      %cond3A_532 = arith.constant 0 : i32
      %cond3A_533 = arith.cmpi ne, %convert_element_type3A_531, %cond3A_532 : i32
      scf.if %cond3A_533 {
        %sub3A = arith.constant 2 : i32
        %sub3A_680 = arith.subi %add3A_514, %sub3A : i32
        %dma_wait3A_681 = arith.constant 1 : i32
        %dma_wait3A_682 = arith.constant 0 : i32
        %dma_wait3A_683 = arith.constant 1 : i32
        %dma_wait3A_684 = arith.constant 0 : i32
        %dma_wait3A_685 = tpu.memref_slice %arg7[%dma_wait3A_681, %dma_wait3A_684] : memref<2x8192xf32, #tpu.memory_space<vmem>> -> memref<1x1024xf32, #tpu.memory_space<vmem>>
        %dma_wait3A_686 = tpu.memref_squeeze %dma_wait3A_685 : memref<1x1024xf32, #tpu.memory_space<vmem>> -> memref<1024xf32, #tpu.memory_space<vmem>>
        %dma_wait3A_687 = arith.constant 0 : i32
        %dma_wait3A_688 = tpu.memref_slice %arg4[%sub3A_680, %dma_wait3A_682, %add3A, %dma_wait3A_687] : memref<200x8x32x1024xf32, #tpu.memory_space<hbm>> -> memref<1x1x1x1024xf32, #tpu.memory_space<hbm>>
        %dma_wait3A_689 = tpu.memref_squeeze %dma_wait3A_688 : memref<1x1x1x1024xf32, #tpu.memory_space<hbm>> -> memref<1024xf32, #tpu.memory_space<hbm>>
        %dma_wait3A_690 = tpu.memref_slice %arg9[%dma_wait3A_683] : memref<2x!tpu.dma_semaphore, #tpu.memory_space<semaphore_mem>> -> memref<1x!tpu.dma_semaphore, #tpu.memory_space<semaphore_mem>>
        %dma_wait3A_691 = tpu.memref_squeeze %dma_wait3A_690 : memref<1x!tpu.dma_semaphore, #tpu.memory_space<semaphore_mem>> -> memref<!tpu.dma_semaphore, #tpu.memory_space<semaphore_mem>>
        %dma_wait3A_692 = arith.constant 0 : i32
        %dma_wait3A_693 = tpu.memref_slice %arg4[%sub3A_680, %dma_wait3A_682, %add3A, %dma_wait3A_692] : memref<200x8x32x1024xf32, #tpu.memory_space<hbm>> -> memref<1x1x1x1024xf32, #tpu.memory_space<hbm>>
        %dma_wait3A_694 = tpu.memref_squeeze %dma_wait3A_693 : memref<1x1x1x1024xf32, #tpu.memory_space<hbm>> -> memref<1024xf32, #tpu.memory_space<hbm>>
        %dma_wait3A_695 = arith.constant 0 : i32
        %dma_wait3A_696 = tpu.memref_slice %arg7[%dma_wait3A_681, %dma_wait3A_695] : memref<2x8192xf32, #tpu.memory_space<vmem>> -> memref<1x1024xf32, #tpu.memory_space<vmem>>
        %dma_wait3A_697 = tpu.memref_squeeze %dma_wait3A_696 : memref<1x1024xf32, #tpu.memory_space<vmem>> -> memref<1024xf32, #tpu.memory_space<vmem>>
        tpu.wait_dma2 semaphore(%dma_wait3A_691 : memref<!tpu.dma_semaphore, #tpu.memory_space<semaphore_mem>>) src(%dma_wait3A_697 : memref<1024xf32, #tpu.memory_space<vmem>>) dst(%dma_wait3A_694 : memref<1024xf32, #tpu.memory_space<hbm>>)
        %dma_wait3A_698 = arith.constant 1 : i32
        %dma_wait3A_699 = arith.constant 1 : i32
        %dma_wait3A_700 = arith.constant 1 : i32
        %dma_wait3A_701 = arith.constant 1024 : i32
        %dma_wait3A_702 = tpu.memref_slice %arg7[%dma_wait3A_698, %dma_wait3A_701] : memref<2x8192xf32, #tpu.memory_space<vmem>> -> memref<1x1024xf32, #tpu.memory_space<vmem>>
        %dma_wait3A_703 = tpu.memref_squeeze %dma_wait3A_702 : memref<1x1024xf32, #tpu.memory_space<vmem>> -> memref<1024xf32, #tpu.memory_space<vmem>>
        %dma_wait3A_704 = arith.constant 0 : i32
        %dma_wait3A_705 = tpu.memref_slice %arg4[%sub3A_680, %dma_wait3A_699, %add3A, %dma_wait3A_704] : memref<200x8x32x1024xf32, #tpu.memory_space<hbm>> -> memref<1x1x1x1024xf32, #tpu.memory_space<hbm>>
        %dma_wait3A_706 = tpu.memref_squeeze %dma_wait3A_705 : memref<1x1x1x1024xf32, #tpu.memory_space<hbm>> -> memref<1024xf32, #tpu.memory_space<hbm>>
        %dma_wait3A_707 = tpu.memref_slice %arg9[%dma_wait3A_700] : memref<2x!tpu.dma_semaphore, #tpu.memory_space<semaphore_mem>> -> memref<1x!tpu.dma_semaphore, #tpu.memory_space<semaphore_mem>>
        %dma_wait3A_708 = tpu.memref_squeeze %dma_wait3A_707 : memref<1x!tpu.dma_semaphore, #tpu.memory_space<semaphore_mem>> -> memref<!tpu.dma_semaphore, #tpu.memory_space<semaphore_mem>>
        %dma_wait3A_709 = arith.constant 0 : i32
        %dma_wait3A_710 = tpu.memref_slice %arg4[%sub3A_680, %dma_wait3A_699, %add3A, %dma_wait3A_709] : memref<200x8x32x1024xf32, #tpu.memory_space<hbm>> -> memref<1x1x1x1024xf32, #tpu.memory_space<hbm>>
        %dma_wait3A_711 = tpu.memref_squeeze %dma_wait3A_710 : memref<1x1x1x1024xf32, #tpu.memory_space<hbm>> -> memref<1024xf32, #tpu.memory_space<hbm>>
        %dma_wait3A_712 = arith.constant 1024 : i32
        %dma_wait3A_713 = tpu.memref_slice %arg7[%dma_wait3A_698, %dma_wait3A_712] : memref<2x8192xf32, #tpu.memory_space<vmem>> -> memref<1x1024xf32, #tpu.memory_space<vmem>>
        %dma_wait3A_714 = tpu.memref_squeeze %dma_wait3A_713 : memref<1x1024xf32, #tpu.memory_space<vmem>> -> memref<1024xf32, #tpu.memory_space<vmem>>
        tpu.wait_dma2 semaphore(%dma_wait3A_708 : memref<!tpu.dma_semaphore, #tpu.memory_space<semaphore_mem>>) src(%dma_wait3A_714 : memref<1024xf32, #tpu.memory_space<vmem>>) dst(%dma_wait3A_711 : memref<1024xf32, #tpu.memory_space<hbm>>)
        %dma_wait3A_715 = arith.constant 1 : i32
        %dma_wait3A_716 = arith.constant 2 : i32
        %dma_wait3A_717 = arith.constant 1 : i32
        %dma_wait3A_718 = arith.constant 2048 : i32
        %dma_wait3A_719 = tpu.memref_slice %arg7[%dma_wait3A_715, %dma_wait3A_718] : memref<2x8192xf32, #tpu.memory_space<vmem>> -> memref<1x1024xf32, #tpu.memory_space<vmem>>
        %dma_wait3A_720 = tpu.memref_squeeze %dma_wait3A_719 : memref<1x1024xf32, #tpu.memory_space<vmem>> -> memref<1024xf32, #tpu.memory_space<vmem>>
        %dma_wait3A_721 = arith.constant 0 : i32
        %dma_wait3A_722 = tpu.memref_slice %arg4[%sub3A_680, %dma_wait3A_716, %add3A, %dma_wait3A_721] : memref<200x8x32x1024xf32, #tpu.memory_space<hbm>> -> memref<1x1x1x1024xf32, #tpu.memory_space<hbm>>
        %dma_wait3A_723 = tpu.memref_squeeze %dma_wait3A_722 : memref<1x1x1x1024xf32, #tpu.memory_space<hbm>> -> memref<1024xf32, #tpu.memory_space<hbm>>
        %dma_wait3A_724 = tpu.memref_slice %arg9[%dma_wait3A_717] : memref<2x!tpu.dma_semaphore, #tpu.memory_space<semaphore_mem>> -> memref<1x!tpu.dma_semaphore, #tpu.memory_space<semaphore_mem>>
        %dma_wait3A_725 = tpu.memref_squeeze %dma_wait3A_724 : memref<1x!tpu.dma_semaphore, #tpu.memory_space<semaphore_mem>> -> memref<!tpu.dma_semaphore, #tpu.memory_space<semaphore_mem>>
        %dma_wait3A_726 = arith.constant 0 : i32
        %dma_wait3A_727 = tpu.memref_slice %arg4[%sub3A_680, %dma_wait3A_716, %add3A, %dma_wait3A_726] : memref<200x8x32x1024xf32, #tpu.memory_space<hbm>> -> memref<1x1x1x1024xf32, #tpu.memory_space<hbm>>
        %dma_wait3A_728 = tpu.memref_squeeze %dma_wait3A_727 : memref<1x1x1x1024xf32, #tpu.memory_space<hbm>> -> memref<1024xf32, #tpu.memory_space<hbm>>
        %dma_wait3A_729 = arith.constant 2048 : i32
        %dma_wait3A_730 = tpu.memref_slice %arg7[%dma_wait3A_715, %dma_wait3A_729] : memref<2x8192xf32, #tpu.memory_space<vmem>> -> memref<1x1024xf32, #tpu.memory_space<vmem>>
        %dma_wait3A_731 = tpu.memref_squeeze %dma_wait3A_730 : memref<1x1024xf32, #tpu.memory_space<vmem>> -> memref<1024xf32, #tpu.memory_space<vmem>>
        tpu.wait_dma2 semaphore(%dma_wait3A_725 : memref<!tpu.dma_semaphore, #tpu.memory_space<semaphore_mem>>) src(%dma_wait3A_731 : memref<1024xf32, #tpu.memory_space<vmem>>) dst(%dma_wait3A_728 : memref<1024xf32, #tpu.memory_space<hbm>>)
        %dma_wait3A_732 = arith.constant 1 : i32
        %dma_wait3A_733 = arith.constant 3 : i32
        %dma_wait3A_734 = arith.constant 1 : i32
        %dma_wait3A_735 = arith.constant 3072 : i32
        %dma_wait3A_736 = tpu.memref_slice %arg7[%dma_wait3A_732, %dma_wait3A_735] : memref<2x8192xf32, #tpu.memory_space<vmem>> -> memref<1x1024xf32, #tpu.memory_space<vmem>>
        %dma_wait3A_737 = tpu.memref_squeeze %dma_wait3A_736 : memref<1x1024xf32, #tpu.memory_space<vmem>> -> memref<1024xf32, #tpu.memory_space<vmem>>
        %dma_wait3A_738 = arith.constant 0 : i32
        %dma_wait3A_739 = tpu.memref_slice %arg4[%sub3A_680, %dma_wait3A_733, %add3A, %dma_wait3A_738] : memref<200x8x32x1024xf32, #tpu.memory_space<hbm>> -> memref<1x1x1x1024xf32, #tpu.memory_space<hbm>>
        %dma_wait3A_740 = tpu.memref_squeeze %dma_wait3A_739 : memref<1x1x1x1024xf32, #tpu.memory_space<hbm>> -> memref<1024xf32, #tpu.memory_space<hbm>>
        %dma_wait3A_741 = tpu.memref_slice %arg9[%dma_wait3A_734] : memref<2x!tpu.dma_semaphore, #tpu.memory_space<semaphore_mem>> -> memref<1x!tpu.dma_semaphore, #tpu.memory_space<semaphore_mem>>
        %dma_wait3A_742 = tpu.memref_squeeze %dma_wait3A_741 : memref<1x!tpu.dma_semaphore, #tpu.memory_space<semaphore_mem>> -> memref<!tpu.dma_semaphore, #tpu.memory_space<semaphore_mem>>
        %dma_wait3A_743 = arith.constant 0 : i32
        %dma_wait3A_744 = tpu.memref_slice %arg4[%sub3A_680, %dma_wait3A_733, %add3A, %dma_wait3A_743] : memref<200x8x32x1024xf32, #tpu.memory_space<hbm>> -> memref<1x1x1x1024xf32, #tpu.memory_space<hbm>>
        %dma_wait3A_745 = tpu.memref_squeeze %dma_wait3A_744 : memref<1x1x1x1024xf32, #tpu.memory_space<hbm>> -> memref<1024xf32, #tpu.memory_space<hbm>>
        %dma_wait3A_746 = arith.constant 3072 : i32
        %dma_wait3A_747 = tpu.memref_slice %arg7[%dma_wait3A_732, %dma_wait3A_746] : memref<2x8192xf32, #tpu.memory_space<vmem>> -> memref<1x1024xf32, #tpu.memory_space<vmem>>
        %dma_wait3A_748 = tpu.memref_squeeze %dma_wait3A_747 : memref<1x1024xf32, #tpu.memory_space<vmem>> -> memref<1024xf32, #tpu.memory_space<vmem>>
        tpu.wait_dma2 semaphore(%dma_wait3A_742 : memref<!tpu.dma_semaphore, #tpu.memory_space<semaphore_mem>>) src(%dma_wait3A_748 : memref<1024xf32, #tpu.memory_space<vmem>>) dst(%dma_wait3A_745 : memref<1024xf32, #tpu.memory_space<hbm>>)
        %dma_wait3A_749 = arith.constant 1 : i32
        %dma_wait3A_750 = arith.constant 4 : i32
        %dma_wait3A_751 = arith.constant 1 : i32
        %dma_wait3A_752 = arith.constant 4096 : i32
        %dma_wait3A_753 = tpu.memref_slice %arg7[%dma_wait3A_749, %dma_wait3A_752] : memref<2x8192xf32, #tpu.memory_space<vmem>> -> memref<1x1024xf32, #tpu.memory_space<vmem>>
        %dma_wait3A_754 = tpu.memref_squeeze %dma_wait3A_753 : memref<1x1024xf32, #tpu.memory_space<vmem>> -> memref<1024xf32, #tpu.memory_space<vmem>>
        %dma_wait3A_755 = arith.constant 0 : i32
        %dma_wait3A_756 = tpu.memref_slice %arg4[%sub3A_680, %dma_wait3A_750, %add3A, %dma_wait3A_755] : memref<200x8x32x1024xf32, #tpu.memory_space<hbm>> -> memref<1x1x1x1024xf32, #tpu.memory_space<hbm>>
        %dma_wait3A_757 = tpu.memref_squeeze %dma_wait3A_756 : memref<1x1x1x1024xf32, #tpu.memory_space<hbm>> -> memref<1024xf32, #tpu.memory_space<hbm>>
        %dma_wait3A_758 = tpu.memref_slice %arg9[%dma_wait3A_751] : memref<2x!tpu.dma_semaphore, #tpu.memory_space<semaphore_mem>> -> memref<1x!tpu.dma_semaphore, #tpu.memory_space<semaphore_mem>>
        %dma_wait3A_759 = tpu.memref_squeeze %dma_wait3A_758 : memref<1x!tpu.dma_semaphore, #tpu.memory_space<semaphore_mem>> -> memref<!tpu.dma_semaphore, #tpu.memory_space<semaphore_mem>>
        %dma_wait3A_760 = arith.constant 0 : i32
        %dma_wait3A_761 = tpu.memref_slice %arg4[%sub3A_680, %dma_wait3A_750, %add3A, %dma_wait3A_760] : memref<200x8x32x1024xf32, #tpu.memory_space<hbm>> -> memref<1x1x1x1024xf32, #tpu.memory_space<hbm>>
        %dma_wait3A_762 = tpu.memref_squeeze %dma_wait3A_761 : memref<1x1x1x1024xf32, #tpu.memory_space<hbm>> -> memref<1024xf32, #tpu.memory_space<hbm>>
        %dma_wait3A_763 = arith.constant 4096 : i32
        %dma_wait3A_764 = tpu.memref_slice %arg7[%dma_wait3A_749, %dma_wait3A_763] : memref<2x8192xf32, #tpu.memory_space<vmem>> -> memref<1x1024xf32, #tpu.memory_space<vmem>>
        %dma_wait3A_765 = tpu.memref_squeeze %dma_wait3A_764 : memref<1x1024xf32, #tpu.memory_space<vmem>> -> memref<1024xf32, #tpu.memory_space<vmem>>
        tpu.wait_dma2 semaphore(%dma_wait3A_759 : memref<!tpu.dma_semaphore, #tpu.memory_space<semaphore_mem>>) src(%dma_wait3A_765 : memref<1024xf32, #tpu.memory_space<vmem>>) dst(%dma_wait3A_762 : memref<1024xf32, #tpu.memory_space<hbm>>)
        %dma_wait3A_766 = arith.constant 1 : i32
        %dma_wait3A_767 = arith.constant 5 : i32
        %dma_wait3A_768 = arith.constant 1 : i32
        %dma_wait3A_769 = arith.constant 5120 : i32
        %dma_wait3A_770 = tpu.memref_slice %arg7[%dma_wait3A_766, %dma_wait3A_769] : memref<2x8192xf32, #tpu.memory_space<vmem>> -> memref<1x1024xf32, #tpu.memory_space<vmem>>
        %dma_wait3A_771 = tpu.memref_squeeze %dma_wait3A_770 : memref<1x1024xf32, #tpu.memory_space<vmem>> -> memref<1024xf32, #tpu.memory_space<vmem>>
        %dma_wait3A_772 = arith.constant 0 : i32
        %dma_wait3A_773 = tpu.memref_slice %arg4[%sub3A_680, %dma_wait3A_767, %add3A, %dma_wait3A_772] : memref<200x8x32x1024xf32, #tpu.memory_space<hbm>> -> memref<1x1x1x1024xf32, #tpu.memory_space<hbm>>
        %dma_wait3A_774 = tpu.memref_squeeze %dma_wait3A_773 : memref<1x1x1x1024xf32, #tpu.memory_space<hbm>> -> memref<1024xf32, #tpu.memory_space<hbm>>
        %dma_wait3A_775 = tpu.memref_slice %arg9[%dma_wait3A_768] : memref<2x!tpu.dma_semaphore, #tpu.memory_space<semaphore_mem>> -> memref<1x!tpu.dma_semaphore, #tpu.memory_space<semaphore_mem>>
        %dma_wait3A_776 = tpu.memref_squeeze %dma_wait3A_775 : memref<1x!tpu.dma_semaphore, #tpu.memory_space<semaphore_mem>> -> memref<!tpu.dma_semaphore, #tpu.memory_space<semaphore_mem>>
        %dma_wait3A_777 = arith.constant 0 : i32
        %dma_wait3A_778 = tpu.memref_slice %arg4[%sub3A_680, %dma_wait3A_767, %add3A, %dma_wait3A_777] : memref<200x8x32x1024xf32, #tpu.memory_space<hbm>> -> memref<1x1x1x1024xf32, #tpu.memory_space<hbm>>
        %dma_wait3A_779 = tpu.memref_squeeze %dma_wait3A_778 : memref<1x1x1x1024xf32, #tpu.memory_space<hbm>> -> memref<1024xf32, #tpu.memory_space<hbm>>
        %dma_wait3A_780 = arith.constant 5120 : i32
        %dma_wait3A_781 = tpu.memref_slice %arg7[%dma_wait3A_766, %dma_wait3A_780] : memref<2x8192xf32, #tpu.memory_space<vmem>> -> memref<1x1024xf32, #tpu.memory_space<vmem>>
        %dma_wait3A_782 = tpu.memref_squeeze %dma_wait3A_781 : memref<1x1024xf32, #tpu.memory_space<vmem>> -> memref<1024xf32, #tpu.memory_space<vmem>>
        tpu.wait_dma2 semaphore(%dma_wait3A_776 : memref<!tpu.dma_semaphore, #tpu.memory_space<semaphore_mem>>) src(%dma_wait3A_782 : memref<1024xf32, #tpu.memory_space<vmem>>) dst(%dma_wait3A_779 : memref<1024xf32, #tpu.memory_space<hbm>>)
        %dma_wait3A_783 = arith.constant 1 : i32
        %dma_wait3A_784 = arith.constant 6 : i32
        %dma_wait3A_785 = arith.constant 1 : i32
        %dma_wait3A_786 = arith.constant 6144 : i32
        %dma_wait3A_787 = tpu.memref_slice %arg7[%dma_wait3A_783, %dma_wait3A_786] : memref<2x8192xf32, #tpu.memory_space<vmem>> -> memref<1x1024xf32, #tpu.memory_space<vmem>>
        %dma_wait3A_788 = tpu.memref_squeeze %dma_wait3A_787 : memref<1x1024xf32, #tpu.memory_space<vmem>> -> memref<1024xf32, #tpu.memory_space<vmem>>
        %dma_wait3A_789 = arith.constant 0 : i32
        %dma_wait3A_790 = tpu.memref_slice %arg4[%sub3A_680, %dma_wait3A_784, %add3A, %dma_wait3A_789] : memref<200x8x32x1024xf32, #tpu.memory_space<hbm>> -> memref<1x1x1x1024xf32, #tpu.memory_space<hbm>>
        %dma_wait3A_791 = tpu.memref_squeeze %dma_wait3A_790 : memref<1x1x1x1024xf32, #tpu.memory_space<hbm>> -> memref<1024xf32, #tpu.memory_space<hbm>>
        %dma_wait3A_792 = tpu.memref_slice %arg9[%dma_wait3A_785] : memref<2x!tpu.dma_semaphore, #tpu.memory_space<semaphore_mem>> -> memref<1x!tpu.dma_semaphore, #tpu.memory_space<semaphore_mem>>
        %dma_wait3A_793 = tpu.memref_squeeze %dma_wait3A_792 : memref<1x!tpu.dma_semaphore, #tpu.memory_space<semaphore_mem>> -> memref<!tpu.dma_semaphore, #tpu.memory_space<semaphore_mem>>
        %dma_wait3A_794 = arith.constant 0 : i32
        %dma_wait3A_795 = tpu.memref_slice %arg4[%sub3A_680, %dma_wait3A_784, %add3A, %dma_wait3A_794] : memref<200x8x32x1024xf32, #tpu.memory_space<hbm>> -> memref<1x1x1x1024xf32, #tpu.memory_space<hbm>>
        %dma_wait3A_796 = tpu.memref_squeeze %dma_wait3A_795 : memref<1x1x1x1024xf32, #tpu.memory_space<hbm>> -> memref<1024xf32, #tpu.memory_space<hbm>>
        %dma_wait3A_797 = arith.constant 6144 : i32
        %dma_wait3A_798 = tpu.memref_slice %arg7[%dma_wait3A_783, %dma_wait3A_797] : memref<2x8192xf32, #tpu.memory_space<vmem>> -> memref<1x1024xf32, #tpu.memory_space<vmem>>
        %dma_wait3A_799 = tpu.memref_squeeze %dma_wait3A_798 : memref<1x1024xf32, #tpu.memory_space<vmem>> -> memref<1024xf32, #tpu.memory_space<vmem>>
        tpu.wait_dma2 semaphore(%dma_wait3A_793 : memref<!tpu.dma_semaphore, #tpu.memory_space<semaphore_mem>>) src(%dma_wait3A_799 : memref<1024xf32, #tpu.memory_space<vmem>>) dst(%dma_wait3A_796 : memref<1024xf32, #tpu.memory_space<hbm>>)
        %dma_wait3A_800 = arith.constant 1 : i32
        %dma_wait3A_801 = arith.constant 7 : i32
        %dma_wait3A_802 = arith.constant 1 : i32
        %dma_wait3A_803 = arith.constant 7168 : i32
        %dma_wait3A_804 = tpu.memref_slice %arg7[%dma_wait3A_800, %dma_wait3A_803] : memref<2x8192xf32, #tpu.memory_space<vmem>> -> memref<1x1024xf32, #tpu.memory_space<vmem>>
        %dma_wait3A_805 = tpu.memref_squeeze %dma_wait3A_804 : memref<1x1024xf32, #tpu.memory_space<vmem>> -> memref<1024xf32, #tpu.memory_space<vmem>>
        %dma_wait3A_806 = arith.constant 0 : i32
        %dma_wait3A_807 = tpu.memref_slice %arg4[%sub3A_680, %dma_wait3A_801, %add3A, %dma_wait3A_806] : memref<200x8x32x1024xf32, #tpu.memory_space<hbm>> -> memref<1x1x1x1024xf32, #tpu.memory_space<hbm>>
        %dma_wait3A_808 = tpu.memref_squeeze %dma_wait3A_807 : memref<1x1x1x1024xf32, #tpu.memory_space<hbm>> -> memref<1024xf32, #tpu.memory_space<hbm>>
        %dma_wait3A_809 = tpu.memref_slice %arg9[%dma_wait3A_802] : memref<2x!tpu.dma_semaphore, #tpu.memory_space<semaphore_mem>> -> memref<1x!tpu.dma_semaphore, #tpu.memory_space<semaphore_mem>>
        %dma_wait3A_810 = tpu.memref_squeeze %dma_wait3A_809 : memref<1x!tpu.dma_semaphore, #tpu.memory_space<semaphore_mem>> -> memref<!tpu.dma_semaphore, #tpu.memory_space<semaphore_mem>>
        %dma_wait3A_811 = arith.constant 0 : i32
        %dma_wait3A_812 = tpu.memref_slice %arg4[%sub3A_680, %dma_wait3A_801, %add3A, %dma_wait3A_811] : memref<200x8x32x1024xf32, #tpu.memory_space<hbm>> -> memref<1x1x1x1024xf32, #tpu.memory_space<hbm>>
        %dma_wait3A_813 = tpu.memref_squeeze %dma_wait3A_812 : memref<1x1x1x1024xf32, #tpu.memory_space<hbm>> -> memref<1024xf32, #tpu.memory_space<hbm>>
        %dma_wait3A_814 = arith.constant 7168 : i32
        %dma_wait3A_815 = tpu.memref_slice %arg7[%dma_wait3A_800, %dma_wait3A_814] : memref<2x8192xf32, #tpu.memory_space<vmem>> -> memref<1x1024xf32, #tpu.memory_space<vmem>>
        %dma_wait3A_816 = tpu.memref_squeeze %dma_wait3A_815 : memref<1x1024xf32, #tpu.memory_space<vmem>> -> memref<1024xf32, #tpu.memory_space<vmem>>
        tpu.wait_dma2 semaphore(%dma_wait3A_810 : memref<!tpu.dma_semaphore, #tpu.memory_space<semaphore_mem>>) src(%dma_wait3A_816 : memref<1024xf32, #tpu.memory_space<vmem>>) dst(%dma_wait3A_813 : memref<1024xf32, #tpu.memory_space<hbm>>)
      } else {
      }
      %parallel_loop3A_534 = arith.constant 0 : i32
      %parallel_loop3A_535 = arith.constant 64 : i32
      %parallel_loop3A_536 = arith.constant 1 : i32
      scf.for %parallel_loop3A_680 = %parallel_loop3A_534 to %parallel_loop3A_535 step %parallel_loop3A_536  : i32 {
        %parallel_loop3A_681 = vector.broadcast %parallel_loop3A_680 : i32 to vector<16xi32>
        %parallel_loop3A_682 = arith.addi %iota3A, %parallel_loop3A_681 : vector<16xi32>
        %parallel_loop3A_683 = arith.constant 63 : i32
        %parallel_loop3A_684 = vector.broadcast %parallel_loop3A_683 : i32 to vector<16xi32>
        %parallel_loop3A_685 = arith.andi %parallel_loop3A_682, %parallel_loop3A_684 : vector<16xi32>
        %parallel_loop3A_686 = arith.constant 7 : i32
        %parallel_loop3A_687 = vector.broadcast %parallel_loop3A_686 : i32 to vector<16xi32>
        %parallel_loop3A_688 = arith.shli %parallel_loop3A_685, %parallel_loop3A_687 : vector<16xi32>
        %parallel_loop3A_689 = arith.constant 1 : i32
        %parallel_loop3A_690 = arith.constant 0 : i32
        %parallel_loop3A_691 = arith.constant 0 : i32
        %parallel_loop3A_692 = tpu.memref_slice %arg6[%parallel_loop3A_689, %parallel_loop3A_690, %parallel_loop3A_691] : memref<2x128x64xf32, #tpu.memory_space<vmem>> -> memref<1x128x64xf32, #tpu.memory_space<vmem>>
        %parallel_loop3A_693 = tpu.memref_squeeze %parallel_loop3A_692 : memref<1x128x64xf32, #tpu.memory_space<vmem>> -> memref<128x64xf32, #tpu.memory_space<vmem>>
        %parallel_loop3A_694 = tpu.vector_load_idx %parallel_loop3A_693[%add3A_5, %parallel_loop3A_685] : memref<128x64xf32, #tpu.memory_space<vmem>>[vector<16xi32>, vector<16xi32>], vector<16xf32>,
        %parallel_loop3A_695 = arith.addi %parallel_loop3A_688, %add3A_5 : vector<16xi32>
        %parallel_loop3A_696 = arith.constant 1 : i32
        %parallel_loop3A_697 = arith.constant 0 : i32
        %parallel_loop3A_698 = tpu.memref_slice %arg7[%parallel_loop3A_696, %parallel_loop3A_697] : memref<2x8192xf32, #tpu.memory_space<vmem>> -> memref<1x8192xf32, #tpu.memory_space<vmem>>
        %parallel_loop3A_699 = tpu.memref_squeeze %parallel_loop3A_698 : memref<1x8192xf32, #tpu.memory_space<vmem>> -> memref<8192xf32, #tpu.memory_space<vmem>>
        tpu.vector_store_idx %parallel_loop3A_699[%parallel_loop3A_695], %parallel_loop3A_694 : memref<8192xf32, #tpu.memory_space<vmem>>[vector<16xi32>], vector<16xf32>,
        %parallel_loop3A_700 = arith.constant 1 : i32
        %parallel_loop3A_701 = arith.constant 0 : i32
        %parallel_loop3A_702 = arith.constant 0 : i32
        %parallel_loop3A_703 = tpu.memref_slice %arg6[%parallel_loop3A_700, %parallel_loop3A_701, %parallel_loop3A_702] : memref<2x128x64xf32, #tpu.memory_space<vmem>> -> memref<1x128x64xf32, #tpu.memory_space<vmem>>
        %parallel_loop3A_704 = tpu.memref_squeeze %parallel_loop3A_703 : memref<1x128x64xf32, #tpu.memory_space<vmem>> -> memref<128x64xf32, #tpu.memory_space<vmem>>
        %parallel_loop3A_705 = tpu.vector_load_idx %parallel_loop3A_704[%add3A_8, %parallel_loop3A_685] : memref<128x64xf32, #tpu.memory_space<vmem>>[vector<16xi32>, vector<16xi32>], vector<16xf32>,
        %parallel_loop3A_706 = arith.addi %parallel_loop3A_688, %add3A_8 : vector<16xi32>
        %parallel_loop3A_707 = arith.constant 1 : i32
        %parallel_loop3A_708 = arith.constant 0 : i32
        %parallel_loop3A_709 = tpu.memref_slice %arg7[%parallel_loop3A_707, %parallel_loop3A_708] : memref<2x8192xf32, #tpu.memory_space<vmem>> -> memref<1x8192xf32, #tpu.memory_space<vmem>>
        %parallel_loop3A_710 = tpu.memref_squeeze %parallel_loop3A_709 : memref<1x8192xf32, #tpu.memory_space<vmem>> -> memref<8192xf32, #tpu.memory_space<vmem>>
        tpu.vector_store_idx %parallel_loop3A_710[%parallel_loop3A_706], %parallel_loop3A_705 : memref<8192xf32, #tpu.memory_space<vmem>>[vector<16xi32>], vector<16xf32>,
        %parallel_loop3A_711 = arith.constant 1 : i32
        %parallel_loop3A_712 = arith.constant 0 : i32
        %parallel_loop3A_713 = arith.constant 0 : i32
        %parallel_loop3A_714 = tpu.memref_slice %arg6[%parallel_loop3A_711, %parallel_loop3A_712, %parallel_loop3A_713] : memref<2x128x64xf32, #tpu.memory_space<vmem>> -> memref<1x128x64xf32, #tpu.memory_space<vmem>>
        %parallel_loop3A_715 = tpu.memref_squeeze %parallel_loop3A_714 : memref<1x128x64xf32, #tpu.memory_space<vmem>> -> memref<128x64xf32, #tpu.memory_space<vmem>>
        %parallel_loop3A_716 = tpu.vector_load_idx %parallel_loop3A_715[%add3A_11, %parallel_loop3A_685] : memref<128x64xf32, #tpu.memory_space<vmem>>[vector<16xi32>, vector<16xi32>], vector<16xf32>,
        %parallel_loop3A_717 = arith.addi %parallel_loop3A_688, %add3A_11 : vector<16xi32>
        %parallel_loop3A_718 = arith.constant 1 : i32
        %parallel_loop3A_719 = arith.constant 0 : i32
        %parallel_loop3A_720 = tpu.memref_slice %arg7[%parallel_loop3A_718, %parallel_loop3A_719] : memref<2x8192xf32, #tpu.memory_space<vmem>> -> memref<1x8192xf32, #tpu.memory_space<vmem>>
        %parallel_loop3A_721 = tpu.memref_squeeze %parallel_loop3A_720 : memref<1x8192xf32, #tpu.memory_space<vmem>> -> memref<8192xf32, #tpu.memory_space<vmem>>
        tpu.vector_store_idx %parallel_loop3A_721[%parallel_loop3A_717], %parallel_loop3A_716 : memref<8192xf32, #tpu.memory_space<vmem>>[vector<16xi32>], vector<16xf32>,
        %parallel_loop3A_722 = arith.constant 1 : i32
        %parallel_loop3A_723 = arith.constant 0 : i32
        %parallel_loop3A_724 = arith.constant 0 : i32
        %parallel_loop3A_725 = tpu.memref_slice %arg6[%parallel_loop3A_722, %parallel_loop3A_723, %parallel_loop3A_724] : memref<2x128x64xf32, #tpu.memory_space<vmem>> -> memref<1x128x64xf32, #tpu.memory_space<vmem>>
        %parallel_loop3A_726 = tpu.memref_squeeze %parallel_loop3A_725 : memref<1x128x64xf32, #tpu.memory_space<vmem>> -> memref<128x64xf32, #tpu.memory_space<vmem>>
        %parallel_loop3A_727 = tpu.vector_load_idx %parallel_loop3A_726[%add3A_14, %parallel_loop3A_685] : memref<128x64xf32, #tpu.memory_space<vmem>>[vector<16xi32>, vector<16xi32>], vector<16xf32>,
        %parallel_loop3A_728 = arith.addi %parallel_loop3A_688, %add3A_14 : vector<16xi32>
        %parallel_loop3A_729 = arith.constant 1 : i32
        %parallel_loop3A_730 = arith.constant 0 : i32
        %parallel_loop3A_731 = tpu.memref_slice %arg7[%parallel_loop3A_729, %parallel_loop3A_730] : memref<2x8192xf32, #tpu.memory_space<vmem>> -> memref<1x8192xf32, #tpu.memory_space<vmem>>
        %parallel_loop3A_732 = tpu.memref_squeeze %parallel_loop3A_731 : memref<1x8192xf32, #tpu.memory_space<vmem>> -> memref<8192xf32, #tpu.memory_space<vmem>>
        tpu.vector_store_idx %parallel_loop3A_732[%parallel_loop3A_728], %parallel_loop3A_727 : memref<8192xf32, #tpu.memory_space<vmem>>[vector<16xi32>], vector<16xf32>,
        %parallel_loop3A_733 = arith.constant 1 : i32
        %parallel_loop3A_734 = arith.constant 0 : i32
        %parallel_loop3A_735 = arith.constant 0 : i32
        %parallel_loop3A_736 = tpu.memref_slice %arg6[%parallel_loop3A_733, %parallel_loop3A_734, %parallel_loop3A_735] : memref<2x128x64xf32, #tpu.memory_space<vmem>> -> memref<1x128x64xf32, #tpu.memory_space<vmem>>
        %parallel_loop3A_737 = tpu.memref_squeeze %parallel_loop3A_736 : memref<1x128x64xf32, #tpu.memory_space<vmem>> -> memref<128x64xf32, #tpu.memory_space<vmem>>
        %parallel_loop3A_738 = tpu.vector_load_idx %parallel_loop3A_737[%add3A_17, %parallel_loop3A_685] : memref<128x64xf32, #tpu.memory_space<vmem>>[vector<16xi32>, vector<16xi32>], vector<16xf32>,
        %parallel_loop3A_739 = arith.addi %parallel_loop3A_688, %add3A_17 : vector<16xi32>
        %parallel_loop3A_740 = arith.constant 1 : i32
        %parallel_loop3A_741 = arith.constant 0 : i32
        %parallel_loop3A_742 = tpu.memref_slice %arg7[%parallel_loop3A_740, %parallel_loop3A_741] : memref<2x8192xf32, #tpu.memory_space<vmem>> -> memref<1x8192xf32, #tpu.memory_space<vmem>>
        %parallel_loop3A_743 = tpu.memref_squeeze %parallel_loop3A_742 : memref<1x8192xf32, #tpu.memory_space<vmem>> -> memref<8192xf32, #tpu.memory_space<vmem>>
        tpu.vector_store_idx %parallel_loop3A_743[%parallel_loop3A_739], %parallel_loop3A_738 : memref<8192xf32, #tpu.memory_space<vmem>>[vector<16xi32>], vector<16xf32>,
        %parallel_loop3A_744 = arith.constant 1 : i32
        %parallel_loop3A_745 = arith.constant 0 : i32
        %parallel_loop3A_746 = arith.constant 0 : i32
        %parallel_loop3A_747 = tpu.memref_slice %arg6[%parallel_loop3A_744, %parallel_loop3A_745, %parallel_loop3A_746] : memref<2x128x64xf32, #tpu.memory_space<vmem>> -> memref<1x128x64xf32, #tpu.memory_space<vmem>>
        %parallel_loop3A_748 = tpu.memref_squeeze %parallel_loop3A_747 : memref<1x128x64xf32, #tpu.memory_space<vmem>> -> memref<128x64xf32, #tpu.memory_space<vmem>>
        %parallel_loop3A_749 = tpu.vector_load_idx %parallel_loop3A_748[%add3A_20, %parallel_loop3A_685] : memref<128x64xf32, #tpu.memory_space<vmem>>[vector<16xi32>, vector<16xi32>], vector<16xf32>,
        %parallel_loop3A_750 = arith.addi %parallel_loop3A_688, %add3A_20 : vector<16xi32>
        %parallel_loop3A_751 = arith.constant 1 : i32
        %parallel_loop3A_752 = arith.constant 0 : i32
        %parallel_loop3A_753 = tpu.memref_slice %arg7[%parallel_loop3A_751, %parallel_loop3A_752] : memref<2x8192xf32, #tpu.memory_space<vmem>> -> memref<1x8192xf32, #tpu.memory_space<vmem>>
        %parallel_loop3A_754 = tpu.memref_squeeze %parallel_loop3A_753 : memref<1x8192xf32, #tpu.memory_space<vmem>> -> memref<8192xf32, #tpu.memory_space<vmem>>
        tpu.vector_store_idx %parallel_loop3A_754[%parallel_loop3A_750], %parallel_loop3A_749 : memref<8192xf32, #tpu.memory_space<vmem>>[vector<16xi32>], vector<16xf32>,
        %parallel_loop3A_755 = arith.constant 1 : i32
        %parallel_loop3A_756 = arith.constant 0 : i32
        %parallel_loop3A_757 = arith.constant 0 : i32
        %parallel_loop3A_758 = tpu.memref_slice %arg6[%parallel_loop3A_755, %parallel_loop3A_756, %parallel_loop3A_757] : memref<2x128x64xf32, #tpu.memory_space<vmem>> -> memref<1x128x64xf32, #tpu.memory_space<vmem>>
        %parallel_loop3A_759 = tpu.memref_squeeze %parallel_loop3A_758 : memref<1x128x64xf32, #tpu.memory_space<vmem>> -> memref<128x64xf32, #tpu.memory_space<vmem>>
        %parallel_loop3A_760 = tpu.vector_load_idx %parallel_loop3A_759[%add3A_23, %parallel_loop3A_685] : memref<128x64xf32, #tpu.memory_space<vmem>>[vector<16xi32>, vector<16xi32>], vector<16xf32>,
        %parallel_loop3A_761 = arith.addi %parallel_loop3A_688, %add3A_23 : vector<16xi32>
        %parallel_loop3A_762 = arith.constant 1 : i32
        %parallel_loop3A_763 = arith.constant 0 : i32
        %parallel_loop3A_764 = tpu.memref_slice %arg7[%parallel_loop3A_762, %parallel_loop3A_763] : memref<2x8192xf32, #tpu.memory_space<vmem>> -> memref<1x8192xf32, #tpu.memory_space<vmem>>
        %parallel_loop3A_765 = tpu.memref_squeeze %parallel_loop3A_764 : memref<1x8192xf32, #tpu.memory_space<vmem>> -> memref<8192xf32, #tpu.memory_space<vmem>>
        tpu.vector_store_idx %parallel_loop3A_765[%parallel_loop3A_761], %parallel_loop3A_760 : memref<8192xf32, #tpu.memory_space<vmem>>[vector<16xi32>], vector<16xf32>,
        %parallel_loop3A_766 = arith.constant 1 : i32
        %parallel_loop3A_767 = arith.constant 0 : i32
        %parallel_loop3A_768 = arith.constant 0 : i32
        %parallel_loop3A_769 = tpu.memref_slice %arg6[%parallel_loop3A_766, %parallel_loop3A_767, %parallel_loop3A_768] : memref<2x128x64xf32, #tpu.memory_space<vmem>> -> memref<1x128x64xf32, #tpu.memory_space<vmem>>
        %parallel_loop3A_770 = tpu.memref_squeeze %parallel_loop3A_769 : memref<1x128x64xf32, #tpu.memory_space<vmem>> -> memref<128x64xf32, #tpu.memory_space<vmem>>
        %parallel_loop3A_771 = tpu.vector_load_idx %parallel_loop3A_770[%add3A_26, %parallel_loop3A_685] : memref<128x64xf32, #tpu.memory_space<vmem>>[vector<16xi32>, vector<16xi32>], vector<16xf32>,
        %parallel_loop3A_772 = arith.addi %parallel_loop3A_688, %add3A_26 : vector<16xi32>
        %parallel_loop3A_773 = arith.constant 1 : i32
        %parallel_loop3A_774 = arith.constant 0 : i32
        %parallel_loop3A_775 = tpu.memref_slice %arg7[%parallel_loop3A_773, %parallel_loop3A_774] : memref<2x8192xf32, #tpu.memory_space<vmem>> -> memref<1x8192xf32, #tpu.memory_space<vmem>>
        %parallel_loop3A_776 = tpu.memref_squeeze %parallel_loop3A_775 : memref<1x8192xf32, #tpu.memory_space<vmem>> -> memref<8192xf32, #tpu.memory_space<vmem>>
        tpu.vector_store_idx %parallel_loop3A_776[%parallel_loop3A_772], %parallel_loop3A_771 : memref<8192xf32, #tpu.memory_space<vmem>>[vector<16xi32>], vector<16xf32>,
      } {sc.loop_unroll_factor = 16 : i64, sc.parallel_access}
      %dma_start3A_537 = arith.constant 1 : i32
      %dma_start3A_538 = arith.constant 0 : i32
      %dma_start3A_539 = arith.constant 1 : i32
      %dma_start3A_540 = arith.constant 0 : i32
      %dma_start3A_541 = tpu.memref_slice %arg7[%dma_start3A_537, %dma_start3A_540] : memref<2x8192xf32, #tpu.memory_space<vmem>> -> memref<1x1024xf32, #tpu.memory_space<vmem>>
      %dma_start3A_542 = tpu.memref_squeeze %dma_start3A_541 : memref<1x1024xf32, #tpu.memory_space<vmem>> -> memref<1024xf32, #tpu.memory_space<vmem>>
      %dma_start3A_543 = arith.constant 0 : i32
      %dma_start3A_544 = tpu.memref_slice %arg4[%add3A_514, %dma_start3A_538, %add3A, %dma_start3A_543] : memref<200x8x32x1024xf32, #tpu.memory_space<hbm>> -> memref<1x1x1x1024xf32, #tpu.memory_space<hbm>>
      %dma_start3A_545 = tpu.memref_squeeze %dma_start3A_544 : memref<1x1x1x1024xf32, #tpu.memory_space<hbm>> -> memref<1024xf32, #tpu.memory_space<hbm>>
      %dma_start3A_546 = tpu.memref_slice %arg9[%dma_start3A_539] : memref<2x!tpu.dma_semaphore, #tpu.memory_space<semaphore_mem>> -> memref<1x!tpu.dma_semaphore, #tpu.memory_space<semaphore_mem>>
      %dma_start3A_547 = tpu.memref_squeeze %dma_start3A_546 : memref<1x!tpu.dma_semaphore, #tpu.memory_space<semaphore_mem>> -> memref<!tpu.dma_semaphore, #tpu.memory_space<semaphore_mem>>
      %dma_start3A_548 = arith.constant 0 : i32
      %dma_start3A_549 = tpu.memref_slice %arg4[%add3A_514, %dma_start3A_538, %add3A, %dma_start3A_548] : memref<200x8x32x1024xf32, #tpu.memory_space<hbm>> -> memref<1x1x1x1024xf32, #tpu.memory_space<hbm>>
      %dma_start3A_550 = tpu.memref_squeeze %dma_start3A_549 : memref<1x1x1x1024xf32, #tpu.memory_space<hbm>> -> memref<1024xf32, #tpu.memory_space<hbm>>
      %dma_start3A_551 = arith.constant 0 : i32
      %dma_start3A_552 = tpu.memref_slice %arg7[%dma_start3A_537, %dma_start3A_551] : memref<2x8192xf32, #tpu.memory_space<vmem>> -> memref<1x1024xf32, #tpu.memory_space<vmem>>
      %dma_start3A_553 = tpu.memref_squeeze %dma_start3A_552 : memref<1x1024xf32, #tpu.memory_space<vmem>> -> memref<1024xf32, #tpu.memory_space<vmem>>
      tpu.enqueue_dma source(%dma_start3A_553 : memref<1024xf32, #tpu.memory_space<vmem>>) target(%dma_start3A_550 : memref<1024xf32, #tpu.memory_space<hbm>>) target_semaphore(%dma_start3A_547 : memref<!tpu.dma_semaphore, #tpu.memory_space<semaphore_mem>>)
      %dma_start3A_554 = arith.constant 1 : i32
      %dma_start3A_555 = arith.constant 1 : i32
      %dma_start3A_556 = arith.constant 1 : i32
      %dma_start3A_557 = arith.constant 1024 : i32
      %dma_start3A_558 = tpu.memref_slice %arg7[%dma_start3A_554, %dma_start3A_557] : memref<2x8192xf32, #tpu.memory_space<vmem>> -> memref<1x1024xf32, #tpu.memory_space<vmem>>
      %dma_start3A_559 = tpu.memref_squeeze %dma_start3A_558 : memref<1x1024xf32, #tpu.memory_space<vmem>> -> memref<1024xf32, #tpu.memory_space<vmem>>
      %dma_start3A_560 = arith.constant 0 : i32
      %dma_start3A_561 = tpu.memref_slice %arg4[%add3A_514, %dma_start3A_555, %add3A, %dma_start3A_560] : memref<200x8x32x1024xf32, #tpu.memory_space<hbm>> -> memref<1x1x1x1024xf32, #tpu.memory_space<hbm>>
      %dma_start3A_562 = tpu.memref_squeeze %dma_start3A_561 : memref<1x1x1x1024xf32, #tpu.memory_space<hbm>> -> memref<1024xf32, #tpu.memory_space<hbm>>
      %dma_start3A_563 = tpu.memref_slice %arg9[%dma_start3A_556] : memref<2x!tpu.dma_semaphore, #tpu.memory_space<semaphore_mem>> -> memref<1x!tpu.dma_semaphore, #tpu.memory_space<semaphore_mem>>
      %dma_start3A_564 = tpu.memref_squeeze %dma_start3A_563 : memref<1x!tpu.dma_semaphore, #tpu.memory_space<semaphore_mem>> -> memref<!tpu.dma_semaphore, #tpu.memory_space<semaphore_mem>>
      %dma_start3A_565 = arith.constant 0 : i32
      %dma_start3A_566 = tpu.memref_slice %arg4[%add3A_514, %dma_start3A_555, %add3A, %dma_start3A_565] : memref<200x8x32x1024xf32, #tpu.memory_space<hbm>> -> memref<1x1x1x1024xf32, #tpu.memory_space<hbm>>
      %dma_start3A_567 = tpu.memref_squeeze %dma_start3A_566 : memref<1x1x1x1024xf32, #tpu.memory_space<hbm>> -> memref<1024xf32, #tpu.memory_space<hbm>>
      %dma_start3A_568 = arith.constant 1024 : i32
      %dma_start3A_569 = tpu.memref_slice %arg7[%dma_start3A_554, %dma_start3A_568] : memref<2x8192xf32, #tpu.memory_space<vmem>> -> memref<1x1024xf32, #tpu.memory_space<vmem>>
      %dma_start3A_570 = tpu.memref_squeeze %dma_start3A_569 : memref<1x1024xf32, #tpu.memory_space<vmem>> -> memref<1024xf32, #tpu.memory_space<vmem>>
      tpu.enqueue_dma source(%dma_start3A_570 : memref<1024xf32, #tpu.memory_space<vmem>>) target(%dma_start3A_567 : memref<1024xf32, #tpu.memory_space<hbm>>) target_semaphore(%dma_start3A_564 : memref<!tpu.dma_semaphore, #tpu.memory_space<semaphore_mem>>)
      %dma_start3A_571 = arith.constant 1 : i32
      %dma_start3A_572 = arith.constant 2 : i32
      %dma_start3A_573 = arith.constant 1 : i32
      %dma_start3A_574 = arith.constant 2048 : i32
      %dma_start3A_575 = tpu.memref_slice %arg7[%dma_start3A_571, %dma_start3A_574] : memref<2x8192xf32, #tpu.memory_space<vmem>> -> memref<1x1024xf32, #tpu.memory_space<vmem>>
      %dma_start3A_576 = tpu.memref_squeeze %dma_start3A_575 : memref<1x1024xf32, #tpu.memory_space<vmem>> -> memref<1024xf32, #tpu.memory_space<vmem>>
      %dma_start3A_577 = arith.constant 0 : i32
      %dma_start3A_578 = tpu.memref_slice %arg4[%add3A_514, %dma_start3A_572, %add3A, %dma_start3A_577] : memref<200x8x32x1024xf32, #tpu.memory_space<hbm>> -> memref<1x1x1x1024xf32, #tpu.memory_space<hbm>>
      %dma_start3A_579 = tpu.memref_squeeze %dma_start3A_578 : memref<1x1x1x1024xf32, #tpu.memory_space<hbm>> -> memref<1024xf32, #tpu.memory_space<hbm>>
      %dma_start3A_580 = tpu.memref_slice %arg9[%dma_start3A_573] : memref<2x!tpu.dma_semaphore, #tpu.memory_space<semaphore_mem>> -> memref<1x!tpu.dma_semaphore, #tpu.memory_space<semaphore_mem>>
      %dma_start3A_581 = tpu.memref_squeeze %dma_start3A_580 : memref<1x!tpu.dma_semaphore, #tpu.memory_space<semaphore_mem>> -> memref<!tpu.dma_semaphore, #tpu.memory_space<semaphore_mem>>
      %dma_start3A_582 = arith.constant 0 : i32
      %dma_start3A_583 = tpu.memref_slice %arg4[%add3A_514, %dma_start3A_572, %add3A, %dma_start3A_582] : memref<200x8x32x1024xf32, #tpu.memory_space<hbm>> -> memref<1x1x1x1024xf32, #tpu.memory_space<hbm>>
      %dma_start3A_584 = tpu.memref_squeeze %dma_start3A_583 : memref<1x1x1x1024xf32, #tpu.memory_space<hbm>> -> memref<1024xf32, #tpu.memory_space<hbm>>
      %dma_start3A_585 = arith.constant 2048 : i32
      %dma_start3A_586 = tpu.memref_slice %arg7[%dma_start3A_571, %dma_start3A_585] : memref<2x8192xf32, #tpu.memory_space<vmem>> -> memref<1x1024xf32, #tpu.memory_space<vmem>>
      %dma_start3A_587 = tpu.memref_squeeze %dma_start3A_586 : memref<1x1024xf32, #tpu.memory_space<vmem>> -> memref<1024xf32, #tpu.memory_space<vmem>>
      tpu.enqueue_dma source(%dma_start3A_587 : memref<1024xf32, #tpu.memory_space<vmem>>) target(%dma_start3A_584 : memref<1024xf32, #tpu.memory_space<hbm>>) target_semaphore(%dma_start3A_581 : memref<!tpu.dma_semaphore, #tpu.memory_space<semaphore_mem>>)
      %dma_start3A_588 = arith.constant 1 : i32
      %dma_start3A_589 = arith.constant 3 : i32
      %dma_start3A_590 = arith.constant 1 : i32
      %dma_start3A_591 = arith.constant 3072 : i32
      %dma_start3A_592 = tpu.memref_slice %arg7[%dma_start3A_588, %dma_start3A_591] : memref<2x8192xf32, #tpu.memory_space<vmem>> -> memref<1x1024xf32, #tpu.memory_space<vmem>>
      %dma_start3A_593 = tpu.memref_squeeze %dma_start3A_592 : memref<1x1024xf32, #tpu.memory_space<vmem>> -> memref<1024xf32, #tpu.memory_space<vmem>>
      %dma_start3A_594 = arith.constant 0 : i32
      %dma_start3A_595 = tpu.memref_slice %arg4[%add3A_514, %dma_start3A_589, %add3A, %dma_start3A_594] : memref<200x8x32x1024xf32, #tpu.memory_space<hbm>> -> memref<1x1x1x1024xf32, #tpu.memory_space<hbm>>
      %dma_start3A_596 = tpu.memref_squeeze %dma_start3A_595 : memref<1x1x1x1024xf32, #tpu.memory_space<hbm>> -> memref<1024xf32, #tpu.memory_space<hbm>>
      %dma_start3A_597 = tpu.memref_slice %arg9[%dma_start3A_590] : memref<2x!tpu.dma_semaphore, #tpu.memory_space<semaphore_mem>> -> memref<1x!tpu.dma_semaphore, #tpu.memory_space<semaphore_mem>>
      %dma_start3A_598 = tpu.memref_squeeze %dma_start3A_597 : memref<1x!tpu.dma_semaphore, #tpu.memory_space<semaphore_mem>> -> memref<!tpu.dma_semaphore, #tpu.memory_space<semaphore_mem>>
      %dma_start3A_599 = arith.constant 0 : i32
      %dma_start3A_600 = tpu.memref_slice %arg4[%add3A_514, %dma_start3A_589, %add3A, %dma_start3A_599] : memref<200x8x32x1024xf32, #tpu.memory_space<hbm>> -> memref<1x1x1x1024xf32, #tpu.memory_space<hbm>>
      %dma_start3A_601 = tpu.memref_squeeze %dma_start3A_600 : memref<1x1x1x1024xf32, #tpu.memory_space<hbm>> -> memref<1024xf32, #tpu.memory_space<hbm>>
      %dma_start3A_602 = arith.constant 3072 : i32
      %dma_start3A_603 = tpu.memref_slice %arg7[%dma_start3A_588, %dma_start3A_602] : memref<2x8192xf32, #tpu.memory_space<vmem>> -> memref<1x1024xf32, #tpu.memory_space<vmem>>
      %dma_start3A_604 = tpu.memref_squeeze %dma_start3A_603 : memref<1x1024xf32, #tpu.memory_space<vmem>> -> memref<1024xf32, #tpu.memory_space<vmem>>
      tpu.enqueue_dma source(%dma_start3A_604 : memref<1024xf32, #tpu.memory_space<vmem>>) target(%dma_start3A_601 : memref<1024xf32, #tpu.memory_space<hbm>>) target_semaphore(%dma_start3A_598 : memref<!tpu.dma_semaphore, #tpu.memory_space<semaphore_mem>>)
      %dma_start3A_605 = arith.constant 1 : i32
      %dma_start3A_606 = arith.constant 4 : i32
      %dma_start3A_607 = arith.constant 1 : i32
      %dma_start3A_608 = arith.constant 4096 : i32
      %dma_start3A_609 = tpu.memref_slice %arg7[%dma_start3A_605, %dma_start3A_608] : memref<2x8192xf32, #tpu.memory_space<vmem>> -> memref<1x1024xf32, #tpu.memory_space<vmem>>
      %dma_start3A_610 = tpu.memref_squeeze %dma_start3A_609 : memref<1x1024xf32, #tpu.memory_space<vmem>> -> memref<1024xf32, #tpu.memory_space<vmem>>
      %dma_start3A_611 = arith.constant 0 : i32
      %dma_start3A_612 = tpu.memref_slice %arg4[%add3A_514, %dma_start3A_606, %add3A, %dma_start3A_611] : memref<200x8x32x1024xf32, #tpu.memory_space<hbm>> -> memref<1x1x1x1024xf32, #tpu.memory_space<hbm>>
      %dma_start3A_613 = tpu.memref_squeeze %dma_start3A_612 : memref<1x1x1x1024xf32, #tpu.memory_space<hbm>> -> memref<1024xf32, #tpu.memory_space<hbm>>
      %dma_start3A_614 = tpu.memref_slice %arg9[%dma_start3A_607] : memref<2x!tpu.dma_semaphore, #tpu.memory_space<semaphore_mem>> -> memref<1x!tpu.dma_semaphore, #tpu.memory_space<semaphore_mem>>
      %dma_start3A_615 = tpu.memref_squeeze %dma_start3A_614 : memref<1x!tpu.dma_semaphore, #tpu.memory_space<semaphore_mem>> -> memref<!tpu.dma_semaphore, #tpu.memory_space<semaphore_mem>>
      %dma_start3A_616 = arith.constant 0 : i32
      %dma_start3A_617 = tpu.memref_slice %arg4[%add3A_514, %dma_start3A_606, %add3A, %dma_start3A_616] : memref<200x8x32x1024xf32, #tpu.memory_space<hbm>> -> memref<1x1x1x1024xf32, #tpu.memory_space<hbm>>
      %dma_start3A_618 = tpu.memref_squeeze %dma_start3A_617 : memref<1x1x1x1024xf32, #tpu.memory_space<hbm>> -> memref<1024xf32, #tpu.memory_space<hbm>>
      %dma_start3A_619 = arith.constant 4096 : i32
      %dma_start3A_620 = tpu.memref_slice %arg7[%dma_start3A_605, %dma_start3A_619] : memref<2x8192xf32, #tpu.memory_space<vmem>> -> memref<1x1024xf32, #tpu.memory_space<vmem>>
      %dma_start3A_621 = tpu.memref_squeeze %dma_start3A_620 : memref<1x1024xf32, #tpu.memory_space<vmem>> -> memref<1024xf32, #tpu.memory_space<vmem>>
      tpu.enqueue_dma source(%dma_start3A_621 : memref<1024xf32, #tpu.memory_space<vmem>>) target(%dma_start3A_618 : memref<1024xf32, #tpu.memory_space<hbm>>) target_semaphore(%dma_start3A_615 : memref<!tpu.dma_semaphore, #tpu.memory_space<semaphore_mem>>)
      %dma_start3A_622 = arith.constant 1 : i32
      %dma_start3A_623 = arith.constant 5 : i32
      %dma_start3A_624 = arith.constant 1 : i32
      %dma_start3A_625 = arith.constant 5120 : i32
      %dma_start3A_626 = tpu.memref_slice %arg7[%dma_start3A_622, %dma_start3A_625] : memref<2x8192xf32, #tpu.memory_space<vmem>> -> memref<1x1024xf32, #tpu.memory_space<vmem>>
      %dma_start3A_627 = tpu.memref_squeeze %dma_start3A_626 : memref<1x1024xf32, #tpu.memory_space<vmem>> -> memref<1024xf32, #tpu.memory_space<vmem>>
      %dma_start3A_628 = arith.constant 0 : i32
      %dma_start3A_629 = tpu.memref_slice %arg4[%add3A_514, %dma_start3A_623, %add3A, %dma_start3A_628] : memref<200x8x32x1024xf32, #tpu.memory_space<hbm>> -> memref<1x1x1x1024xf32, #tpu.memory_space<hbm>>
      %dma_start3A_630 = tpu.memref_squeeze %dma_start3A_629 : memref<1x1x1x1024xf32, #tpu.memory_space<hbm>> -> memref<1024xf32, #tpu.memory_space<hbm>>
      %dma_start3A_631 = tpu.memref_slice %arg9[%dma_start3A_624] : memref<2x!tpu.dma_semaphore, #tpu.memory_space<semaphore_mem>> -> memref<1x!tpu.dma_semaphore, #tpu.memory_space<semaphore_mem>>
      %dma_start3A_632 = tpu.memref_squeeze %dma_start3A_631 : memref<1x!tpu.dma_semaphore, #tpu.memory_space<semaphore_mem>> -> memref<!tpu.dma_semaphore, #tpu.memory_space<semaphore_mem>>
      %dma_start3A_633 = arith.constant 0 : i32
      %dma_start3A_634 = tpu.memref_slice %arg4[%add3A_514, %dma_start3A_623, %add3A, %dma_start3A_633] : memref<200x8x32x1024xf32, #tpu.memory_space<hbm>> -> memref<1x1x1x1024xf32, #tpu.memory_space<hbm>>
      %dma_start3A_635 = tpu.memref_squeeze %dma_start3A_634 : memref<1x1x1x1024xf32, #tpu.memory_space<hbm>> -> memref<1024xf32, #tpu.memory_space<hbm>>
      %dma_start3A_636 = arith.constant 5120 : i32
      %dma_start3A_637 = tpu.memref_slice %arg7[%dma_start3A_622, %dma_start3A_636] : memref<2x8192xf32, #tpu.memory_space<vmem>> -> memref<1x1024xf32, #tpu.memory_space<vmem>>
      %dma_start3A_638 = tpu.memref_squeeze %dma_start3A_637 : memref<1x1024xf32, #tpu.memory_space<vmem>> -> memref<1024xf32, #tpu.memory_space<vmem>>
      tpu.enqueue_dma source(%dma_start3A_638 : memref<1024xf32, #tpu.memory_space<vmem>>) target(%dma_start3A_635 : memref<1024xf32, #tpu.memory_space<hbm>>) target_semaphore(%dma_start3A_632 : memref<!tpu.dma_semaphore, #tpu.memory_space<semaphore_mem>>)
      %dma_start3A_639 = arith.constant 1 : i32
      %dma_start3A_640 = arith.constant 6 : i32
      %dma_start3A_641 = arith.constant 1 : i32
      %dma_start3A_642 = arith.constant 6144 : i32
      %dma_start3A_643 = tpu.memref_slice %arg7[%dma_start3A_639, %dma_start3A_642] : memref<2x8192xf32, #tpu.memory_space<vmem>> -> memref<1x1024xf32, #tpu.memory_space<vmem>>
      %dma_start3A_644 = tpu.memref_squeeze %dma_start3A_643 : memref<1x1024xf32, #tpu.memory_space<vmem>> -> memref<1024xf32, #tpu.memory_space<vmem>>
      %dma_start3A_645 = arith.constant 0 : i32
      %dma_start3A_646 = tpu.memref_slice %arg4[%add3A_514, %dma_start3A_640, %add3A, %dma_start3A_645] : memref<200x8x32x1024xf32, #tpu.memory_space<hbm>> -> memref<1x1x1x1024xf32, #tpu.memory_space<hbm>>
      %dma_start3A_647 = tpu.memref_squeeze %dma_start3A_646 : memref<1x1x1x1024xf32, #tpu.memory_space<hbm>> -> memref<1024xf32, #tpu.memory_space<hbm>>
      %dma_start3A_648 = tpu.memref_slice %arg9[%dma_start3A_641] : memref<2x!tpu.dma_semaphore, #tpu.memory_space<semaphore_mem>> -> memref<1x!tpu.dma_semaphore, #tpu.memory_space<semaphore_mem>>
      %dma_start3A_649 = tpu.memref_squeeze %dma_start3A_648 : memref<1x!tpu.dma_semaphore, #tpu.memory_space<semaphore_mem>> -> memref<!tpu.dma_semaphore, #tpu.memory_space<semaphore_mem>>
      %dma_start3A_650 = arith.constant 0 : i32
      %dma_start3A_651 = tpu.memref_slice %arg4[%add3A_514, %dma_start3A_640, %add3A, %dma_start3A_650] : memref<200x8x32x1024xf32, #tpu.memory_space<hbm>> -> memref<1x1x1x1024xf32, #tpu.memory_space<hbm>>
      %dma_start3A_652 = tpu.memref_squeeze %dma_start3A_651 : memref<1x1x1x1024xf32, #tpu.memory_space<hbm>> -> memref<1024xf32, #tpu.memory_space<hbm>>
      %dma_start3A_653 = arith.constant 6144 : i32
      %dma_start3A_654 = tpu.memref_slice %arg7[%dma_start3A_639, %dma_start3A_653] : memref<2x8192xf32, #tpu.memory_space<vmem>> -> memref<1x1024xf32, #tpu.memory_space<vmem>>
      %dma_start3A_655 = tpu.memref_squeeze %dma_start3A_654 : memref<1x1024xf32, #tpu.memory_space<vmem>> -> memref<1024xf32, #tpu.memory_space<vmem>>
      tpu.enqueue_dma source(%dma_start3A_655 : memref<1024xf32, #tpu.memory_space<vmem>>) target(%dma_start3A_652 : memref<1024xf32, #tpu.memory_space<hbm>>) target_semaphore(%dma_start3A_649 : memref<!tpu.dma_semaphore, #tpu.memory_space<semaphore_mem>>)
      %dma_start3A_656 = arith.constant 1 : i32
      %dma_start3A_657 = arith.constant 7 : i32
      %dma_start3A_658 = arith.constant 1 : i32
      %dma_start3A_659 = arith.constant 7168 : i32
      %dma_start3A_660 = tpu.memref_slice %arg7[%dma_start3A_656, %dma_start3A_659] : memref<2x8192xf32, #tpu.memory_space<vmem>> -> memref<1x1024xf32, #tpu.memory_space<vmem>>
      %dma_start3A_661 = tpu.memref_squeeze %dma_start3A_660 : memref<1x1024xf32, #tpu.memory_space<vmem>> -> memref<1024xf32, #tpu.memory_space<vmem>>
      %dma_start3A_662 = arith.constant 0 : i32
      %dma_start3A_663 = tpu.memref_slice %arg4[%add3A_514, %dma_start3A_657, %add3A, %dma_start3A_662] : memref<200x8x32x1024xf32, #tpu.memory_space<hbm>> -> memref<1x1x1x1024xf32, #tpu.memory_space<hbm>>
      %dma_start3A_664 = tpu.memref_squeeze %dma_start3A_663 : memref<1x1x1x1024xf32, #tpu.memory_space<hbm>> -> memref<1024xf32, #tpu.memory_space<hbm>>
      %dma_start3A_665 = tpu.memref_slice %arg9[%dma_start3A_658] : memref<2x!tpu.dma_semaphore, #tpu.memory_space<semaphore_mem>> -> memref<1x!tpu.dma_semaphore, #tpu.memory_space<semaphore_mem>>
      %dma_start3A_666 = tpu.memref_squeeze %dma_start3A_665 : memref<1x!tpu.dma_semaphore, #tpu.memory_space<semaphore_mem>> -> memref<!tpu.dma_semaphore, #tpu.memory_space<semaphore_mem>>
      %dma_start3A_667 = arith.constant 0 : i32
      %dma_start3A_668 = tpu.memref_slice %arg4[%add3A_514, %dma_start3A_657, %add3A, %dma_start3A_667] : memref<200x8x32x1024xf32, #tpu.memory_space<hbm>> -> memref<1x1x1x1024xf32, #tpu.memory_space<hbm>>
      %dma_start3A_669 = tpu.memref_squeeze %dma_start3A_668 : memref<1x1x1x1024xf32, #tpu.memory_space<hbm>> -> memref<1024xf32, #tpu.memory_space<hbm>>
      %dma_start3A_670 = arith.constant 7168 : i32
      %dma_start3A_671 = tpu.memref_slice %arg7[%dma_start3A_656, %dma_start3A_670] : memref<2x8192xf32, #tpu.memory_space<vmem>> -> memref<1x1024xf32, #tpu.memory_space<vmem>>
      %dma_start3A_672 = tpu.memref_squeeze %dma_start3A_671 : memref<1x1024xf32, #tpu.memory_space<vmem>> -> memref<1024xf32, #tpu.memory_space<vmem>>
      tpu.enqueue_dma source(%dma_start3A_672 : memref<1024xf32, #tpu.memory_space<vmem>>) target(%dma_start3A_669 : memref<1024xf32, #tpu.memory_space<hbm>>) target_semaphore(%dma_start3A_666 : memref<!tpu.dma_semaphore, #tpu.memory_space<semaphore_mem>>)
      %add3A_673 = arith.constant 2 : i32
      %add3A_674 = arith.addi %add3A_514, %add3A_673 : i32
      %lt3A_675 = arith.constant 200 : i32
      %lt3A_676 = arith.cmpi slt, %add3A_674, %lt3A_675 : i32
      %convert_element_type3A_677 = arith.extui %lt3A_676 : i1 to i32
      %cond3A_678 = arith.constant 0 : i32
      %cond3A_679 = arith.cmpi ne, %convert_element_type3A_677, %cond3A_678 : i32
      scf.if %cond3A_679 {
        %add3A_680 = arith.constant 2 : i32
        %add3A_681 = arith.addi %add3A_514, %add3A_680 : i32
        %dma_start3A_682 = arith.constant 1 : i32
        %dma_start3A_683 = arith.constant 1 : i32
        %dma_start3A_684 = arith.constant 0 : i32
        %dma_start3A_685 = arith.constant 0 : i32
        %dma_start3A_686 = tpu.memref_slice %arg6[%dma_start3A_682, %dma_start3A_684, %dma_start3A_685] : memref<2x128x64xf32, #tpu.memory_space<vmem>> -> memref<1x128x64xf32, #tpu.memory_space<vmem>>
        %dma_start3A_687 = tpu.memref_squeeze %dma_start3A_686 : memref<1x128x64xf32, #tpu.memory_space<vmem>> -> memref<128x64xf32, #tpu.memory_space<vmem>>
        %dma_start3A_688 = arith.constant 0 : i32
        %dma_start3A_689 = tpu.memref_slice %arg5[%add3A_681, %dma_start3A_688] : memref<200x128xi32, #tpu.memory_space<vmem>> -> memref<1x128xi32, #tpu.memory_space<vmem>>
        %dma_start3A_690 = tpu.memref_squeeze %dma_start3A_689 : memref<1x128xi32, #tpu.memory_space<vmem>> -> memref<128xi32, #tpu.memory_space<vmem>>
        %dma_start3A_691 = arith.constant 0 : i32
        %dma_start3A_692 = arith.constant 0 : i32
        %dma_start3A_693 = tpu.memref_slice %arg2[%dma_start3A_691, %dma_start3A_692] : memref<100000x64xf32, #tpu.memory_space<hbm>> -> memref<100000x64xf32, #tpu.memory_space<hbm>>
        %dma_start3A_694 = tpu.memref_slice %arg8[%dma_start3A_683] : memref<2x!tpu.dma_semaphore, #tpu.memory_space<semaphore_mem>> -> memref<1x!tpu.dma_semaphore, #tpu.memory_space<semaphore_mem>>
        %dma_start3A_695 = tpu.memref_squeeze %dma_start3A_694 : memref<1x!tpu.dma_semaphore, #tpu.memory_space<semaphore_mem>> -> memref<!tpu.dma_semaphore, #tpu.memory_space<semaphore_mem>>
        tpu.enqueue_indirect_dma source(%dma_start3A_693 : memref<100000x64xf32, #tpu.memory_space<hbm>>) target(%dma_start3A_687 : memref<128x64xf32, #tpu.memory_space<vmem>>) offsets(%dma_start3A_690 : memref<128xi32, #tpu.memory_space<vmem>>) semaphore(%dma_start3A_695 : memref<!tpu.dma_semaphore, #tpu.memory_space<semaphore_mem>>)
      } else {
      }
    }
    %scan3A_60 = arith.constant 100 : i32
    %dma_wait3A = arith.constant 0 : i32
    %dma_wait3A_61 = arith.constant 198 : i32
    %dma_wait3A_62 = arith.constant 0 : i32
    %dma_wait3A_63 = arith.constant 0 : i32
    %dma_wait3A_64 = arith.constant 0 : i32
    %dma_wait3A_65 = tpu.memref_slice %arg7[%dma_wait3A, %dma_wait3A_64] : memref<2x8192xf32, #tpu.memory_space<vmem>> -> memref<1x1024xf32, #tpu.memory_space<vmem>>
    %dma_wait3A_66 = tpu.memref_squeeze %dma_wait3A_65 : memref<1x1024xf32, #tpu.memory_space<vmem>> -> memref<1024xf32, #tpu.memory_space<vmem>>
    %dma_wait3A_67 = arith.constant 0 : i32
    %dma_wait3A_68 = tpu.memref_slice %arg4[%dma_wait3A_61, %dma_wait3A_62, %add3A, %dma_wait3A_67] : memref<200x8x32x1024xf32, #tpu.memory_space<hbm>> -> memref<1x1x1x1024xf32, #tpu.memory_space<hbm>>
    %dma_wait3A_69 = tpu.memref_squeeze %dma_wait3A_68 : memref<1x1x1x1024xf32, #tpu.memory_space<hbm>> -> memref<1024xf32, #tpu.memory_space<hbm>>
    %dma_wait3A_70 = tpu.memref_slice %arg9[%dma_wait3A_63] : memref<2x!tpu.dma_semaphore, #tpu.memory_space<semaphore_mem>> -> memref<1x!tpu.dma_semaphore, #tpu.memory_space<semaphore_mem>>
    %dma_wait3A_71 = tpu.memref_squeeze %dma_wait3A_70 : memref<1x!tpu.dma_semaphore, #tpu.memory_space<semaphore_mem>> -> memref<!tpu.dma_semaphore, #tpu.memory_space<semaphore_mem>>
    %dma_wait3A_72 = arith.constant 0 : i32
    %dma_wait3A_73 = tpu.memref_slice %arg4[%dma_wait3A_61, %dma_wait3A_62, %add3A, %dma_wait3A_72] : memref<200x8x32x1024xf32, #tpu.memory_space<hbm>> -> memref<1x1x1x1024xf32, #tpu.memory_space<hbm>>
    %dma_wait3A_74 = tpu.memref_squeeze %dma_wait3A_73 : memref<1x1x1x1024xf32, #tpu.memory_space<hbm>> -> memref<1024xf32, #tpu.memory_space<hbm>>
    %dma_wait3A_75 = arith.constant 0 : i32
    %dma_wait3A_76 = tpu.memref_slice %arg7[%dma_wait3A, %dma_wait3A_75] : memref<2x8192xf32, #tpu.memory_space<vmem>> -> memref<1x1024xf32, #tpu.memory_space<vmem>>
    %dma_wait3A_77 = tpu.memref_squeeze %dma_wait3A_76 : memref<1x1024xf32, #tpu.memory_space<vmem>> -> memref<1024xf32, #tpu.memory_space<vmem>>
    tpu.wait_dma2 semaphore(%dma_wait3A_71 : memref<!tpu.dma_semaphore, #tpu.memory_space<semaphore_mem>>) src(%dma_wait3A_77 : memref<1024xf32, #tpu.memory_space<vmem>>) dst(%dma_wait3A_74 : memref<1024xf32, #tpu.memory_space<hbm>>)
    %dma_wait3A_78 = arith.constant 0 : i32
    %dma_wait3A_79 = arith.constant 198 : i32
    %dma_wait3A_80 = arith.constant 1 : i32
    %dma_wait3A_81 = arith.constant 0 : i32
    %dma_wait3A_82 = arith.constant 1024 : i32
    %dma_wait3A_83 = tpu.memref_slice %arg7[%dma_wait3A_78, %dma_wait3A_82] : memref<2x8192xf32, #tpu.memory_space<vmem>> -> memref<1x1024xf32, #tpu.memory_space<vmem>>
    %dma_wait3A_84 = tpu.memref_squeeze %dma_wait3A_83 : memref<1x1024xf32, #tpu.memory_space<vmem>> -> memref<1024xf32, #tpu.memory_space<vmem>>
    %dma_wait3A_85 = arith.constant 0 : i32
    %dma_wait3A_86 = tpu.memref_slice %arg4[%dma_wait3A_79, %dma_wait3A_80, %add3A, %dma_wait3A_85] : memref<200x8x32x1024xf32, #tpu.memory_space<hbm>> -> memref<1x1x1x1024xf32, #tpu.memory_space<hbm>>
    %dma_wait3A_87 = tpu.memref_squeeze %dma_wait3A_86 : memref<1x1x1x1024xf32, #tpu.memory_space<hbm>> -> memref<1024xf32, #tpu.memory_space<hbm>>
    %dma_wait3A_88 = tpu.memref_slice %arg9[%dma_wait3A_81] : memref<2x!tpu.dma_semaphore, #tpu.memory_space<semaphore_mem>> -> memref<1x!tpu.dma_semaphore, #tpu.memory_space<semaphore_mem>>
    %dma_wait3A_89 = tpu.memref_squeeze %dma_wait3A_88 : memref<1x!tpu.dma_semaphore, #tpu.memory_space<semaphore_mem>> -> memref<!tpu.dma_semaphore, #tpu.memory_space<semaphore_mem>>
    %dma_wait3A_90 = arith.constant 0 : i32
    %dma_wait3A_91 = tpu.memref_slice %arg4[%dma_wait3A_79, %dma_wait3A_80, %add3A, %dma_wait3A_90] : memref<200x8x32x1024xf32, #tpu.memory_space<hbm>> -> memref<1x1x1x1024xf32, #tpu.memory_space<hbm>>
    %dma_wait3A_92 = tpu.memref_squeeze %dma_wait3A_91 : memref<1x1x1x1024xf32, #tpu.memory_space<hbm>> -> memref<1024xf32, #tpu.memory_space<hbm>>
    %dma_wait3A_93 = arith.constant 1024 : i32
    %dma_wait3A_94 = tpu.memref_slice %arg7[%dma_wait3A_78, %dma_wait3A_93] : memref<2x8192xf32, #tpu.memory_space<vmem>> -> memref<1x1024xf32, #tpu.memory_space<vmem>>
    %dma_wait3A_95 = tpu.memref_squeeze %dma_wait3A_94 : memref<1x1024xf32, #tpu.memory_space<vmem>> -> memref<1024xf32, #tpu.memory_space<vmem>>
    tpu.wait_dma2 semaphore(%dma_wait3A_89 : memref<!tpu.dma_semaphore, #tpu.memory_space<semaphore_mem>>) src(%dma_wait3A_95 : memref<1024xf32, #tpu.memory_space<vmem>>) dst(%dma_wait3A_92 : memref<1024xf32, #tpu.memory_space<hbm>>)
    %dma_wait3A_96 = arith.constant 0 : i32
    %dma_wait3A_97 = arith.constant 198 : i32
    %dma_wait3A_98 = arith.constant 2 : i32
    %dma_wait3A_99 = arith.constant 0 : i32
    %dma_wait3A_100 = arith.constant 2048 : i32
    %dma_wait3A_101 = tpu.memref_slice %arg7[%dma_wait3A_96, %dma_wait3A_100] : memref<2x8192xf32, #tpu.memory_space<vmem>> -> memref<1x1024xf32, #tpu.memory_space<vmem>>
    %dma_wait3A_102 = tpu.memref_squeeze %dma_wait3A_101 : memref<1x1024xf32, #tpu.memory_space<vmem>> -> memref<1024xf32, #tpu.memory_space<vmem>>
    %dma_wait3A_103 = arith.constant 0 : i32
    %dma_wait3A_104 = tpu.memref_slice %arg4[%dma_wait3A_97, %dma_wait3A_98, %add3A, %dma_wait3A_103] : memref<200x8x32x1024xf32, #tpu.memory_space<hbm>> -> memref<1x1x1x1024xf32, #tpu.memory_space<hbm>>
    %dma_wait3A_105 = tpu.memref_squeeze %dma_wait3A_104 : memref<1x1x1x1024xf32, #tpu.memory_space<hbm>> -> memref<1024xf32, #tpu.memory_space<hbm>>
    %dma_wait3A_106 = tpu.memref_slice %arg9[%dma_wait3A_99] : memref<2x!tpu.dma_semaphore, #tpu.memory_space<semaphore_mem>> -> memref<1x!tpu.dma_semaphore, #tpu.memory_space<semaphore_mem>>
    %dma_wait3A_107 = tpu.memref_squeeze %dma_wait3A_106 : memref<1x!tpu.dma_semaphore, #tpu.memory_space<semaphore_mem>> -> memref<!tpu.dma_semaphore, #tpu.memory_space<semaphore_mem>>
    %dma_wait3A_108 = arith.constant 0 : i32
    %dma_wait3A_109 = tpu.memref_slice %arg4[%dma_wait3A_97, %dma_wait3A_98, %add3A, %dma_wait3A_108] : memref<200x8x32x1024xf32, #tpu.memory_space<hbm>> -> memref<1x1x1x1024xf32, #tpu.memory_space<hbm>>
    %dma_wait3A_110 = tpu.memref_squeeze %dma_wait3A_109 : memref<1x1x1x1024xf32, #tpu.memory_space<hbm>> -> memref<1024xf32, #tpu.memory_space<hbm>>
    %dma_wait3A_111 = arith.constant 2048 : i32
    %dma_wait3A_112 = tpu.memref_slice %arg7[%dma_wait3A_96, %dma_wait3A_111] : memref<2x8192xf32, #tpu.memory_space<vmem>> -> memref<1x1024xf32, #tpu.memory_space<vmem>>
    %dma_wait3A_113 = tpu.memref_squeeze %dma_wait3A_112 : memref<1x1024xf32, #tpu.memory_space<vmem>> -> memref<1024xf32, #tpu.memory_space<vmem>>
    tpu.wait_dma2 semaphore(%dma_wait3A_107 : memref<!tpu.dma_semaphore, #tpu.memory_space<semaphore_mem>>) src(%dma_wait3A_113 : memref<1024xf32, #tpu.memory_space<vmem>>) dst(%dma_wait3A_110 : memref<1024xf32, #tpu.memory_space<hbm>>)
    %dma_wait3A_114 = arith.constant 0 : i32
    %dma_wait3A_115 = arith.constant 198 : i32
    %dma_wait3A_116 = arith.constant 3 : i32
    %dma_wait3A_117 = arith.constant 0 : i32
    %dma_wait3A_118 = arith.constant 3072 : i32
    %dma_wait3A_119 = tpu.memref_slice %arg7[%dma_wait3A_114, %dma_wait3A_118] : memref<2x8192xf32, #tpu.memory_space<vmem>> -> memref<1x1024xf32, #tpu.memory_space<vmem>>
    %dma_wait3A_120 = tpu.memref_squeeze %dma_wait3A_119 : memref<1x1024xf32, #tpu.memory_space<vmem>> -> memref<1024xf32, #tpu.memory_space<vmem>>
    %dma_wait3A_121 = arith.constant 0 : i32
    %dma_wait3A_122 = tpu.memref_slice %arg4[%dma_wait3A_115, %dma_wait3A_116, %add3A, %dma_wait3A_121] : memref<200x8x32x1024xf32, #tpu.memory_space<hbm>> -> memref<1x1x1x1024xf32, #tpu.memory_space<hbm>>
    %dma_wait3A_123 = tpu.memref_squeeze %dma_wait3A_122 : memref<1x1x1x1024xf32, #tpu.memory_space<hbm>> -> memref<1024xf32, #tpu.memory_space<hbm>>
    %dma_wait3A_124 = tpu.memref_slice %arg9[%dma_wait3A_117] : memref<2x!tpu.dma_semaphore, #tpu.memory_space<semaphore_mem>> -> memref<1x!tpu.dma_semaphore, #tpu.memory_space<semaphore_mem>>
    %dma_wait3A_125 = tpu.memref_squeeze %dma_wait3A_124 : memref<1x!tpu.dma_semaphore, #tpu.memory_space<semaphore_mem>> -> memref<!tpu.dma_semaphore, #tpu.memory_space<semaphore_mem>>
    %dma_wait3A_126 = arith.constant 0 : i32
    %dma_wait3A_127 = tpu.memref_slice %arg4[%dma_wait3A_115, %dma_wait3A_116, %add3A, %dma_wait3A_126] : memref<200x8x32x1024xf32, #tpu.memory_space<hbm>> -> memref<1x1x1x1024xf32, #tpu.memory_space<hbm>>
    %dma_wait3A_128 = tpu.memref_squeeze %dma_wait3A_127 : memref<1x1x1x1024xf32, #tpu.memory_space<hbm>> -> memref<1024xf32, #tpu.memory_space<hbm>>
    %dma_wait3A_129 = arith.constant 3072 : i32
    %dma_wait3A_130 = tpu.memref_slice %arg7[%dma_wait3A_114, %dma_wait3A_129] : memref<2x8192xf32, #tpu.memory_space<vmem>> -> memref<1x1024xf32, #tpu.memory_space<vmem>>
    %dma_wait3A_131 = tpu.memref_squeeze %dma_wait3A_130 : memref<1x1024xf32, #tpu.memory_space<vmem>> -> memref<1024xf32, #tpu.memory_space<vmem>>
    tpu.wait_dma2 semaphore(%dma_wait3A_125 : memref<!tpu.dma_semaphore, #tpu.memory_space<semaphore_mem>>) src(%dma_wait3A_131 : memref<1024xf32, #tpu.memory_space<vmem>>) dst(%dma_wait3A_128 : memref<1024xf32, #tpu.memory_space<hbm>>)
    %dma_wait3A_132 = arith.constant 0 : i32
    %dma_wait3A_133 = arith.constant 198 : i32
    %dma_wait3A_134 = arith.constant 4 : i32
    %dma_wait3A_135 = arith.constant 0 : i32
    %dma_wait3A_136 = arith.constant 4096 : i32
    %dma_wait3A_137 = tpu.memref_slice %arg7[%dma_wait3A_132, %dma_wait3A_136] : memref<2x8192xf32, #tpu.memory_space<vmem>> -> memref<1x1024xf32, #tpu.memory_space<vmem>>
    %dma_wait3A_138 = tpu.memref_squeeze %dma_wait3A_137 : memref<1x1024xf32, #tpu.memory_space<vmem>> -> memref<1024xf32, #tpu.memory_space<vmem>>
    %dma_wait3A_139 = arith.constant 0 : i32
    %dma_wait3A_140 = tpu.memref_slice %arg4[%dma_wait3A_133, %dma_wait3A_134, %add3A, %dma_wait3A_139] : memref<200x8x32x1024xf32, #tpu.memory_space<hbm>> -> memref<1x1x1x1024xf32, #tpu.memory_space<hbm>>
    %dma_wait3A_141 = tpu.memref_squeeze %dma_wait3A_140 : memref<1x1x1x1024xf32, #tpu.memory_space<hbm>> -> memref<1024xf32, #tpu.memory_space<hbm>>
    %dma_wait3A_142 = tpu.memref_slice %arg9[%dma_wait3A_135] : memref<2x!tpu.dma_semaphore, #tpu.memory_space<semaphore_mem>> -> memref<1x!tpu.dma_semaphore, #tpu.memory_space<semaphore_mem>>
    %dma_wait3A_143 = tpu.memref_squeeze %dma_wait3A_142 : memref<1x!tpu.dma_semaphore, #tpu.memory_space<semaphore_mem>> -> memref<!tpu.dma_semaphore, #tpu.memory_space<semaphore_mem>>
    %dma_wait3A_144 = arith.constant 0 : i32
    %dma_wait3A_145 = tpu.memref_slice %arg4[%dma_wait3A_133, %dma_wait3A_134, %add3A, %dma_wait3A_144] : memref<200x8x32x1024xf32, #tpu.memory_space<hbm>> -> memref<1x1x1x1024xf32, #tpu.memory_space<hbm>>
    %dma_wait3A_146 = tpu.memref_squeeze %dma_wait3A_145 : memref<1x1x1x1024xf32, #tpu.memory_space<hbm>> -> memref<1024xf32, #tpu.memory_space<hbm>>
    %dma_wait3A_147 = arith.constant 4096 : i32
    %dma_wait3A_148 = tpu.memref_slice %arg7[%dma_wait3A_132, %dma_wait3A_147] : memref<2x8192xf32, #tpu.memory_space<vmem>> -> memref<1x1024xf32, #tpu.memory_space<vmem>>
    %dma_wait3A_149 = tpu.memref_squeeze %dma_wait3A_148 : memref<1x1024xf32, #tpu.memory_space<vmem>> -> memref<1024xf32, #tpu.memory_space<vmem>>
    tpu.wait_dma2 semaphore(%dma_wait3A_143 : memref<!tpu.dma_semaphore, #tpu.memory_space<semaphore_mem>>) src(%dma_wait3A_149 : memref<1024xf32, #tpu.memory_space<vmem>>) dst(%dma_wait3A_146 : memref<1024xf32, #tpu.memory_space<hbm>>)
    %dma_wait3A_150 = arith.constant 0 : i32
    %dma_wait3A_151 = arith.constant 198 : i32
    %dma_wait3A_152 = arith.constant 5 : i32
    %dma_wait3A_153 = arith.constant 0 : i32
    %dma_wait3A_154 = arith.constant 5120 : i32
    %dma_wait3A_155 = tpu.memref_slice %arg7[%dma_wait3A_150, %dma_wait3A_154] : memref<2x8192xf32, #tpu.memory_space<vmem>> -> memref<1x1024xf32, #tpu.memory_space<vmem>>
    %dma_wait3A_156 = tpu.memref_squeeze %dma_wait3A_155 : memref<1x1024xf32, #tpu.memory_space<vmem>> -> memref<1024xf32, #tpu.memory_space<vmem>>
    %dma_wait3A_157 = arith.constant 0 : i32
    %dma_wait3A_158 = tpu.memref_slice %arg4[%dma_wait3A_151, %dma_wait3A_152, %add3A, %dma_wait3A_157] : memref<200x8x32x1024xf32, #tpu.memory_space<hbm>> -> memref<1x1x1x1024xf32, #tpu.memory_space<hbm>>
    %dma_wait3A_159 = tpu.memref_squeeze %dma_wait3A_158 : memref<1x1x1x1024xf32, #tpu.memory_space<hbm>> -> memref<1024xf32, #tpu.memory_space<hbm>>
    %dma_wait3A_160 = tpu.memref_slice %arg9[%dma_wait3A_153] : memref<2x!tpu.dma_semaphore, #tpu.memory_space<semaphore_mem>> -> memref<1x!tpu.dma_semaphore, #tpu.memory_space<semaphore_mem>>
    %dma_wait3A_161 = tpu.memref_squeeze %dma_wait3A_160 : memref<1x!tpu.dma_semaphore, #tpu.memory_space<semaphore_mem>> -> memref<!tpu.dma_semaphore, #tpu.memory_space<semaphore_mem>>
    %dma_wait3A_162 = arith.constant 0 : i32
    %dma_wait3A_163 = tpu.memref_slice %arg4[%dma_wait3A_151, %dma_wait3A_152, %add3A, %dma_wait3A_162] : memref<200x8x32x1024xf32, #tpu.memory_space<hbm>> -> memref<1x1x1x1024xf32, #tpu.memory_space<hbm>>
    %dma_wait3A_164 = tpu.memref_squeeze %dma_wait3A_163 : memref<1x1x1x1024xf32, #tpu.memory_space<hbm>> -> memref<1024xf32, #tpu.memory_space<hbm>>
    %dma_wait3A_165 = arith.constant 5120 : i32
    %dma_wait3A_166 = tpu.memref_slice %arg7[%dma_wait3A_150, %dma_wait3A_165] : memref<2x8192xf32, #tpu.memory_space<vmem>> -> memref<1x1024xf32, #tpu.memory_space<vmem>>
    %dma_wait3A_167 = tpu.memref_squeeze %dma_wait3A_166 : memref<1x1024xf32, #tpu.memory_space<vmem>> -> memref<1024xf32, #tpu.memory_space<vmem>>
    tpu.wait_dma2 semaphore(%dma_wait3A_161 : memref<!tpu.dma_semaphore, #tpu.memory_space<semaphore_mem>>) src(%dma_wait3A_167 : memref<1024xf32, #tpu.memory_space<vmem>>) dst(%dma_wait3A_164 : memref<1024xf32, #tpu.memory_space<hbm>>)
    %dma_wait3A_168 = arith.constant 0 : i32
    %dma_wait3A_169 = arith.constant 198 : i32
    %dma_wait3A_170 = arith.constant 6 : i32
    %dma_wait3A_171 = arith.constant 0 : i32
    %dma_wait3A_172 = arith.constant 6144 : i32
    %dma_wait3A_173 = tpu.memref_slice %arg7[%dma_wait3A_168, %dma_wait3A_172] : memref<2x8192xf32, #tpu.memory_space<vmem>> -> memref<1x1024xf32, #tpu.memory_space<vmem>>
    %dma_wait3A_174 = tpu.memref_squeeze %dma_wait3A_173 : memref<1x1024xf32, #tpu.memory_space<vmem>> -> memref<1024xf32, #tpu.memory_space<vmem>>
    %dma_wait3A_175 = arith.constant 0 : i32
    %dma_wait3A_176 = tpu.memref_slice %arg4[%dma_wait3A_169, %dma_wait3A_170, %add3A, %dma_wait3A_175] : memref<200x8x32x1024xf32, #tpu.memory_space<hbm>> -> memref<1x1x1x1024xf32, #tpu.memory_space<hbm>>
    %dma_wait3A_177 = tpu.memref_squeeze %dma_wait3A_176 : memref<1x1x1x1024xf32, #tpu.memory_space<hbm>> -> memref<1024xf32, #tpu.memory_space<hbm>>
    %dma_wait3A_178 = tpu.memref_slice %arg9[%dma_wait3A_171] : memref<2x!tpu.dma_semaphore, #tpu.memory_space<semaphore_mem>> -> memref<1x!tpu.dma_semaphore, #tpu.memory_space<semaphore_mem>>
    %dma_wait3A_179 = tpu.memref_squeeze %dma_wait3A_178 : memref<1x!tpu.dma_semaphore, #tpu.memory_space<semaphore_mem>> -> memref<!tpu.dma_semaphore, #tpu.memory_space<semaphore_mem>>
    %dma_wait3A_180 = arith.constant 0 : i32
    %dma_wait3A_181 = tpu.memref_slice %arg4[%dma_wait3A_169, %dma_wait3A_170, %add3A, %dma_wait3A_180] : memref<200x8x32x1024xf32, #tpu.memory_space<hbm>> -> memref<1x1x1x1024xf32, #tpu.memory_space<hbm>>
    %dma_wait3A_182 = tpu.memref_squeeze %dma_wait3A_181 : memref<1x1x1x1024xf32, #tpu.memory_space<hbm>> -> memref<1024xf32, #tpu.memory_space<hbm>>
    %dma_wait3A_183 = arith.constant 6144 : i32
    %dma_wait3A_184 = tpu.memref_slice %arg7[%dma_wait3A_168, %dma_wait3A_183] : memref<2x8192xf32, #tpu.memory_space<vmem>> -> memref<1x1024xf32, #tpu.memory_space<vmem>>
    %dma_wait3A_185 = tpu.memref_squeeze %dma_wait3A_184 : memref<1x1024xf32, #tpu.memory_space<vmem>> -> memref<1024xf32, #tpu.memory_space<vmem>>
    tpu.wait_dma2 semaphore(%dma_wait3A_179 : memref<!tpu.dma_semaphore, #tpu.memory_space<semaphore_mem>>) src(%dma_wait3A_185 : memref<1024xf32, #tpu.memory_space<vmem>>) dst(%dma_wait3A_182 : memref<1024xf32, #tpu.memory_space<hbm>>)
    %dma_wait3A_186 = arith.constant 0 : i32
    %dma_wait3A_187 = arith.constant 198 : i32
    %dma_wait3A_188 = arith.constant 7 : i32
    %dma_wait3A_189 = arith.constant 0 : i32
    %dma_wait3A_190 = arith.constant 7168 : i32
    %dma_wait3A_191 = tpu.memref_slice %arg7[%dma_wait3A_186, %dma_wait3A_190] : memref<2x8192xf32, #tpu.memory_space<vmem>> -> memref<1x1024xf32, #tpu.memory_space<vmem>>
    %dma_wait3A_192 = tpu.memref_squeeze %dma_wait3A_191 : memref<1x1024xf32, #tpu.memory_space<vmem>> -> memref<1024xf32, #tpu.memory_space<vmem>>
    %dma_wait3A_193 = arith.constant 0 : i32
    %dma_wait3A_194 = tpu.memref_slice %arg4[%dma_wait3A_187, %dma_wait3A_188, %add3A, %dma_wait3A_193] : memref<200x8x32x1024xf32, #tpu.memory_space<hbm>> -> memref<1x1x1x1024xf32, #tpu.memory_space<hbm>>
    %dma_wait3A_195 = tpu.memref_squeeze %dma_wait3A_194 : memref<1x1x1x1024xf32, #tpu.memory_space<hbm>> -> memref<1024xf32, #tpu.memory_space<hbm>>
    %dma_wait3A_196 = tpu.memref_slice %arg9[%dma_wait3A_189] : memref<2x!tpu.dma_semaphore, #tpu.memory_space<semaphore_mem>> -> memref<1x!tpu.dma_semaphore, #tpu.memory_space<semaphore_mem>>
    %dma_wait3A_197 = tpu.memref_squeeze %dma_wait3A_196 : memref<1x!tpu.dma_semaphore, #tpu.memory_space<semaphore_mem>> -> memref<!tpu.dma_semaphore, #tpu.memory_space<semaphore_mem>>
    %dma_wait3A_198 = arith.constant 0 : i32
    %dma_wait3A_199 = tpu.memref_slice %arg4[%dma_wait3A_187, %dma_wait3A_188, %add3A, %dma_wait3A_198] : memref<200x8x32x1024xf32, #tpu.memory_space<hbm>> -> memref<1x1x1x1024xf32, #tpu.memory_space<hbm>>
    %dma_wait3A_200 = tpu.memref_squeeze %dma_wait3A_199 : memref<1x1x1x1024xf32, #tpu.memory_space<hbm>> -> memref<1024xf32, #tpu.memory_space<hbm>>
    %dma_wait3A_201 = arith.constant 7168 : i32
    %dma_wait3A_202 = tpu.memref_slice %arg7[%dma_wait3A_186, %dma_wait3A_201] : memref<2x8192xf32, #tpu.memory_space<vmem>> -> memref<1x1024xf32, #tpu.memory_space<vmem>>
    %dma_wait3A_203 = tpu.memref_squeeze %dma_wait3A_202 : memref<1x1024xf32, #tpu.memory_space<vmem>> -> memref<1024xf32, #tpu.memory_space<vmem>>
    tpu.wait_dma2 semaphore(%dma_wait3A_197 : memref<!tpu.dma_semaphore, #tpu.memory_space<semaphore_mem>>) src(%dma_wait3A_203 : memref<1024xf32, #tpu.memory_space<vmem>>) dst(%dma_wait3A_200 : memref<1024xf32, #tpu.memory_space<hbm>>)
    %dma_wait3A_204 = arith.constant 1 : i32
    %dma_wait3A_205 = arith.constant 199 : i32
    %dma_wait3A_206 = arith.constant 0 : i32
    %dma_wait3A_207 = arith.constant 1 : i32
    %dma_wait3A_208 = arith.constant 0 : i32
    %dma_wait3A_209 = tpu.memref_slice %arg7[%dma_wait3A_204, %dma_wait3A_208] : memref<2x8192xf32, #tpu.memory_space<vmem>> -> memref<1x1024xf32, #tpu.memory_space<vmem>>
    %dma_wait3A_210 = tpu.memref_squeeze %dma_wait3A_209 : memref<1x1024xf32, #tpu.memory_space<vmem>> -> memref<1024xf32, #tpu.memory_space<vmem>>
    %dma_wait3A_211 = arith.constant 0 : i32
    %dma_wait3A_212 = tpu.memref_slice %arg4[%dma_wait3A_205, %dma_wait3A_206, %add3A, %dma_wait3A_211] : memref<200x8x32x1024xf32, #tpu.memory_space<hbm>> -> memref<1x1x1x1024xf32, #tpu.memory_space<hbm>>
    %dma_wait3A_213 = tpu.memref_squeeze %dma_wait3A_212 : memref<1x1x1x1024xf32, #tpu.memory_space<hbm>> -> memref<1024xf32, #tpu.memory_space<hbm>>
    %dma_wait3A_214 = tpu.memref_slice %arg9[%dma_wait3A_207] : memref<2x!tpu.dma_semaphore, #tpu.memory_space<semaphore_mem>> -> memref<1x!tpu.dma_semaphore, #tpu.memory_space<semaphore_mem>>
    %dma_wait3A_215 = tpu.memref_squeeze %dma_wait3A_214 : memref<1x!tpu.dma_semaphore, #tpu.memory_space<semaphore_mem>> -> memref<!tpu.dma_semaphore, #tpu.memory_space<semaphore_mem>>
    %dma_wait3A_216 = arith.constant 0 : i32
    %dma_wait3A_217 = tpu.memref_slice %arg4[%dma_wait3A_205, %dma_wait3A_206, %add3A, %dma_wait3A_216] : memref<200x8x32x1024xf32, #tpu.memory_space<hbm>> -> memref<1x1x1x1024xf32, #tpu.memory_space<hbm>>
    %dma_wait3A_218 = tpu.memref_squeeze %dma_wait3A_217 : memref<1x1x1x1024xf32, #tpu.memory_space<hbm>> -> memref<1024xf32, #tpu.memory_space<hbm>>
    %dma_wait3A_219 = arith.constant 0 : i32
    %dma_wait3A_220 = tpu.memref_slice %arg7[%dma_wait3A_204, %dma_wait3A_219] : memref<2x8192xf32, #tpu.memory_space<vmem>> -> memref<1x1024xf32, #tpu.memory_space<vmem>>
    %dma_wait3A_221 = tpu.memref_squeeze %dma_wait3A_220 : memref<1x1024xf32, #tpu.memory_space<vmem>> -> memref<1024xf32, #tpu.memory_space<vmem>>
    tpu.wait_dma2 semaphore(%dma_wait3A_215 : memref<!tpu.dma_semaphore, #tpu.memory_space<semaphore_mem>>) src(%dma_wait3A_221 : memref<1024xf32, #tpu.memory_space<vmem>>) dst(%dma_wait3A_218 : memref<1024xf32, #tpu.memory_space<hbm>>)
    %dma_wait3A_222 = arith.constant 1 : i32
    %dma_wait3A_223 = arith.constant 199 : i32
    %dma_wait3A_224 = arith.constant 1 : i32
    %dma_wait3A_225 = arith.constant 1 : i32
    %dma_wait3A_226 = arith.constant 1024 : i32
    %dma_wait3A_227 = tpu.memref_slice %arg7[%dma_wait3A_222, %dma_wait3A_226] : memref<2x8192xf32, #tpu.memory_space<vmem>> -> memref<1x1024xf32, #tpu.memory_space<vmem>>
    %dma_wait3A_228 = tpu.memref_squeeze %dma_wait3A_227 : memref<1x1024xf32, #tpu.memory_space<vmem>> -> memref<1024xf32, #tpu.memory_space<vmem>>
    %dma_wait3A_229 = arith.constant 0 : i32
    %dma_wait3A_230 = tpu.memref_slice %arg4[%dma_wait3A_223, %dma_wait3A_224, %add3A, %dma_wait3A_229] : memref<200x8x32x1024xf32, #tpu.memory_space<hbm>> -> memref<1x1x1x1024xf32, #tpu.memory_space<hbm>>
    %dma_wait3A_231 = tpu.memref_squeeze %dma_wait3A_230 : memref<1x1x1x1024xf32, #tpu.memory_space<hbm>> -> memref<1024xf32, #tpu.memory_space<hbm>>
    %dma_wait3A_232 = tpu.memref_slice %arg9[%dma_wait3A_225] : memref<2x!tpu.dma_semaphore, #tpu.memory_space<semaphore_mem>> -> memref<1x!tpu.dma_semaphore, #tpu.memory_space<semaphore_mem>>
    %dma_wait3A_233 = tpu.memref_squeeze %dma_wait3A_232 : memref<1x!tpu.dma_semaphore, #tpu.memory_space<semaphore_mem>> -> memref<!tpu.dma_semaphore, #tpu.memory_space<semaphore_mem>>
    %dma_wait3A_234 = arith.constant 0 : i32
    %dma_wait3A_235 = tpu.memref_slice %arg4[%dma_wait3A_223, %dma_wait3A_224, %add3A, %dma_wait3A_234] : memref<200x8x32x1024xf32, #tpu.memory_space<hbm>> -> memref<1x1x1x1024xf32, #tpu.memory_space<hbm>>
    %dma_wait3A_236 = tpu.memref_squeeze %dma_wait3A_235 : memref<1x1x1x1024xf32, #tpu.memory_space<hbm>> -> memref<1024xf32, #tpu.memory_space<hbm>>
    %dma_wait3A_237 = arith.constant 1024 : i32
    %dma_wait3A_238 = tpu.memref_slice %arg7[%dma_wait3A_222, %dma_wait3A_237] : memref<2x8192xf32, #tpu.memory_space<vmem>> -> memref<1x1024xf32, #tpu.memory_space<vmem>>
    %dma_wait3A_239 = tpu.memref_squeeze %dma_wait3A_238 : memref<1x1024xf32, #tpu.memory_space<vmem>> -> memref<1024xf32, #tpu.memory_space<vmem>>
    tpu.wait_dma2 semaphore(%dma_wait3A_233 : memref<!tpu.dma_semaphore, #tpu.memory_space<semaphore_mem>>) src(%dma_wait3A_239 : memref<1024xf32, #tpu.memory_space<vmem>>) dst(%dma_wait3A_236 : memref<1024xf32, #tpu.memory_space<hbm>>)
    %dma_wait3A_240 = arith.constant 1 : i32
    %dma_wait3A_241 = arith.constant 199 : i32
    %dma_wait3A_242 = arith.constant 2 : i32
    %dma_wait3A_243 = arith.constant 1 : i32
    %dma_wait3A_244 = arith.constant 2048 : i32
    %dma_wait3A_245 = tpu.memref_slice %arg7[%dma_wait3A_240, %dma_wait3A_244] : memref<2x8192xf32, #tpu.memory_space<vmem>> -> memref<1x1024xf32, #tpu.memory_space<vmem>>
    %dma_wait3A_246 = tpu.memref_squeeze %dma_wait3A_245 : memref<1x1024xf32, #tpu.memory_space<vmem>> -> memref<1024xf32, #tpu.memory_space<vmem>>
    %dma_wait3A_247 = arith.constant 0 : i32
    %dma_wait3A_248 = tpu.memref_slice %arg4[%dma_wait3A_241, %dma_wait3A_242, %add3A, %dma_wait3A_247] : memref<200x8x32x1024xf32, #tpu.memory_space<hbm>> -> memref<1x1x1x1024xf32, #tpu.memory_space<hbm>>
    %dma_wait3A_249 = tpu.memref_squeeze %dma_wait3A_248 : memref<1x1x1x1024xf32, #tpu.memory_space<hbm>> -> memref<1024xf32, #tpu.memory_space<hbm>>
    %dma_wait3A_250 = tpu.memref_slice %arg9[%dma_wait3A_243] : memref<2x!tpu.dma_semaphore, #tpu.memory_space<semaphore_mem>> -> memref<1x!tpu.dma_semaphore, #tpu.memory_space<semaphore_mem>>
    %dma_wait3A_251 = tpu.memref_squeeze %dma_wait3A_250 : memref<1x!tpu.dma_semaphore, #tpu.memory_space<semaphore_mem>> -> memref<!tpu.dma_semaphore, #tpu.memory_space<semaphore_mem>>
    %dma_wait3A_252 = arith.constant 0 : i32
    %dma_wait3A_253 = tpu.memref_slice %arg4[%dma_wait3A_241, %dma_wait3A_242, %add3A, %dma_wait3A_252] : memref<200x8x32x1024xf32, #tpu.memory_space<hbm>> -> memref<1x1x1x1024xf32, #tpu.memory_space<hbm>>
    %dma_wait3A_254 = tpu.memref_squeeze %dma_wait3A_253 : memref<1x1x1x1024xf32, #tpu.memory_space<hbm>> -> memref<1024xf32, #tpu.memory_space<hbm>>
    %dma_wait3A_255 = arith.constant 2048 : i32
    %dma_wait3A_256 = tpu.memref_slice %arg7[%dma_wait3A_240, %dma_wait3A_255] : memref<2x8192xf32, #tpu.memory_space<vmem>> -> memref<1x1024xf32, #tpu.memory_space<vmem>>
    %dma_wait3A_257 = tpu.memref_squeeze %dma_wait3A_256 : memref<1x1024xf32, #tpu.memory_space<vmem>> -> memref<1024xf32, #tpu.memory_space<vmem>>
    tpu.wait_dma2 semaphore(%dma_wait3A_251 : memref<!tpu.dma_semaphore, #tpu.memory_space<semaphore_mem>>) src(%dma_wait3A_257 : memref<1024xf32, #tpu.memory_space<vmem>>) dst(%dma_wait3A_254 : memref<1024xf32, #tpu.memory_space<hbm>>)
    %dma_wait3A_258 = arith.constant 1 : i32
    %dma_wait3A_259 = arith.constant 199 : i32
    %dma_wait3A_260 = arith.constant 3 : i32
    %dma_wait3A_261 = arith.constant 1 : i32
    %dma_wait3A_262 = arith.constant 3072 : i32
    %dma_wait3A_263 = tpu.memref_slice %arg7[%dma_wait3A_258, %dma_wait3A_262] : memref<2x8192xf32, #tpu.memory_space<vmem>> -> memref<1x1024xf32, #tpu.memory_space<vmem>>
    %dma_wait3A_264 = tpu.memref_squeeze %dma_wait3A_263 : memref<1x1024xf32, #tpu.memory_space<vmem>> -> memref<1024xf32, #tpu.memory_space<vmem>>
    %dma_wait3A_265 = arith.constant 0 : i32
    %dma_wait3A_266 = tpu.memref_slice %arg4[%dma_wait3A_259, %dma_wait3A_260, %add3A, %dma_wait3A_265] : memref<200x8x32x1024xf32, #tpu.memory_space<hbm>> -> memref<1x1x1x1024xf32, #tpu.memory_space<hbm>>
    %dma_wait3A_267 = tpu.memref_squeeze %dma_wait3A_266 : memref<1x1x1x1024xf32, #tpu.memory_space<hbm>> -> memref<1024xf32, #tpu.memory_space<hbm>>
    %dma_wait3A_268 = tpu.memref_slice %arg9[%dma_wait3A_261] : memref<2x!tpu.dma_semaphore, #tpu.memory_space<semaphore_mem>> -> memref<1x!tpu.dma_semaphore, #tpu.memory_space<semaphore_mem>>
    %dma_wait3A_269 = tpu.memref_squeeze %dma_wait3A_268 : memref<1x!tpu.dma_semaphore, #tpu.memory_space<semaphore_mem>> -> memref<!tpu.dma_semaphore, #tpu.memory_space<semaphore_mem>>
    %dma_wait3A_270 = arith.constant 0 : i32
    %dma_wait3A_271 = tpu.memref_slice %arg4[%dma_wait3A_259, %dma_wait3A_260, %add3A, %dma_wait3A_270] : memref<200x8x32x1024xf32, #tpu.memory_space<hbm>> -> memref<1x1x1x1024xf32, #tpu.memory_space<hbm>>
    %dma_wait3A_272 = tpu.memref_squeeze %dma_wait3A_271 : memref<1x1x1x1024xf32, #tpu.memory_space<hbm>> -> memref<1024xf32, #tpu.memory_space<hbm>>
    %dma_wait3A_273 = arith.constant 3072 : i32
    %dma_wait3A_274 = tpu.memref_slice %arg7[%dma_wait3A_258, %dma_wait3A_273] : memref<2x8192xf32, #tpu.memory_space<vmem>> -> memref<1x1024xf32, #tpu.memory_space<vmem>>
    %dma_wait3A_275 = tpu.memref_squeeze %dma_wait3A_274 : memref<1x1024xf32, #tpu.memory_space<vmem>> -> memref<1024xf32, #tpu.memory_space<vmem>>
    tpu.wait_dma2 semaphore(%dma_wait3A_269 : memref<!tpu.dma_semaphore, #tpu.memory_space<semaphore_mem>>) src(%dma_wait3A_275 : memref<1024xf32, #tpu.memory_space<vmem>>) dst(%dma_wait3A_272 : memref<1024xf32, #tpu.memory_space<hbm>>)
    %dma_wait3A_276 = arith.constant 1 : i32
    %dma_wait3A_277 = arith.constant 199 : i32
    %dma_wait3A_278 = arith.constant 4 : i32
    %dma_wait3A_279 = arith.constant 1 : i32
    %dma_wait3A_280 = arith.constant 4096 : i32
    %dma_wait3A_281 = tpu.memref_slice %arg7[%dma_wait3A_276, %dma_wait3A_280] : memref<2x8192xf32, #tpu.memory_space<vmem>> -> memref<1x1024xf32, #tpu.memory_space<vmem>>
    %dma_wait3A_282 = tpu.memref_squeeze %dma_wait3A_281 : memref<1x1024xf32, #tpu.memory_space<vmem>> -> memref<1024xf32, #tpu.memory_space<vmem>>
    %dma_wait3A_283 = arith.constant 0 : i32
    %dma_wait3A_284 = tpu.memref_slice %arg4[%dma_wait3A_277, %dma_wait3A_278, %add3A, %dma_wait3A_283] : memref<200x8x32x1024xf32, #tpu.memory_space<hbm>> -> memref<1x1x1x1024xf32, #tpu.memory_space<hbm>>
    %dma_wait3A_285 = tpu.memref_squeeze %dma_wait3A_284 : memref<1x1x1x1024xf32, #tpu.memory_space<hbm>> -> memref<1024xf32, #tpu.memory_space<hbm>>
    %dma_wait3A_286 = tpu.memref_slice %arg9[%dma_wait3A_279] : memref<2x!tpu.dma_semaphore, #tpu.memory_space<semaphore_mem>> -> memref<1x!tpu.dma_semaphore, #tpu.memory_space<semaphore_mem>>
    %dma_wait3A_287 = tpu.memref_squeeze %dma_wait3A_286 : memref<1x!tpu.dma_semaphore, #tpu.memory_space<semaphore_mem>> -> memref<!tpu.dma_semaphore, #tpu.memory_space<semaphore_mem>>
    %dma_wait3A_288 = arith.constant 0 : i32
    %dma_wait3A_289 = tpu.memref_slice %arg4[%dma_wait3A_277, %dma_wait3A_278, %add3A, %dma_wait3A_288] : memref<200x8x32x1024xf32, #tpu.memory_space<hbm>> -> memref<1x1x1x1024xf32, #tpu.memory_space<hbm>>
    %dma_wait3A_290 = tpu.memref_squeeze %dma_wait3A_289 : memref<1x1x1x1024xf32, #tpu.memory_space<hbm>> -> memref<1024xf32, #tpu.memory_space<hbm>>
    %dma_wait3A_291 = arith.constant 4096 : i32
    %dma_wait3A_292 = tpu.memref_slice %arg7[%dma_wait3A_276, %dma_wait3A_291] : memref<2x8192xf32, #tpu.memory_space<vmem>> -> memref<1x1024xf32, #tpu.memory_space<vmem>>
    %dma_wait3A_293 = tpu.memref_squeeze %dma_wait3A_292 : memref<1x1024xf32, #tpu.memory_space<vmem>> -> memref<1024xf32, #tpu.memory_space<vmem>>
    tpu.wait_dma2 semaphore(%dma_wait3A_287 : memref<!tpu.dma_semaphore, #tpu.memory_space<semaphore_mem>>) src(%dma_wait3A_293 : memref<1024xf32, #tpu.memory_space<vmem>>) dst(%dma_wait3A_290 : memref<1024xf32, #tpu.memory_space<hbm>>)
    %dma_wait3A_294 = arith.constant 1 : i32
    %dma_wait3A_295 = arith.constant 199 : i32
    %dma_wait3A_296 = arith.constant 5 : i32
    %dma_wait3A_297 = arith.constant 1 : i32
    %dma_wait3A_298 = arith.constant 5120 : i32
    %dma_wait3A_299 = tpu.memref_slice %arg7[%dma_wait3A_294, %dma_wait3A_298] : memref<2x8192xf32, #tpu.memory_space<vmem>> -> memref<1x1024xf32, #tpu.memory_space<vmem>>
    %dma_wait3A_300 = tpu.memref_squeeze %dma_wait3A_299 : memref<1x1024xf32, #tpu.memory_space<vmem>> -> memref<1024xf32, #tpu.memory_space<vmem>>
    %dma_wait3A_301 = arith.constant 0 : i32
    %dma_wait3A_302 = tpu.memref_slice %arg4[%dma_wait3A_295, %dma_wait3A_296, %add3A, %dma_wait3A_301] : memref<200x8x32x1024xf32, #tpu.memory_space<hbm>> -> memref<1x1x1x1024xf32, #tpu.memory_space<hbm>>
    %dma_wait3A_303 = tpu.memref_squeeze %dma_wait3A_302 : memref<1x1x1x1024xf32, #tpu.memory_space<hbm>> -> memref<1024xf32, #tpu.memory_space<hbm>>
    %dma_wait3A_304 = tpu.memref_slice %arg9[%dma_wait3A_297] : memref<2x!tpu.dma_semaphore, #tpu.memory_space<semaphore_mem>> -> memref<1x!tpu.dma_semaphore, #tpu.memory_space<semaphore_mem>>
    %dma_wait3A_305 = tpu.memref_squeeze %dma_wait3A_304 : memref<1x!tpu.dma_semaphore, #tpu.memory_space<semaphore_mem>> -> memref<!tpu.dma_semaphore, #tpu.memory_space<semaphore_mem>>
    %dma_wait3A_306 = arith.constant 0 : i32
    %dma_wait3A_307 = tpu.memref_slice %arg4[%dma_wait3A_295, %dma_wait3A_296, %add3A, %dma_wait3A_306] : memref<200x8x32x1024xf32, #tpu.memory_space<hbm>> -> memref<1x1x1x1024xf32, #tpu.memory_space<hbm>>
    %dma_wait3A_308 = tpu.memref_squeeze %dma_wait3A_307 : memref<1x1x1x1024xf32, #tpu.memory_space<hbm>> -> memref<1024xf32, #tpu.memory_space<hbm>>
    %dma_wait3A_309 = arith.constant 5120 : i32
    %dma_wait3A_310 = tpu.memref_slice %arg7[%dma_wait3A_294, %dma_wait3A_309] : memref<2x8192xf32, #tpu.memory_space<vmem>> -> memref<1x1024xf32, #tpu.memory_space<vmem>>
    %dma_wait3A_311 = tpu.memref_squeeze %dma_wait3A_310 : memref<1x1024xf32, #tpu.memory_space<vmem>> -> memref<1024xf32, #tpu.memory_space<vmem>>
    tpu.wait_dma2 semaphore(%dma_wait3A_305 : memref<!tpu.dma_semaphore, #tpu.memory_space<semaphore_mem>>) src(%dma_wait3A_311 : memref<1024xf32, #tpu.memory_space<vmem>>) dst(%dma_wait3A_308 : memref<1024xf32, #tpu.memory_space<hbm>>)
    %dma_wait3A_312 = arith.constant 1 : i32
    %dma_wait3A_313 = arith.constant 199 : i32
    %dma_wait3A_314 = arith.constant 6 : i32
    %dma_wait3A_315 = arith.constant 1 : i32
    %dma_wait3A_316 = arith.constant 6144 : i32
    %dma_wait3A_317 = tpu.memref_slice %arg7[%dma_wait3A_312, %dma_wait3A_316] : memref<2x8192xf32, #tpu.memory_space<vmem>> -> memref<1x1024xf32, #tpu.memory_space<vmem>>
    %dma_wait3A_318 = tpu.memref_squeeze %dma_wait3A_317 : memref<1x1024xf32, #tpu.memory_space<vmem>> -> memref<1024xf32, #tpu.memory_space<vmem>>
    %dma_wait3A_319 = arith.constant 0 : i32
    %dma_wait3A_320 = tpu.memref_slice %arg4[%dma_wait3A_313, %dma_wait3A_314, %add3A, %dma_wait3A_319] : memref<200x8x32x1024xf32, #tpu.memory_space<hbm>> -> memref<1x1x1x1024xf32, #tpu.memory_space<hbm>>
    %dma_wait3A_321 = tpu.memref_squeeze %dma_wait3A_320 : memref<1x1x1x1024xf32, #tpu.memory_space<hbm>> -> memref<1024xf32, #tpu.memory_space<hbm>>
    %dma_wait3A_322 = tpu.memref_slice %arg9[%dma_wait3A_315] : memref<2x!tpu.dma_semaphore, #tpu.memory_space<semaphore_mem>> -> memref<1x!tpu.dma_semaphore, #tpu.memory_space<semaphore_mem>>
    %dma_wait3A_323 = tpu.memref_squeeze %dma_wait3A_322 : memref<1x!tpu.dma_semaphore, #tpu.memory_space<semaphore_mem>> -> memref<!tpu.dma_semaphore, #tpu.memory_space<semaphore_mem>>
    %dma_wait3A_324 = arith.constant 0 : i32
    %dma_wait3A_325 = tpu.memref_slice %arg4[%dma_wait3A_313, %dma_wait3A_314, %add3A, %dma_wait3A_324] : memref<200x8x32x1024xf32, #tpu.memory_space<hbm>> -> memref<1x1x1x1024xf32, #tpu.memory_space<hbm>>
    %dma_wait3A_326 = tpu.memref_squeeze %dma_wait3A_325 : memref<1x1x1x1024xf32, #tpu.memory_space<hbm>> -> memref<1024xf32, #tpu.memory_space<hbm>>
    %dma_wait3A_327 = arith.constant 6144 : i32
    %dma_wait3A_328 = tpu.memref_slice %arg7[%dma_wait3A_312, %dma_wait3A_327] : memref<2x8192xf32, #tpu.memory_space<vmem>> -> memref<1x1024xf32, #tpu.memory_space<vmem>>
    %dma_wait3A_329 = tpu.memref_squeeze %dma_wait3A_328 : memref<1x1024xf32, #tpu.memory_space<vmem>> -> memref<1024xf32, #tpu.memory_space<vmem>>
    tpu.wait_dma2 semaphore(%dma_wait3A_323 : memref<!tpu.dma_semaphore, #tpu.memory_space<semaphore_mem>>) src(%dma_wait3A_329 : memref<1024xf32, #tpu.memory_space<vmem>>) dst(%dma_wait3A_326 : memref<1024xf32, #tpu.memory_space<hbm>>)
    %dma_wait3A_330 = arith.constant 1 : i32
    %dma_wait3A_331 = arith.constant 199 : i32
    %dma_wait3A_332 = arith.constant 7 : i32
    %dma_wait3A_333 = arith.constant 1 : i32
    %dma_wait3A_334 = arith.constant 7168 : i32
    %dma_wait3A_335 = tpu.memref_slice %arg7[%dma_wait3A_330, %dma_wait3A_334] : memref<2x8192xf32, #tpu.memory_space<vmem>> -> memref<1x1024xf32, #tpu.memory_space<vmem>>
    %dma_wait3A_336 = tpu.memref_squeeze %dma_wait3A_335 : memref<1x1024xf32, #tpu.memory_space<vmem>> -> memref<1024xf32, #tpu.memory_space<vmem>>
    %dma_wait3A_337 = arith.constant 0 : i32
    %dma_wait3A_338 = tpu.memref_slice %arg4[%dma_wait3A_331, %dma_wait3A_332, %add3A, %dma_wait3A_337] : memref<200x8x32x1024xf32, #tpu.memory_space<hbm>> -> memref<1x1x1x1024xf32, #tpu.memory_space<hbm>>
    %dma_wait3A_339 = tpu.memref_squeeze %dma_wait3A_338 : memref<1x1x1x1024xf32, #tpu.memory_space<hbm>> -> memref<1024xf32, #tpu.memory_space<hbm>>
    %dma_wait3A_340 = tpu.memref_slice %arg9[%dma_wait3A_333] : memref<2x!tpu.dma_semaphore, #tpu.memory_space<semaphore_mem>> -> memref<1x!tpu.dma_semaphore, #tpu.memory_space<semaphore_mem>>
    %dma_wait3A_341 = tpu.memref_squeeze %dma_wait3A_340 : memref<1x!tpu.dma_semaphore, #tpu.memory_space<semaphore_mem>> -> memref<!tpu.dma_semaphore, #tpu.memory_space<semaphore_mem>>
    %dma_wait3A_342 = arith.constant 0 : i32
    %dma_wait3A_343 = tpu.memref_slice %arg4[%dma_wait3A_331, %dma_wait3A_332, %add3A, %dma_wait3A_342] : memref<200x8x32x1024xf32, #tpu.memory_space<hbm>> -> memref<1x1x1x1024xf32, #tpu.memory_space<hbm>>
    %dma_wait3A_344 = tpu.memref_squeeze %dma_wait3A_343 : memref<1x1x1x1024xf32, #tpu.memory_space<hbm>> -> memref<1024xf32, #tpu.memory_space<hbm>>
    %dma_wait3A_345 = arith.constant 7168 : i32
    %dma_wait3A_346 = tpu.memref_slice %arg7[%dma_wait3A_330, %dma_wait3A_345] : memref<2x8192xf32, #tpu.memory_space<vmem>> -> memref<1x1024xf32, #tpu.memory_space<vmem>>
    %dma_wait3A_347 = tpu.memref_squeeze %dma_wait3A_346 : memref<1x1024xf32, #tpu.memory_space<vmem>> -> memref<1024xf32, #tpu.memory_space<vmem>>
    tpu.wait_dma2 semaphore(%dma_wait3A_341 : memref<!tpu.dma_semaphore, #tpu.memory_space<semaphore_mem>>) src(%dma_wait3A_347 : memref<1024xf32, #tpu.memory_space<vmem>>) dst(%dma_wait3A_344 : memref<1024xf32, #tpu.memory_space<hbm>>)
    return
  }
}

</mosaic_0001>

<sc_bundles>
// kernel: kernel.3.cloned.1.call-start
scs
__scs_entry_jumppad:
0x0: {  	(pc) =	sbr.rel $0x88, $3  }
0x1: {  	(tag) =	ssettag $0x0;
	lr =	simm.s32 $0x1  }
0x2: {  	[smem:$0x3F9F] =	sst lr;
	_ =	strace $0xD0000000  }
0x3: {  	_ = 	snop  }
0x4: {  	_ = 	snop  }
0x5: {  	_ = 	snop  }
0x6: {  	_ = 	snop  }
0x7: {  	_ = 	snop  }
__scs_overlays_trampoline_lowered:
0x8: {  	[smem:$0x3FAE] =	sst s0  }
0x9: {  	[smem:$0x3FAF] =	sst s1  }
0xa: {  	[smem:$0x3FB0] =	sst s2  }
0xb: {  	[smem:$0x3FB1] =	sst s3  }
0xc: {  	[smem:$0x3FB2] =	sst s4  }
0xd: {  	[smem:$0x3FB3] =	sst s5  }
0xe: {  	[smem:$0x3FB4] =	sst s6  }
0xf: {  	[smem:$0x3FB5] =	sst s7  }
0x10: {  	[smem:$0x3FB6] =	sst s8  }
0x11: {  	[smem:$0x3FB7] =	sst s9;
	s0 =	simm.s32 @!p0 $0x0  }
0x12: {  	s1 =	sld [smem:$0x3F9D];
	s0 =	simm.s32 @p0 $0x1  }
0x13: {  	[smem:$0x3FB8] =	sst s0;
	s0 =	simm.s32 @!p1 $0x0  }
0x14: {  	s2 =	sld [smem:$0x3F9C];
	s0 =	simm.s32 @p1 $0x1  }
0x15: {  	[smem:$0x3FB9] =	sst s0;
	s0 =	simm.s32 @!p2 $0x0  }
0x16: {  	s3 =	sld [smem:$0x3FDB];
	s0 =	simm.s32 @p2 $0x1  }
0x17: {  	s4 =	simm.s32 $0x1BF5;
	[smem:$0x3FBB] =	sst s0  }
0x18: {  	s0 =	sld [smem:$0x3F9E];
	_ =	swait.ge [sflag:s4], $0x0  }
0x19: {  	s7 =	sld [smem:$0x3F9F]  }
0x1a: {  	s8 =	sadd.s32 $0xFFFFE003, lr  }
0x1b: {  	s9 =	sadd.s32 $0xFFFFFEF7, lr;
	s5 =	simm.s32 $0xFFFFFFFF;
	p2 =	slt.u32 s8, $0xFFFFF086  }
0x1c: {  	p1 =	slt.u32 s9, $0xF7A;
	s5 =	simm.s32 @!p2 $0x0  }
0x1d: {  	s5 =	simm.s32 @p1 $0x1;
	p0 =	seq.s32 s7, s2  }
0x1e: {  	s7 =	smul.u32 @!p0 $0xF7A, s2;
	p2 =	seq.s32 @!p0 s5, $0x0  }
0x1f: {  	s9 =	smul.u32 $0xF7A, s1;
	s8 =	simm.s32 @!p0 $0x1BF5;
	p2 =	por !p2, p0  }
0x20: {  	[sflag:s8] =	ssyncset.s32 @!p0 $0xFFFFF086;
	s6 =	sadd.s32 @!p0 s3, s7;
	s7 =	simm.s32 @!p0 $0x108  }
0x21: {  	s3 =	sadd.s32 s3, s9;
	s6 =	sadd.s32 @!p0 $0x88, s6;
	s7 =	simm.s32 @p2 $0x1082  }
0x22: {  	[simem:s7], [sflag:s8] =	dma.local @!p0 [hbm:s6], $0xF7A  }
0x23: {  	s9 =	sor.u32 $0xD0000000, s2;
	s6 =	simm.s32 $0x108;
	_ =	swait.ge @!p0 [sflag:s8], $0x0  }
0x24: {  	s3 =	sadd.s32 $0x88, s3;
	s6 =	simm.s32 @!p1 $0x1082;
	[sflag:s4] =	ssyncset.s32 $0xFFFFF086  }
0x25: {  	[simem:s6], [sflag:s4] =	dma.local [hbm:s3], $0xF7A  }
0x26: {  	[smem:$0x3F9F] =	sst s1;
	(tag) =	ssettag s2;
	_ =	strace s9  }
0x27: {  	s1 =	sld [smem:$0x3FAF]  }
0x28: {  	s2 =	sld [smem:$0x3FB0]  }
0x29: {  	s4 =	sld [smem:$0x3FB2]  }
0x2a: {  	p0 =	seq.s32 s5, $0x0;
	s5 =	sld [smem:$0x3FB3]  }
0x2b: {  	s6 =	sld [smem:$0x3FB4]  }
0x2c: {  	s7 =	sld [smem:$0x3FB5]  }
0x2d: {  	s3 =	simm.s32 $0x108;
	s8 =	sld [smem:$0x3FB6]  }
0x2e: {  	s3 =	simm.s32 @!p0 $0x1082;
	s9 =	sld [smem:$0x3FB7]  }
0x2f: {  	lr =	sadd.s32 s0, s3;
	s0 =	sld [smem:$0x3FAE]  }
0x30: {  	s3 =	sld [smem:$0x3FB1]  }
0x31: {  	[smem:$0x3FBA] =	sst s10  }
0x32: {  	s10 =	sld [smem:$0x3FB8];
	_ =	sdelay $0x3  }
0x33: {  	p0 =	seq.s32 s10, $0x1;
	s10 =	sld [smem:$0x3FBA];
	_ =	sdelay $0x3  }
0x34: {  	[smem:$0x3FBA] =	sst s10  }
0x35: {  	s10 =	sld [smem:$0x3FB9];
	_ =	sdelay $0x3  }
0x36: {  	p1 =	seq.s32 s10, $0x1;
	s10 =	sld [smem:$0x3FBA];
	_ =	sdelay $0x3  }
0x37: {  	[smem:$0x3FBA] =	sst s10  }
0x38: {  	s10 =	sld [smem:$0x3FBB]  }
0x39: {  	_ = 	snop;
	(pc) =	sbr.ind lr, $3  }
0x3a: {  	_ = 	snop  }
0x3b: {  	_ = 	snop  }
0x3c: {  	p2 =	seq.s32 s10, $0x1;
	s10 =	sld [smem:$0x3FBA]  }
0x3d: {  	_ =	shalt  }
0x3e: {  	_ =	shalt  }
0x3f: {  	_ =	shalt  }
0x40: {  	_ =	shalt  }
0x41: {  	_ =	shalt  }
0x42: {  	_ =	shalt  }
0x43: {  	_ =	shalt  }
0x44: {  	_ =	shalt  }
0x45: {  	_ =	shalt  }
0x46: {  	_ =	shalt  }
0x47: {  	_ =	shalt  }
0x48: {  	_ =	shalt  }
0x49: {  	_ =	shalt  }
0x4a: {  	_ =	shalt  }
0x4b: {  	_ =	shalt  }
0x4c: {  	_ =	shalt  }
0x4d: {  	_ =	shalt  }
0x4e: {  	_ =	shalt  }
0x4f: {  	_ =	shalt  }
0x50: {  	_ =	shalt  }
0x51: {  	_ =	shalt  }
0x52: {  	_ =	shalt  }
0x53: {  	_ =	shalt  }
0x54: {  	_ =	shalt  }
0x55: {  	_ =	shalt  }
0x56: {  	_ =	shalt  }
0x57: {  	_ =	shalt  }
0x58: {  	_ =	shalt  }
0x59: {  	_ =	shalt  }
0x5a: {  	_ =	shalt  }
0x5b: {  	_ =	shalt  }
0x5c: {  	_ =	shalt  }
0x5d: {  	_ =	shalt  }
0x5e: {  	_ =	shalt  }
0x5f: {  	_ =	shalt  }
0x60: {  	_ =	shalt  }
0x61: {  	_ =	shalt  }
0x62: {  	_ =	shalt  }
0x63: {  	_ =	shalt  }
0x64: {  	_ =	shalt  }
0x65: {  	_ =	shalt  }
0x66: {  	_ =	shalt  }
0x67: {  	_ =	shalt  }
0x68: {  	_ =	shalt  }
0x69: {  	_ =	shalt  }
0x6a: {  	_ =	shalt  }
0x6b: {  	_ =	shalt  }
0x6c: {  	_ =	shalt  }
0x6d: {  	_ =	shalt  }
0x6e: {  	_ =	shalt  }
0x6f: {  	_ =	shalt  }
0x70: {  	_ =	shalt  }
0x71: {  	_ =	shalt  }
0x72: {  	_ =	shalt  }
0x73: {  	_ =	shalt  }
0x74: {  	_ =	shalt  }
0x75: {  	_ =	shalt  }
0x76: {  	_ =	shalt  }
0x77: {  	_ =	shalt  }
0x78: {  	_ =	shalt  }
0x79: {  	_ =	shalt  }
0x7a: {  	_ =	shalt  }
0x7b: {  	_ =	shalt  }
0x7c: {  	_ =	shalt  }
0x7d: {  	_ =	shalt  }
0x7e: {  	_ =	shalt  }
0x7f: {  	_ =	shalt  }
0x80: {  	_ =	shalt  }
0x81: {  	_ =	shalt  }
0x82: {  	_ =	shalt  }
0x83: {  	_ =	shalt  }
0x84: {  	_ =	shalt  }
0x85: {  	_ =	shalt  }
0x86: {  	_ =	shalt  }
0x87: {  	_ =	shalt  }
.Lfunc_end0:
.L_simem_size_0:
called_computation_lowered:
.L_overlay_start_0:
0x88: {  	s2 =	sld [smem:$0x3FD9]  }
0x89: {  	s3 =	sld [smem:$0x3FFE];
	_ =	sdelay $0x1  }
0x8a: {  	s1 =	srdreg.scid  }
0x8b: {  	s0 =	sand.u32 $0x1, s1  }
0x8c: {  	s17 =	sshll.u32 s0, $0xA;
	s2 =	sadd.s32 s3, s2  }
0x8d: {  	s2 =	sadd.s32 s2, s17  }
0x8e: {  	[smem:$0x3FC6] =	sst s2  }
0x8f: {  	_ = 	snop  }
0x90: {  	s2 =	sld [smem:$0x3FD0];
	(tm) =	ssettm $0x1  }
0x91: {  	s18 =	sld [smem:$0x3FFB];
	_ =	sdelay $0x3  }
0x92: {  	_ =	strace s18  }
0x93: {  	s3 =	sld [smem:$0x3FFC];
	_ =	sdelay $0x3  }
0x94: {  	_ =	strace s3  }
0x95: {  	s3 =	sld [smem:$0x3FFD];
	_ =	sdelay $0x3  }
0x96: {  	_ =	strace s3  }
0x97: {  	_ =	strace $0x8FFFFFFF  }
0x98: {  	s19 =	sld [smem:$0x3FDB];
	_ =	sdelay $0x1  }
0x99: {  	s4 =	simm.s32 $_scs_section_size  }
0x9a: {  	s5 =	simm.s32 $_size__tile_overlayer_lowered;
	s6 =	simm.s32 $_tile_overlayer_lowered  }
0x9b: {  	s22 =	simm.s32 $0x1BFF;
	s21 =	sshll.u32 s6, $0x1;
	s3 =	sadd.s32 s4, s19  }
0x9c: {  	s7 =	simm.s32 $0x0;
	s20 =	sshll.u32 s5, $0x1;
	s5 =	sadd.s32 s21, s3  }
0x9d: {  	[timem:s7], [sflag:s22] =	dma.local [hbm:s5], s20  }
0x9e: {  	_ =	swait.ge [sflag:s22], s20  }
0x9f: {  	s4 =	ssub.s32 $0x0, s20;
	[sflag:s22] =	ssyncset.done $0x0  }
0xa0: {  	[sflag:s22] =	ssyncadd.s32 s4;
	_ =	sdelay $0x1  }
0xa1: {  	s23 =	simm.s32 $0x1B8B  }
0xa2: {  	_ =	swait.ge [sflag:s23], $0x1  }
0xa3: {  	[sflag:s23] =	ssyncset.done $0x0  }
0xa4: {  	s25 =	simm.s32 $0x1B8E;
	s24 =	sld [smem:$0x3FFE];
	[sflag:s23] =	ssyncadd.s32 $0xFFFFFFFF  }
0xa5: {  	s26 =	simm.s32 $execute0_lowered;
	[smem:$0x3FD2] =	sst s25  }
0xa6: {  	s5 =	sshll.u32 s26, $0x1;
	_ =	strace $0x80000046;
	[dreg:$0x1] =	wrdreg $0xFFFFFFFF  }
0xa7: {  	s28 =	simm.s32 $_size_execute0_lowered;
	s3 =	sadd.s32 s3, s5;
	[dreg:$0x0] =	wrdreg $0x0  }
0xa8: {  	s5 =	sshll.u32 s28, $0x1;
	[dreg:$0x2] =	wrdreg s3  }
0xa9: {  	[dreg:$0x3] =	wrdreg s5  }
0xaa: {  	[dreg:$0x4] =	wrdreg $0xC0  }
0xab: {  	_ =	task [dreg:s7], $0x5FFFF  }
0xac: {  	[dreg:$0x1] =	wrdreg $0xFFFFFFFF  }
0xad: {  	[dreg:$0x0] =	wrdreg $0x60  }
0xae: {  	[dreg:$0x2] =	wrdreg s24  }
0xaf: {  	[dreg:$0x3] =	wrdreg s2  }
0xb0: {  	[dreg:$0x4] =	wrdreg $0x9  }
0xb1: {  	_ =	task.clear_ibuf [dreg:s7], $0x5FFFF;
	_ =	strace $0x90000046  }
0xb2: {  	s29 =	simm.s32 $0x9;
	_ =	strace $0x80000048  }
0xb3: {  	_ =	swait.ge [sflag:s29], $0x1  }
0xb4: {  	[sflag:s29] =	ssyncadd.s32 $0xFFFFFFFF  }
0xb5: {  	_ =	strace $0x90000048  }
0xb6: {  	_ =	sfence  }
0xb7: {  	s30 =	sld [smem:$0x0];
	_ =	sdelay $0x2  }
0xb8: {  	s31 =	sshll.u32 s1, $0xD;
	s1 =	sshrl.u32 s1, $0x2  }
0xb9: {  	s3 =	sand.u32 $0x4000, s31;
	s1 =	sadd.s32 s1, s30  }
0xba: {  	s0 =	sor.u32 s3, s0;
	s1 =	sshll.u32 s1, $0x11  }
0xbb: {  	s0 =	sor.u32 s1, s0  }
0xbc: {  	s0 =	sadd.s32 $0x8F2B, s0  }
0xbd: {  	[sflag:s0] =	ssyncadd.remote.s32 $0x1  }
0xbe: {  	_ =	sfence.sel $0xFFFF  }
0xbf: {  	[dreg:$0x0] =	wrdreg $0xFFFFFFFF;
	(pc) =	sbr.abs _section_cstart, $3  }
0xc0: {  	[dreg:$0x1] =	wrdreg $0xFFFFFFFF  }
0xc1: {  	_ =	task.clear_ibuf [dreg:s7], $0x2FFFF;
	_ =	strace $0x9FFFFFFF  }
0xc2: {  	(tm) =	ssettm $0x7FFFFFFF  }
0xc3: {  	_ =	shalt  }
tec
execute0_lowered:
.L_overlay_start_1:
0x0: {  	(tag) =	ssettag $0x1  }
0x1: {  	v0 =	vimm.s32 $0xC3824100;
	vm0 =	vcmask $0xF00  }
0x2: {  	v2 =	vimm.s32 $0x7C7;
	vm14 =	vcmask $0x300;
	vm9 =	vcmask $0x1310  }
0x3: {  	vm13 =	vcmask $0x704;
	vm12 =	vcmask $0xB08;
	vm10 =	vcmask $0x1714  }
0x4: {  	vm11 =	vcmask $0xF0C;
	vm8 =	vcmask $0x1B18;
	vm7 =	vcmask $0x1F1C  }
0x5: {  	vm6 =	vcmask $0x2320;
	vm5 =	vcmask $0x2724;
	vm4 =	vcmask $0x2B28  }
0x6: {  	vm3 =	vcmask $0x2F2C;
	vm2 =	vcmask $0x3330;
	vm1 =	vcmask $0x3734  }
0x7: {  	vm15 =	vcmask $0x3B38;
	v4 =	vimm.s32 $0xBC7;
	v6 =	vimm.s32 $0xFC7  }
0x8: {  	v8 =	vimm.s32 $0x13C7;
	v13 =	vimm.s32 $0x17C7;
	v16 =	vimm.s32 $0x1BC7  }
0x9: {  	v17 =	vimm.s32 $0x1FC7;
	v1 =	vunpack.c.0.s8.s32 v0;
	v0 =	vlaneseq.u32  }
0xa: {  	v2 =	vsel vm14, $0x400, v2;
	v4 =	vsel vm14, $0x800, v4;
	v6 =	vsel vm14, $0xC00, v6  }
0xb: {  	v8 =	vsel vm14, $0x1000, v8;
	v14 =	vsel vm14, $0x1400, v13;
	v16 =	vsel vm14, $0x1800, v16  }
0xc: {  	v17 =	vsel vm14, $0x1C00, v17;
	v2 =	vsel vm13, $0x441, v2;
	v5 =	vsel vm13, $0x841, v4  }
0xd: {  	v4 =	vor.u32 $0x10, v0;
	v6 =	vsel vm13, $0xC41, v6;
	v8 =	vsel vm13, $0x1041, v8  }
0xe: {  	v13 =	vor.u32 $0x40, v0;
	v15 =	vsel vm13, $0x1441, v14;
	v14 =	vor.u32 $0x1FC8, v0  }
0xf: {  	v16 =	vsel vm13, $0x1841, v16;
	v17 =	vsel vm13, $0x1C41, v17;
	v20 =	vor.u32 $0x60, v0  }
0x10: {  	v21 =	vor.u32 $0x1FE8, v0;
	v23 =	vor.u32 $0x70, v0;
	v24 =	vor.u32 $0x1FF8, v0  }
0x11: {  	v1 =	vand.u32 $0xFF, v1;
	v2 =	vsel vm12, $0x482, v2;
	v7 =	vsel vm12, $0x882, v5  }
0x12: {  	v5 =	vor.u32 $0x1F98, v0;
	v6 =	vsel vm12, $0xC82, v6;
	v8 =	vsel vm12, $0x1082, v8  }
0x13: {  	v15 =	vsel vm12, $0x1482, v15;
	v16 =	vsel vm12, $0x1882, v16;
	v17 =	vsel vm12, $0x1C82, v17  }
0x14: {  	v1 =	vnsel vm0, $0x3C7, v1;
	v2 =	vsel vm11, $0x4C3, v2;
	v7 =	vsel vm11, $0x8C3, v7  }
0x15: {  	v6 =	vsel vm11, $0xCC3, v6;
	v8 =	vsel vm11, $0x10C3, v8;
	v15 =	vsel vm11, $0x14C3, v15  }
0x16: {  	v16 =	vsel vm11, $0x18C3, v16;
	v17 =	vsel vm11, $0x1CC3, v17;
	v1 =	vsel vm9, $0x104, v1  }
0x17: {  	v2 =	vsel vm9, $0x504, v2;
	v7 =	vsel vm9, $0x904, v7;
	v6 =	vsel vm9, $0xD04, v6  }
0x18: {  	v8 =	vsel vm9, $0x1104, v8;
	v15 =	vsel vm9, $0x1504, v15;
	v16 =	vsel vm9, $0x1904, v16  }
0x19: {  	v17 =	vsel vm9, $0x1D04, v17;
	v1 =	vsel vm10, $0x145, v1;
	v2 =	vsel vm10, $0x545, v2  }
0x1a: {  	v7 =	vsel vm10, $0x945, v7;
	v6 =	vsel vm10, $0xD45, v6;
	v8 =	vsel vm10, $0x1145, v8  }
0x1b: {  	v15 =	vsel vm10, $0x1545, v15;
	v16 =	vsel vm10, $0x1945, v16;
	v17 =	vsel vm10, $0x1D45, v17  }
0x1c: {  	v1 =	vsel vm8, $0x186, v1;
	v2 =	vsel vm8, $0x586, v2;
	v7 =	vsel vm8, $0x986, v7  }
0x1d: {  	v6 =	vsel vm8, $0xD86, v6;
	v8 =	vsel vm8, $0x1186, v8;
	v15 =	vsel vm8, $0x1586, v15  }
0x1e: {  	v16 =	vsel vm8, $0x1986, v16;
	v17 =	vsel vm8, $0x1D86, v17;
	v1 =	vsel vm7, $0x1C7, v1  }
0x1f: {  	v2 =	vsel vm7, $0x5C7, v2;
	v7 =	vsel vm7, $0x9C7, v7;
	v6 =	vsel vm7, $0xDC7, v6  }
0x20: {  	v8 =	vsel vm7, $0x11C7, v8;
	v15 =	vsel vm7, $0x15C7, v15;
	v16 =	vsel vm7, $0x19C7, v16  }
0x21: {  	v17 =	vsel vm7, $0x1DC7, v17;
	v1 =	vsel vm6, $0x200, v1;
	v2 =	vsel vm6, $0x600, v2  }
0x22: {  	v7 =	vsel vm6, $0xA00, v7;
	v6 =	vsel vm6, $0xE00, v6;
	v8 =	vsel vm6, $0x1200, v8  }
0x23: {  	v15 =	vsel vm6, $0x1600, v15;
	v16 =	vsel vm6, $0x1A00, v16;
	v17 =	vsel vm6, $0x1E00, v17  }
0x24: {  	v1 =	vsel vm5, $0x241, v1;
	v2 =	vsel vm5, $0x641, v2;
	v7 =	vsel vm5, $0xA41, v7  }
0x25: {  	v6 =	vsel vm5, $0xE41, v6;
	v8 =	vsel vm5, $0x1241, v8;
	v15 =	vsel vm5, $0x1641, v15  }
0x26: {  	v16 =	vsel vm5, $0x1A41, v16;
	v17 =	vsel vm5, $0x1E41, v17;
	v1 =	vsel vm4, $0x282, v1  }
0x27: {  	v2 =	vsel vm4, $0x682, v2;
	v7 =	vsel vm4, $0xA82, v7;
	v6 =	vsel vm4, $0xE82, v6  }
0x28: {  	s0 =	rddreg [dreg:$0x0];
	v10 =	vsel vm4, $0x1282, v8;
	v8 =	vor.u32 $0x1FA8, v0;
	v15 =	vsel vm4, $0x1682, v15  }
0x29: {  	s21 =	rddreg [dreg:$0x1];
	v16 =	vsel vm4, $0x1A82, v16;
	v17 =	vsel vm4, $0x1E82, v17;
	v1 =	vsel vm3, $0x2C3, v1  }
0x2a: {  	s1 =	srdreg.scid;
	s2 =	stileid.u32;
	v2 =	vsel vm3, $0x6C3, v2;
	v7 =	vsel vm3, $0xAC3, v7;
	v9 =	vsel vm3, $0xEC3, v6  }
0x2b: {  	s3 =	simm.s32 $0x0;
	s23 =	simm.s32 $0x80;
	s28 =	simm.s32 $0x8400;
	v11 =	vsel vm3, $0x12C3, v10;
	v10 =	vor.u32 $0x30, v0;
	v15 =	vsel vm3, $0x16C3, v15  }
0x2c: {  	s29 =	simm.s32 $0x1;
	s30 =	simm.s32 $0xA400;
	s31 =	simm.s32 $0x4;
	v18 =	vsel vm3, $0x1AC3, v16;
	v16 =	vor.u32 $0x50, v0;
	v19 =	vsel vm3, $0x1EC3, v17  }
0x2d: {  	s1 =	sand.u32 $0x1, s1;
	s2 =	sshll.u32 s2, $0x1;
	[smem:$0x7FF] =	sst s3;
	v17 =	vor.u32 $0x1FD8, v0;
	v1 =	vsel vm2, $0x304, v1;
	v3 =	vsel vm2, $0x704, v2  }
0x2e: {  	s4 =	sadd.s32 $0x19400, s0;
	s7 =	sadd.s32 $0x1000, s21;
	s8 =	sadd.s32 $0x2000, s21;
	v2 =	vor.u32 $0x1F88, v0;
	v7 =	vsel vm2, $0xB04, v7;
	v9 =	vsel vm2, $0xF04, v9  }
0x2f: {  	s9 =	sadd.s32 $0x3000, s21;
	s10 =	sadd.s32 $0x4000, s21;
	s11 =	sadd.s32 $0x5000, s21;
	v12 =	vsel vm2, $0x1304, v11;
	v11 =	vor.u32 $0x1FB8, v0;
	v15 =	vsel vm2, $0x1704, v15  }
0x30: {  	s12 =	sadd.s32 $0x6000, s21;
	s13 =	sadd.s32 $0x7000, s21;
	s14 =	sadd.s32 $0x8000, s21;
	v18 =	vsel vm2, $0x1B04, v18;
	v19 =	vsel vm2, $0x1F04, v19;
	v1 =	vsel vm1, $0x345, v1  }
0x31: {  	s15 =	sadd.s32 $0x9000, s21;
	s16 =	sadd.s32 $0xA000, s21;
	s17 =	sadd.s32 $0xB000, s21;
	v3 =	vsel vm1, $0x745, v3;
	v7 =	vsel vm1, $0xB45, v7;
	v9 =	vsel vm1, $0xF45, v9  }
0x32: {  	s18 =	sadd.s32 $0xC000, s21;
	s19 =	sadd.s32 $0xD000, s21;
	s20 =	sadd.s32 $0xE000, s21;
	v12 =	vsel vm1, $0x1345, v12;
	v15 =	vsel vm1, $0x1745, v15;
	v18 =	vsel vm1, $0x1B45, v18  }
0x33: {  	s21 =	sadd.s32 $0xF000, s21;
	s2 =	sor.u32 s1, s2;
	_ =	strace $0x80000047;
	v22 =	vsel vm1, $0x1F45, v19;
	v19 =	vmul.u32 $0x40, v0;
	v1 =	vsel vm15, $0x386, v1  }
.Ltmp0:
0x34: {  	s1 =	ssub.s32 $0x2, s1;
	s5 =	sshll.u32 s2, $0x4;
	v3 =	vsel vm15, $0x786, v3;
	v6 =	vsel vm15, $0xB86, v7;
	v7 =	vor.u32 $0x20, v0;
	(pc) =	sbr.rel .LBB2_1-.Ltmp0, $4  }
0x35: {  	s25 =	sshrl.u32 s1, $0x1;
	s6 =	sshll.u32 s2, $0x7;
	s0 =	sadd.s32 s5, s0;
	v9 =	vsel vm15, $0xF86, v9;
	v12 =	vsel vm15, $0x1386, v12;
	v15 =	vsel vm15, $0x1786, v15  }
0x36: {  	s1 =	ssub.s32 s1, s25;
	s5 =	simm.s32 $0x0;
	s0 =	sadd.s32 $0x400, s0;
	v18 =	vsel vm15, $0x1B86, v18;
	v22 =	vsel vm15, $0x1F86, v22;
	v25 =	vor.u32 $0x400, v19  }
0x37: {  	s26 =	smax.u32 s1, $0x1;
	s1 =	simm.s32 $0x2;
	[dreg:$0x3] =	wrdreg s0;
	v26 =	vor.u32 $0x800, v19;
	v27 =	vor.u32 $0xC00, v19;
	v28 =	vor.u32 $0x1000, v19  }
0x38: {  	[dreg:$0x4] =	wrdreg s26;
	s26 =	simm.s32 $0x6400;
	s0 =	simm.s32 $0xC400;
	v29 =	vor.u32 $0x1400, v19;
	v30 =	vor.u32 $0x1800, v19;
	v31 =	vor.u32 $0x1C00, v19  }
.LBB2_12:
0x39: {  	s2 =	simm.s32 $0x3  }
0x3a: {  	_ =	swait.ge [sflag:s2], $0x400  }
0x3b: {  	[sflag:s2] =	ssyncset.done $0x0  }
0x3c: {  	[sflag:s2] =	ssyncadd.s32 $0xFFFFFC00  }
0x3d: {  	_ =	swait.ge [sflag:s2], $0x400  }
0x3e: {  	[sflag:s2] =	ssyncset.done $0x0  }
0x3f: {  	[sflag:s2] =	ssyncadd.s32 $0xFFFFFC00  }
0x40: {  	_ =	swait.ge [sflag:s2], $0x400  }
0x41: {  	[sflag:s2] =	ssyncset.done $0x0  }
0x42: {  	[sflag:s2] =	ssyncadd.s32 $0xFFFFFC00  }
0x43: {  	_ =	swait.ge [sflag:s2], $0x400  }
0x44: {  	[sflag:s2] =	ssyncset.done $0x0  }
0x45: {  	[sflag:s2] =	ssyncadd.s32 $0xFFFFFC00  }
0x46: {  	_ =	swait.ge [sflag:s2], $0x400  }
0x47: {  	[sflag:s2] =	ssyncset.done $0x0  }
0x48: {  	[sflag:s2] =	ssyncadd.s32 $0xFFFFFC00  }
0x49: {  	_ =	swait.ge [sflag:s2], $0x400  }
0x4a: {  	[sflag:s2] =	ssyncset.done $0x0  }
0x4b: {  	[sflag:s2] =	ssyncadd.s32 $0xFFFFFC00  }
0x4c: {  	_ =	swait.ge [sflag:s2], $0x400  }
0x4d: {  	[sflag:s2] =	ssyncset.done $0x0  }
0x4e: {  	[sflag:s2] =	ssyncadd.s32 $0xFFFFFC00  }
0x4f: {  	_ =	swait.ge [sflag:s2], $0x400  }
0x50: {  	[sflag:s2] =	ssyncset.done $0x0  }
0x51: {  	[sflag:s2] =	ssyncadd.s32 $0xFFFFFC00  }
0x52: {  	_ =	swait.ge [sflag:s31], $0x400  }
0x53: {  	[sflag:s31] =	ssyncset.done $0x0  }
0x54: {  	[sflag:s31] =	ssyncadd.s32 $0xFFFFFC00  }
0x55: {  	_ =	swait.ge [sflag:s31], $0x400  }
0x56: {  	[sflag:s31] =	ssyncset.done $0x0  }
0x57: {  	[sflag:s31] =	ssyncadd.s32 $0xFFFFFC00  }
0x58: {  	_ =	swait.ge [sflag:s31], $0x400  }
0x59: {  	[sflag:s31] =	ssyncset.done $0x0  }
0x5a: {  	[sflag:s31] =	ssyncadd.s32 $0xFFFFFC00  }
0x5b: {  	_ =	swait.ge [sflag:s31], $0x400  }
0x5c: {  	[sflag:s31] =	ssyncset.done $0x0  }
0x5d: {  	[sflag:s31] =	ssyncadd.s32 $0xFFFFFC00  }
0x5e: {  	_ =	swait.ge [sflag:s31], $0x400  }
0x5f: {  	[sflag:s31] =	ssyncset.done $0x0  }
0x60: {  	[sflag:s31] =	ssyncadd.s32 $0xFFFFFC00  }
0x61: {  	_ =	swait.ge [sflag:s31], $0x400  }
0x62: {  	[sflag:s31] =	ssyncset.done $0x0  }
0x63: {  	[sflag:s31] =	ssyncadd.s32 $0xFFFFFC00  }
0x64: {  	_ =	swait.ge [sflag:s31], $0x400  }
0x65: {  	[sflag:s31] =	ssyncset.done $0x0  }
0x66: {  	[sflag:s31] =	ssyncadd.s32 $0xFFFFFC00  }
0x67: {  	_ =	swait.ge [sflag:s31], $0x400  }
0x68: {  	s5 =	rddreg [dreg:$0x5]  }
0x69: {  	s25 =	rddreg [dreg:$0x4];
	s5 =	sadd.s32 $0x1, s5  }
0x6a: {  	p0 =	sne.s32 s5, s25  }
.Ltmp1:
0x6b: {  	_ = 	snop;
	(pc) =	sbr.rel @!p0 .LBB2_13-.Ltmp1, $3  }
0x6c: {  	_ =	sdelay $0x1  }
0x6d: {  	[sflag:s31] =	ssyncset.done $0x0  }
0x6e: {  	[sflag:s31] =	ssyncadd.s32 $0xFFFFFC00  }
.LBB2_1:
0x6f: {  	[dreg:$0x5] =	wrdreg s5  }
0x70: {  	s2 =	rddreg [dreg:$0x3];
	s24 =	simm.s32 $0x1000;
	s25 =	simm.s32 $0x5  }
0x71: {  	[tilespmem:s3], [sflag:$0x5] =	stream.strided.gather [hbm4b:s2+s23], $0x6400, s24, s23, $0x38;
	[tilespmem:$0xE400] =	vst v63  }
0x72: {  	_ =	swait.ge [sflag:s25], $0x6400  }
0x73: {  	[sflag:s25] =	ssyncset.done $0x0  }
0x74: {  	[sflag:s25] =	ssyncadd.s32 $0xFFFF9C00  }
0x75: {  	[tilespmem:s26], [sflag:$0x1] =	stream.indirect.gather [hbm4b:s4+s23], $0x40, s3, s23, $0xb8;
	[tilespmem:$0xE400] =	vst v63  }
0x76: {  	s5 =	simm.s32 $0x0  }
0x77: {  	[tilespmem:s28], [sflag:$0x2] =	stream.indirect.gather [hbm4b:s4+s23], $0x40, s23, s23, $0xb8;
	[tilespmem:$0xE400] =	vst v63  }
.LBB2_2:
0x78: {  	_ =	swait.ge [sflag:s29], $0x2000  }
0x79: {  	p0 =	seq.s32 s5, $0x0;
	[sflag:s29] =	ssyncset.done $0x0  }
0x7a: {  	s2 =	simm.s32 @!p0 $0x3;
	[sflag:s29] =	ssyncadd.s32 $0xFFFFE000  }
0x7b: {  	_ =	swait.ge @!p0 [sflag:s2], $0x400  }
0x7c: {  	[sflag:s2] =	ssyncset.done @!p0 $0x0  }
0x7d: {  	[sflag:s2] =	ssyncadd.s32 @!p0 $0xFFFFFC00  }
0x7e: {  	_ =	swait.ge @!p0 [sflag:s2], $0x400  }
0x7f: {  	[sflag:s2] =	ssyncset.done @!p0 $0x0  }
0x80: {  	[sflag:s2] =	ssyncadd.s32 @!p0 $0xFFFFFC00  }
0x81: {  	_ =	swait.ge @!p0 [sflag:s2], $0x400  }
0x82: {  	[sflag:s2] =	ssyncset.done @!p0 $0x0  }
0x83: {  	[sflag:s2] =	ssyncadd.s32 @!p0 $0xFFFFFC00  }
0x84: {  	_ =	swait.ge @!p0 [sflag:s2], $0x400  }
0x85: {  	[sflag:s2] =	ssyncset.done @!p0 $0x0  }
0x86: {  	[sflag:s2] =	ssyncadd.s32 @!p0 $0xFFFFFC00  }
0x87: {  	_ =	swait.ge @!p0 [sflag:s2], $0x400  }
0x88: {  	[sflag:s2] =	ssyncset.done @!p0 $0x0  }
0x89: {  	[sflag:s2] =	ssyncadd.s32 @!p0 $0xFFFFFC00  }
0x8a: {  	_ =	swait.ge @!p0 [sflag:s2], $0x400  }
0x8b: {  	[sflag:s2] =	ssyncset.done @!p0 $0x0  }
0x8c: {  	[sflag:s2] =	ssyncadd.s32 @!p0 $0xFFFFFC00  }
0x8d: {  	_ =	swait.ge @!p0 [sflag:s2], $0x400  }
0x8e: {  	[sflag:s2] =	ssyncset.done @!p0 $0x0  }
0x8f: {  	[sflag:s2] =	ssyncadd.s32 @!p0 $0xFFFFFC00  }
0x90: {  	_ =	swait.ge @!p0 [sflag:s2], $0x400  }
0x91: {  	[sflag:s2] =	ssyncset.done @!p0 $0x0  }
0x92: {  	s22 =	sshll.u32 s5, $0xA;
	s25 =	simm.s32 $0x0;
	[sflag:s2] =	ssyncadd.s32 @!p0 $0xFFFFFC00  }
.LBB2_3:
0x93: {  	v32 =	vor.u32 s25, v0  }
0x94: {  	v34 =	vand.u32 $0x38, v32  }
0x95: {  	v33 =	vor.u32 v1, v34;
	_ =	sdelay $0x2  }
0x96: {  	v32 =	vshll.u32 v32, $0x7  }
0x97: {  	v35 =	vor.u32 v0, v32  }
0x98: {  	v35 =	vand.u32 v2, v35;
	v33 =	vld.idx.msk [tilespmem:v33+s26+$0x0], $0xffff  }
0x99: {  	v36 =	vor.u32 v3, v34;
	_ =	sdelay $0x3  }
0x9a: {  	v49 =	vor.u32 v4, v32;
	[tilespmem:v35+s30+$0x0] =	vst.idx.msk $0xffff, v33  }
0x9b: {  	v33 =	vand.u32 v5, v49;
	v35 =	vld.idx.msk [tilespmem:v36+s26+$0x0], $0xffff  }
0x9c: {  	v50 =	vor.u32 v6, v34;
	_ =	sdelay $0x3  }
0x9d: {  	s2 =	sadd.s32 $0x1, s25;
	v51 =	vor.u32 v7, v32;
	[tilespmem:v33+s30+$0x0] =	vst.idx.msk $0xffff, v35  }
0x9e: {  	v38 =	vadd.s32 s2, v0;
	v33 =	vand.u32 v8, v51;
	v36 =	vld.idx.msk [tilespmem:v50+s26+$0x0], $0xffff  }
0x9f: {  	v37 =	vor.u32 v9, v34;
	v35 =	vand.u32 $0x3F, v38  }
0xa0: {  	v39 =	vor.u32 v19, v35;
	_ =	sdelay $0x2  }
0xa1: {  	v52 =	vor.u32 v10, v32;
	[tilespmem:v33+s30+$0x0] =	vst.idx.msk $0xffff, v36;
	v36 =	vshll.u32 v38, $0x7  }
0xa2: {  	s24 =	sadd.s32 $0x2, s25;
	v40 =	vand.u32 v11, v52;
	v37 =	vld.idx.msk [tilespmem:v37+s26+$0x0], $0xffff;
	v54 =	vor.u32 v0, v36  }
0xa3: {  	v42 =	vadd.s32 s24, v0;
	v53 =	vor.u32 v12, v34;
	v39 =	vld.idx.msk [tilespmem:v39+s26+$0x0], $0xffff;
	v41 =	vand.u32 v2, v54  }
0xa4: {  	v43 =	vor.u32 v25, v35;
	v33 =	vand.u32 $0x3F, v42  }
0xa5: {  	v44 =	vor.u32 v19, v33  }
0xa6: {  	v55 =	vor.u32 v13, v32  }
0xa7: {  	v45 =	vand.u32 v14, v55;
	[tilespmem:v40+s30+$0x0] =	vst.idx.msk $0xffff, v37  }
0xa8: {  	v56 =	vor.u32 v4, v36;
	v37 =	vshll.u32 v42, $0x7;
	v38 =	vld.idx.msk [tilespmem:v53+s26+$0x0], $0xffff;
	[tilespmem:v41+s30+$0x0] =	vst.idx.msk $0xffff, v39  }
0xa9: {  	v57 =	vor.u32 v15, v34;
	v39 =	vand.u32 v5, v56;
	v59 =	vor.u32 v0, v37;
	v58 =	vld.idx.msk [tilespmem:v43+s26+$0x0], $0xffff  }
0xaa: {  	s24 =	sadd.s32 $0x3, s25;
	v60 =	vor.u32 v26, v35;
	v44 =	vld.idx.msk [tilespmem:v44+s26+$0x0], $0xffff;
	v46 =	vand.u32 v2, v59  }
0xab: {  	v48 =	vadd.s32 s24, v0;
	v47 =	vor.u32 v25, v33  }
0xac: {  	v63 =	vor.u32 v18, v34;
	v40 =	vand.u32 $0x3F, v48  }
0xad: {  	v49 =	vor.u32 v16, v32;
	v62 =	vor.u32 v19, v40;
	[tilespmem:v45+s30+$0x0] =	vst.idx.msk $0xffff, v38  }
0xae: {  	v61 =	vand.u32 v17, v49;
	v54 =	vor.u32 v7, v36;
	v41 =	vld.idx.msk [tilespmem:v57+s26+$0x0], $0xffff;
	[tilespmem:v39+s30+$0x0] =	vst.idx.msk $0xffff, v58  }
0xaf: {  	v55 =	vand.u32 v8, v54;
	v56 =	vor.u32 v4, v37;
	[tilespmem:v46+s30+$0x0] =	vst.idx.msk $0xffff, v44;
	v42 =	vld.idx.msk [tilespmem:v60+s26+$0x0], $0xffff  }
0xb0: {  	v57 =	vor.u32 v27, v35;
	v58 =	vand.u32 v5, v56;
	v39 =	vshll.u32 v48, $0x7;
	v46 =	vld.idx.msk [tilespmem:v47+s26+$0x0], $0xffff  }
0xb1: {  	v59 =	vor.u32 v26, v33;
	v50 =	vor.u32 v0, v39  }
0xb2: {  	v34 =	vor.u32 v22, v34;
	v45 =	vld.idx.msk [tilespmem:v62+s26+$0x0], $0xffff;
	v50 =	vand.u32 v2, v50  }
0xb3: {  	v51 =	vor.u32 v20, v32;
	[tilespmem:v61+s30+$0x0] =	vst.idx.msk $0xffff, v41;
	v61 =	vor.u32 v25, v40  }
0xb4: {  	v62 =	vor.u32 v10, v36;
	v60 =	vand.u32 v21, v51;
	v49 =	vld.idx.msk [tilespmem:v63+s26+$0x0], $0xffff;
	[tilespmem:v55+s30+$0x0] =	vst.idx.msk $0xffff, v42  }
0xb5: {  	s24 =	sadd.s32 $0x4, s25;
	v53 =	vor.u32 v7, v37;
	v63 =	vand.u32 v11, v62;
	[tilespmem:v58+s30+$0x0] =	vst.idx.msk $0xffff, v46;
	v43 =	vld.idx.msk [tilespmem:v57+s26+$0x0], $0xffff  }
0xb6: {  	v54 =	vor.u32 v28, v35;
	v55 =	vand.u32 v8, v53;
	v47 =	vld.idx.msk [tilespmem:v59+s26+$0x0], $0xffff;
	v59 =	vadd.s32 s24, v0  }
0xb7: {  	v56 =	vor.u32 v27, v33;
	[tilespmem:v50+s30+$0x0] =	vst.idx.msk $0xffff, v45;
	v57 =	vor.u32 v4, v39;
	v42 =	vand.u32 $0x3F, v59  }
0xb8: {  	v58 =	vand.u32 v5, v57;
	v62 =	vor.u32 v19, v42;
	v41 =	vld.idx.msk [tilespmem:v61+s26+$0x0], $0xffff  }
0xb9: {  	v32 =	vor.u32 v23, v32;
	[tilespmem:v60+s30+$0x0] =	vst.idx.msk $0xffff, v49;
	v60 =	vor.u32 v26, v40  }
0xba: {  	v32 =	vand.u32 v24, v32;
	v61 =	vor.u32 v13, v36;
	v34 =	vld.idx.msk [tilespmem:v34+s26+$0x0], $0xffff;
	[tilespmem:v63+s30+$0x0] =	vst.idx.msk $0xffff, v43  }
0xbb: {  	v43 =	vand.u32 v14, v61;
	[tilespmem:v55+s30+$0x0] =	vst.idx.msk $0xffff, v47;
	v46 =	vld.idx.msk [tilespmem:v54+s26+$0x0], $0xffff;
	v54 =	vor.u32 v10, v37  }
0xbc: {  	v63 =	vor.u32 v29, v35;
	v55 =	vor.u32 v7, v39;
	v48 =	vld.idx.msk [tilespmem:v56+s26+$0x0], $0xffff;
	v49 =	vand.u32 v11, v54  }
0xbd: {  	v56 =	vor.u32 v28, v33;
	v44 =	vld.idx.msk [tilespmem:v62+s26+$0x0], $0xffff;
	[tilespmem:v58+s30+$0x0] =	vst.idx.msk $0xffff, v41;
	v41 =	vshll.u32 v59, $0x7  }
0xbe: {  	s24 =	sadd.s32 $0x5, s25;
	v45 =	vand.u32 v8, v55;
	v62 =	vor.u32 v13, v37;
	v38 =	vld.idx.msk [tilespmem:v60+s26+$0x0], $0xffff;
	v57 =	vor.u32 v0, v41  }
0xbf: {  	v61 =	vadd.s32 s24, v0;
	v58 =	vor.u32 v27, v40;
	[tilespmem:v32+s30+$0x0] =	vst.idx.msk $0xffff, v34;
	v51 =	vand.u32 v2, v57  }
0xc0: {  	v59 =	vor.u32 v16, v36;
	v60 =	vor.u32 v25, v42;
	v32 =	vand.u32 $0x3F, v61;
	[tilespmem:v43+s30+$0x0] =	vst.idx.msk $0xffff, v46  }
0xc1: {  	v52 =	vand.u32 v17, v59;
	v47 =	vld.idx.msk [tilespmem:v63+s26+$0x0], $0xffff;
	[tilespmem:v49+s30+$0x0] =	vst.idx.msk $0xffff, v48;
	v63 =	vor.u32 v19, v32  }
0xc2: {  	v53 =	vor.u32 v30, v35;
	v48 =	vand.u32 v14, v62;
	v50 =	vld.idx.msk [tilespmem:v56+s26+$0x0], $0xffff  }
0xc3: {  	v35 =	vor.u32 v31, v35;
	v55 =	vor.u32 v10, v39;
	v34 =	vshll.u32 v61, $0x7;
	[tilespmem:v45+s30+$0x0] =	vst.idx.msk $0xffff, v38  }
0xc4: {  	v56 =	vor.u32 v4, v41;
	v38 =	vand.u32 v11, v55;
	v45 =	vld.idx.msk [tilespmem:v58+s26+$0x0], $0xffff;
	[tilespmem:v51+s30+$0x0] =	vst.idx.msk $0xffff, v44  }
0xc5: {  	v57 =	vor.u32 v28, v40;
	v58 =	vand.u32 v5, v56;
	v43 =	vld.idx.msk [tilespmem:v60+s26+$0x0], $0xffff;
	v60 =	vor.u32 v0, v34  }
0xc6: {  	v59 =	vor.u32 v26, v42;
	[tilespmem:v52+s30+$0x0] =	vst.idx.msk $0xffff, v47;
	v49 =	vld.idx.msk [tilespmem:v63+s26+$0x0], $0xffff;
	v47 =	vand.u32 v2, v60  }
0xc7: {  	v61 =	vor.u32 v20, v36;
	[tilespmem:v48+s30+$0x0] =	vst.idx.msk $0xffff, v50;
	v48 =	vor.u32 v25, v32  }
0xc8: {  	v54 =	vor.u32 v29, v33;
	v36 =	vor.u32 v23, v36;
	v52 =	vand.u32 v21, v61;
	v62 =	vld.idx.msk [tilespmem:v53+s26+$0x0], $0xffff  }
0xc9: {  	v55 =	vor.u32 v13, v39;
	v56 =	vor.u32 v7, v41;
	[tilespmem:v38+s30+$0x0] =	vst.idx.msk $0xffff, v45  }
0xca: {  	v61 =	vor.u32 v4, v34;
	v38 =	vand.u32 v14, v55;
	v44 =	vld.idx.msk [tilespmem:v57+s26+$0x0], $0xffff;
	[tilespmem:v58+s30+$0x0] =	vst.idx.msk $0xffff, v43  }
0xcb: {  	v58 =	vor.u32 v29, v40;
	v43 =	vand.u32 v8, v56;
	v46 =	vld.idx.msk [tilespmem:v59+s26+$0x0], $0xffff;
	[tilespmem:v47+s30+$0x0] =	vst.idx.msk $0xffff, v49  }
0xcc: {  	v63 =	vor.u32 v16, v37;
	v60 =	vor.u32 v27, v42;
	v47 =	vand.u32 v5, v61;
	v48 =	vld.idx.msk [tilespmem:v48+s26+$0x0], $0xffff  }
0xcd: {  	v57 =	vand.u32 v17, v63;
	v59 =	vld.idx.msk [tilespmem:v54+s26+$0x0], $0xffff;
	[tilespmem:v52+s30+$0x0] =	vst.idx.msk $0xffff, v62;
	v62 =	vor.u32 v26, v32  }
0xce: {  	v36 =	vand.u32 v24, v36;
	v55 =	vor.u32 v16, v39;
	v45 =	vor.u32 v30, v40  }
0xcf: {  	s24 =	sadd.s32 $0x6, s25;
	v63 =	vor.u32 v30, v33;
	v56 =	vor.u32 v10, v41;
	v51 =	vld.idx.msk [tilespmem:v35+s26+$0x0], $0xffff;
	[tilespmem:v38+s30+$0x0] =	vst.idx.msk $0xffff, v44  }
0xd0: {  	v61 =	vadd.s32 s24, v0;
	v38 =	vand.u32 v17, v55;
	v44 =	vld.idx.msk [tilespmem:v58+s26+$0x0], $0xffff;
	[tilespmem:v43+s30+$0x0] =	vst.idx.msk $0xffff, v46  }
0xd1: {  	v43 =	vand.u32 v11, v56;
	v58 =	vor.u32 v7, v34;
	v46 =	vld.idx.msk [tilespmem:v60+s26+$0x0], $0xffff;
	[tilespmem:v47+s30+$0x0] =	vst.idx.msk $0xffff, v48  }
0xd2: {  	[tilespmem:v57+s30+$0x0] =	vst.idx.msk $0xffff, v59;
	v57 =	vor.u32 v28, v42;
	v60 =	vand.u32 v8, v58;
	v48 =	vld.idx.msk [tilespmem:v62+s26+$0x0], $0xffff  }
0xd3: {  	v35 =	vand.u32 $0x3F, v61;
	v62 =	vor.u32 v27, v32  }
0xd4: {  	v55 =	vor.u32 v19, v35;
	v59 =	vor.u32 v20, v37;
	[tilespmem:v36+s30+$0x0] =	vst.idx.msk $0xffff, v51  }
0xd5: {  	v56 =	vor.u32 v13, v41;
	v50 =	vld.idx.msk [tilespmem:v63+s26+$0x0], $0xffff;
	v63 =	vor.u32 v20, v39;
	[tilespmem:v38+s30+$0x0] =	vst.idx.msk $0xffff, v44  }
0xd6: {  	v47 =	vand.u32 v21, v59;
	v38 =	vand.u32 v21, v63;
	v45 =	vld.idx.msk [tilespmem:v45+s26+$0x0], $0xffff;
	[tilespmem:v43+s30+$0x0] =	vst.idx.msk $0xffff, v46  }
0xd7: {  	v58 =	vor.u32 v10, v34;
	v43 =	vand.u32 v14, v56;
	v46 =	vld.idx.msk [tilespmem:v57+s26+$0x0], $0xffff;
	[tilespmem:v60+s30+$0x0] =	vst.idx.msk $0xffff, v48  }
0xd8: {  	v36 =	vshll.u32 v61, $0x7;
	v57 =	vor.u32 v29, v42;
	v48 =	vand.u32 v11, v58;
	v59 =	vld.idx.msk [tilespmem:v62+s26+$0x0], $0xffff  }
0xd9: {  	v33 =	vor.u32 v31, v33;
	v61 =	vor.u32 v28, v32;
	v60 =	vor.u32 v0, v36  }
0xda: {  	v40 =	vor.u32 v31, v40;
	s24 =	sadd.s32 $0x7, s25;
	v37 =	vor.u32 v23, v37;
	v44 =	vld.idx.msk [tilespmem:v55+s26+$0x0], $0xffff;
	v49 =	vand.u32 v2, v60  }
0xdb: {  	v63 =	vadd.s32 s24, v0;
	v56 =	vor.u32 v16, v41;
	v62 =	vor.u32 v25, v35;
	[tilespmem:v38+s30+$0x0] =	vst.idx.msk $0xffff, v45  }
0xdc: {  	v53 =	vand.u32 v24, v37;
	v38 =	vand.u32 $0x3F, v63;
	[tilespmem:v43+s30+$0x0] =	vst.idx.msk $0xffff, v46;
	v46 =	vand.u32 v17, v56  }
0xdd: {  	v43 =	vld.idx.msk [tilespmem:v57+s26+$0x0], $0xffff;
	v57 =	vor.u32 v19, v38;
	[tilespmem:v48+s30+$0x0] =	vst.idx.msk $0xffff, v59;
	v59 =	vor.u32 v13, v34  }
0xde: {  	[tilespmem:v47+s30+$0x0] =	vst.idx.msk $0xffff, v50;
	v58 =	vor.u32 v30, v42;
	v47 =	vld.idx.msk [tilespmem:v61+s26+$0x0], $0xffff;
	v48 =	vand.u32 v14, v59  }
0xdf: {  	v33 =	vld.idx.msk [tilespmem:v33+s26+$0x0], $0xffff;
	v60 =	vor.u32 v4, v36;
	[tilespmem:v49+s30+$0x0] =	vst.idx.msk $0xffff, v44;
	v61 =	vor.u32 v29, v32  }
0xe0: {  	v39 =	vor.u32 v23, v39;
	v37 =	vshll.u32 v63, $0x7;
	v45 =	vld.idx.msk [tilespmem:v62+s26+$0x0], $0xffff;
	v62 =	vand.u32 v5, v60  }
0xe1: {  	v52 =	vor.u32 v0, v37;
	v63 =	vor.u32 v26, v35;
	v56 =	vor.u32 v20, v41  }
0xe2: {  	v59 =	vor.u32 v25, v38;
	[tilespmem:v46+s30+$0x0] =	vst.idx.msk $0xffff, v43;
	v46 =	vld.idx.msk [tilespmem:v57+s26+$0x0], $0xffff;
	v57 =	vand.u32 v2, v52  }
0xe3: {  	v60 =	vor.u32 v16, v34;
	v43 =	vand.u32 v21, v56;
	v58 =	vld.idx.msk [tilespmem:v58+s26+$0x0], $0xffff;
	[tilespmem:v48+s30+$0x0] =	vst.idx.msk $0xffff, v47  }
0xe4: {  	v42 =	vor.u32 v31, v42;
	[tilespmem:v53+s30+$0x0] =	vst.idx.msk $0xffff, v33;
	v47 =	vand.u32 v17, v60;
	v44 =	vld.idx.msk [tilespmem:v61+s26+$0x0], $0xffff  }
0xe5: {  	v39 =	vand.u32 v24, v39;
	v40 =	vld.idx.msk [tilespmem:v40+s26+$0x0], $0xffff;
	[tilespmem:v62+s30+$0x0] =	vst.idx.msk $0xffff, v45;
	v61 =	vor.u32 v7, v36  }
0xe6: {  	s24 =	sadd.s32 $0x8, s25;
	v54 =	vor.u32 v27, v38;
	v53 =	vor.u32 v29, v35;
	v62 =	vld.idx.msk [tilespmem:v63+s26+$0x0], $0xffff;
	v45 =	vand.u32 v8, v61  }
0xe7: {  	v49 =	vadd.s32 s24, v0;
	v63 =	vor.u32 v27, v35;
	[tilespmem:v57+s30+$0x0] =	vst.idx.msk $0xffff, v46;
	v57 =	vor.u32 v4, v37  }
0xe8: {  	s24 =	sadd.s32 $0x9, s25;
	v56 =	vor.u32 v23, v41;
	[tilespmem:v43+s30+$0x0] =	vst.idx.msk $0xffff, v58;
	v58 =	vld.idx.msk [tilespmem:v59+s26+$0x0], $0xffff;
	v46 =	vand.u32 v5, v57  }
0xe9: {  	v59 =	vor.u32 v26, v38;
	v50 =	vld.idx.msk [tilespmem:v42+s26+$0x0], $0xffff;
	v42 =	vand.u32 $0x38, v49;
	[tilespmem:v47+s30+$0x0] =	vst.idx.msk $0xffff, v44;
	v47 =	vadd.s32 s24, v0  }
0xea: {  	[tilespmem:v39+s30+$0x0] =	vst.idx.msk $0xffff, v40;
	v51 =	vand.u32 v24, v56;
	v44 =	vor.u32 v1, v42;
	v41 =	vand.u32 $0x3F, v47  }
0xeb: {  	v39 =	vshll.u32 v49, $0x7;
	v61 =	vor.u32 v10, v36;
	[tilespmem:v45+s30+$0x0] =	vst.idx.msk $0xffff, v62;
	v62 =	vor.u32 v19, v41  }
0xec: {  	v60 =	vor.u32 v20, v34;
	v57 =	vor.u32 v30, v32;
	v45 =	vld.idx.msk [tilespmem:v63+s26+$0x0], $0xffff;
	v63 =	vand.u32 v11, v61  }
0xed: {  	v34 =	vor.u32 v23, v34;
	v40 =	vshll.u32 v47, $0x7;
	[tilespmem:v46+s30+$0x0] =	vst.idx.msk $0xffff, v58;
	v58 =	vor.u32 v7, v37  }
0xee: {  	v46 =	vor.u32 v28, v35;
	v49 =	vld.idx.msk [tilespmem:v59+s26+$0x0], $0xffff;
	v43 =	vand.u32 v8, v58;
	v59 =	vor.u32 v0, v39  }
0xef: {  	v33 =	vand.u32 v21, v60;
	v56 =	vor.u32 v0, v40;
	v44 =	vld.idx.msk [tilespmem:v44+s26+$0x0], $0xffff;
	v55 =	vand.u32 v2, v59  }
0xf0: {  	v60 =	vor.u32 v3, v42;
	v61 =	vor.u32 v13, v36;
	v48 =	vld.idx.msk [tilespmem:v62+s26+$0x0], $0xffff;
	v62 =	vand.u32 v2, v56  }
0xf1: {  	v47 =	vld.idx.msk [tilespmem:v57+s26+$0x0], $0xffff;
	v57 =	vor.u32 v10, v37;
	[tilespmem:v63+s30+$0x0] =	vst.idx.msk $0xffff, v45;
	v63 =	vor.u32 v25, v41  }
0xf2: {  	[tilespmem:v51+s30+$0x0] =	vst.idx.msk $0xffff, v50;
	v58 =	vor.u32 v4, v39;
	v59 =	vor.u32 v28, v38  }
0xf3: {  	v45 =	vand.u32 v14, v61;
	v46 =	vld.idx.msk [tilespmem:v46+s26+$0x0], $0xffff;
	[tilespmem:v43+s30+$0x0] =	vst.idx.msk $0xffff, v49;
	v43 =	vand.u32 v11, v57  }
0xf4: {  	v57 =	vor.u32 v16, v36;
	v49 =	vld.idx.msk [tilespmem:v54+s26+$0x0], $0xffff;
	[tilespmem:v55+s30+$0x0] =	vst.idx.msk $0xffff, v44;
	v44 =	vand.u32 v5, v58  }
0xf5: {  	s24 =	sadd.s32 $0xA, s25;
	v54 =	vor.u32 v6, v42;
	v58 =	vor.u32 v26, v41;
	v52 =	vld.idx.msk [tilespmem:v60+s26+$0x0], $0xffff;
	[tilespmem:v62+s30+$0x0] =	vst.idx.msk $0xffff, v48  }
0xf6: {  	v60 =	vor.u32 v4, v40;
	v48 =	vor.u32 v31, v32;
	v61 =	vld.idx.msk [tilespmem:v63+s26+$0x0], $0xffff;
	v63 =	vadd.s32 s24, v0  }
0xf7: {  	[tilespmem:v33+s30+$0x0] =	vst.idx.msk $0xffff, v47;
	v62 =	vand.u32 v5, v60;
	v60 =	vor.u32 v7, v39;
	v33 =	vand.u32 $0x3F, v63  }
0xf8: {  	[tilespmem:v45+s30+$0x0] =	vst.idx.msk $0xffff, v46;
	v45 =	vand.u32 v17, v57;
	v55 =	vand.u32 v8, v60;
	v32 =	vshll.u32 v63, $0x7  }
0xf9: {  	v57 =	vor.u32 v20, v36;
	v60 =	vor.u32 v10, v39;
	v53 =	vld.idx.msk [tilespmem:v53+s26+$0x0], $0xffff;
	[tilespmem:v43+s30+$0x0] =	vst.idx.msk $0xffff, v49  }
0xfa: {  	v36 =	vor.u32 v23, v36;
	v43 =	vor.u32 v19, v33;
	v47 =	vld.idx.msk [tilespmem:v59+s26+$0x0], $0xffff;
	v59 =	vor.u32 v13, v37  }
0xfb: {  	v63 =	vor.u32 v0, v32;
	[tilespmem:v44+s30+$0x0] =	vst.idx.msk $0xffff, v52;
	v44 =	vand.u32 v14, v59  }
0xfc: {  	v36 =	vand.u32 v24, v36;
	v49 =	vor.u32 v30, v35;
	v56 =	vand.u32 v2, v63;
	v54 =	vld.idx.msk [tilespmem:v54+s26+$0x0], $0xffff  }
0xfd: {  	[tilespmem:v62+s30+$0x0] =	vst.idx.msk $0xffff, v61;
	v61 =	vor.u32 v7, v40;
	v62 =	vor.u32 v9, v42  }
0xfe: {  	v63 =	vor.u32 v28, v41;
	v52 =	vor.u32 v29, v38;
	v46 =	vld.idx.msk [tilespmem:v58+s26+$0x0], $0xffff;
	v50 =	vand.u32 v8, v61  }
0xff: {  	v59 =	vor.u32 v16, v37;
	v58 =	vor.u32 v27, v41;
	[tilespmem:v45+s30+$0x0] =	vst.idx.msk $0xffff, v53;
	v43 =	vld.idx.msk [tilespmem:v43+s26+$0x0], $0xffff  }
0x100: {  	v45 =	vand.u32 v21, v57;
	v57 =	vor.u32 v25, v33;
	[tilespmem:v44+s30+$0x0] =	vst.idx.msk $0xffff, v47  }
0x101: {  	s24 =	sadd.s32 $0xB, s25;
	v61 =	vor.u32 v10, v40;
	v49 =	vld.idx.msk [tilespmem:v49+s26+$0x0], $0xffff;
	v44 =	vand.u32 v17, v59;
	[tilespmem:v55+s30+$0x0] =	vst.idx.msk $0xffff, v54  }
0x102: {  	v47 =	vand.u32 v11, v60;
	v54 =	vor.u32 v12, v42;
	v59 =	vadd.s32 s24, v0;
	v51 =	vld.idx.msk [tilespmem:v62+s26+$0x0], $0xffff  }
0x103: {  	v60 =	vor.u32 v13, v39;
	v55 =	vor.u32 v27, v33;
	v52 =	vld.idx.msk [tilespmem:v52+s26+$0x0], $0xffff;
	[tilespmem:v50+s30+$0x0] =	vst.idx.msk $0xffff, v46  }
0x104: {  	v46 =	vand.u32 v11, v61;
	v62 =	vor.u32 v4, v32;
	v50 =	vld.idx.msk [tilespmem:v58+s26+$0x0], $0xffff;
	[tilespmem:v56+s30+$0x0] =	vst.idx.msk $0xffff, v43  }
0x105: {  	v61 =	vor.u32 v13, v40;
	v58 =	vor.u32 v26, v33;
	v43 =	vand.u32 v5, v62;
	v53 =	vld.idx.msk [tilespmem:v57+s26+$0x0], $0xffff  }
0x106: {  	v56 =	vand.u32 v24, v34;
	[tilespmem:v45+s30+$0x0] =	vst.idx.msk $0xffff, v49;
	v49 =	vor.u32 v31, v35;
	v35 =	vand.u32 $0x3F, v59  }
0x107: {  	v62 =	vor.u32 v7, v32;
	[tilespmem:v47+s30+$0x0] =	vst.idx.msk $0xffff, v51;
	v47 =	vor.u32 v19, v35  }
0x108: {  	v45 =	vor.u32 v30, v38;
	[tilespmem:v44+s30+$0x0] =	vst.idx.msk $0xffff, v52;
	v44 =	vand.u32 v14, v60;
	v51 =	vld.idx.msk [tilespmem:v54+s26+$0x0], $0xffff  }
0x109: {  	v34 =	vshll.u32 v59, $0x7;
	v59 =	vor.u32 v16, v39;
	v52 =	vor.u32 v15, v42;
	[tilespmem:v46+s30+$0x0] =	vst.idx.msk $0xffff, v50  }
0x10a: {  	v38 =	vor.u32 v31, v38;
	v46 =	vand.u32 v14, v61;
	v50 =	vld.idx.msk [tilespmem:v63+s26+$0x0], $0xffff;
	[tilespmem:v43+s30+$0x0] =	vst.idx.msk $0xffff, v53  }
0x10b: {  	v60 =	vor.u32 v0, v34;
	v53 =	vor.u32 v29, v41;
	v43 =	vand.u32 v8, v62;
	v63 =	vld.idx.msk [tilespmem:v58+s26+$0x0], $0xffff  }
0x10c: {  	v61 =	vor.u32 v20, v37;
	v57 =	vand.u32 v2, v60;
	v54 =	vor.u32 v30, v41;
	v47 =	vld.idx.msk [tilespmem:v47+s26+$0x0], $0xffff  }
0x10d: {  	v48 =	vld.idx.msk [tilespmem:v48+s26+$0x0], $0xffff;
	v60 =	vor.u32 v28, v33;
	[tilespmem:v44+s30+$0x0] =	vst.idx.msk $0xffff, v51;
	v51 =	vor.u32 v25, v35  }
0x10e: {  	v37 =	vor.u32 v23, v37;
	v62 =	vor.u32 v16, v40;
	v44 =	vand.u32 v17, v59;
	v52 =	vld.idx.msk [tilespmem:v52+s26+$0x0], $0xffff  }
0x10f: {  	v59 =	vor.u32 v18, v42;
	[tilespmem:v46+s30+$0x0] =	vst.idx.msk $0xffff, v50;
	v46 =	vand.u32 v17, v62  }
0x110: {  	v50 =	vld.idx.msk [tilespmem:v53+s26+$0x0], $0xffff;
	v53 =	vand.u32 v21, v61;
	[tilespmem:v43+s30+$0x0] =	vst.idx.msk $0xffff, v63;
	v63 =	vor.u32 v10, v32  }
0x111: {  	v61 =	vor.u32 v4, v34;
	v55 =	vld.idx.msk [tilespmem:v55+s26+$0x0], $0xffff;
	v43 =	vand.u32 v11, v63;
	[tilespmem:v57+s30+$0x0] =	vst.idx.msk $0xffff, v47  }
0x112: {  	v37 =	vand.u32 v24, v37;
	[tilespmem:v56+s30+$0x0] =	vst.idx.msk $0xffff, v48;
	v47 =	vand.u32 v5, v61;
	v51 =	vld.idx.msk [tilespmem:v51+s26+$0x0], $0xffff  }
0x113: {  	v49 =	vld.idx.msk [tilespmem:v49+s26+$0x0], $0xffff;
	v41 =	vor.u32 v31, v41;
	[tilespmem:v44+s30+$0x0] =	vst.idx.msk $0xffff, v52;
	v52 =	vor.u32 v26, v35  }
0x114: {  	v45 =	vld.idx.msk [tilespmem:v45+s26+$0x0], $0xffff;
	v58 =	vor.u32 v27, v35;
	v42 =	vor.u32 v22, v42;
	v62 =	vor.u32 v20, v39  }
0x115: {  	v63 =	vor.u32 v20, v40;
	v44 =	vand.u32 v21, v62;
	v57 =	vld.idx.msk [tilespmem:v59+s26+$0x0], $0xffff;
	[tilespmem:v46+s30+$0x0] =	vst.idx.msk $0xffff, v50  }
0x116: {  	v46 =	vand.u32 v21, v63;
	v59 =	vor.u32 v13, v32;
	v50 =	vld.idx.msk [tilespmem:v54+s26+$0x0], $0xffff;
	[tilespmem:v43+s30+$0x0] =	vst.idx.msk $0xffff, v55  }
0x117: {  	v62 =	vor.u32 v7, v34;
	v43 =	vand.u32 v14, v59;
	v60 =	vld.idx.msk [tilespmem:v60+s26+$0x0], $0xffff;
	[tilespmem:v47+s30+$0x0] =	vst.idx.msk $0xffff, v51  }
0x118: {  	[tilespmem:v36+s30+$0x0] =	vst.idx.msk $0xffff, v49;
	v61 =	vor.u32 v29, v33;
	v47 =	vand.u32 v8, v62;
	v63 =	vld.idx.msk [tilespmem:v52+s26+$0x0], $0xffff  }
0x119: {  	s24 =	sadd.s32 $0xC, s25;
	v39 =	vor.u32 v23, v39;
	[tilespmem:v53+s30+$0x0] =	vst.idx.msk $0xffff, v45;
	v53 =	vor.u32 v23, v40  }
0x11a: {  	v45 =	vadd.s32 s24, v0;
	v38 =	vld.idx.msk [tilespmem:v38+s26+$0x0], $0xffff;
	v56 =	vand.u32 v24, v53;
	[tilespmem:v44+s30+$0x0] =	vst.idx.msk $0xffff, v57  }
0x11b: {  	v59 =	vand.u32 v24, v39;
	v42 =	vld.idx.msk [tilespmem:v42+s26+$0x0], $0xffff;
	[tilespmem:v46+s30+$0x0] =	vst.idx.msk $0xffff, v50;
	v46 =	vor.u32 v30, v33  }
0x11c: {  	v36 =	vshll.u32 v45, $0x7;
	v33 =	vor.u32 v31, v33;
	v50 =	vld.idx.msk [tilespmem:v41+s26+$0x0], $0xffff;
	v41 =	vand.u32 $0x3F, v45;
	[tilespmem:v43+s30+$0x0] =	vst.idx.msk $0xffff, v60  }
0x11d: {  	s24 =	sadd.s32 $0xD, s25;
	v60 =	vor.u32 v16, v32;
	v48 =	vld.idx.msk [tilespmem:v61+s26+$0x0], $0xffff;
	[tilespmem:v47+s30+$0x0] =	vst.idx.msk $0xffff, v63;
	v61 =	vor.u32 v10, v34  }
0x11e: {  	v57 =	vor.u32 v19, v41;
	v63 =	vadd.s32 s24, v0;
	s24 =	sadd.s32 $0xE, s25;
	v44 =	vld.idx.msk [tilespmem:v58+s26+$0x0], $0xffff;
	v62 =	vand.u32 v11, v61  }
0x11f: {  	[tilespmem:v37+s30+$0x0] =	vst.idx.msk $0xffff, v38;
	v51 =	vand.u32 v17, v60;
	v39 =	vand.u32 $0x3F, v63;
	v58 =	vadd.s32 s24, v0  }
0x120: {  	s24 =	sadd.s32 $0xF, s25;
	v37 =	vshll.u32 v63, $0x7;
	[tilespmem:v59+s30+$0x0] =	vst.idx.msk $0xffff, v42;
	v59 =	vor.u32 v19, v39;
	v40 =	vand.u32 $0x3F, v58  }
0x121: {  	v61 =	vadd.s32 s24, v0;
	v49 =	vor.u32 v0, v37;
	v60 =	vor.u32 v19, v40  }
0x122: {  	v55 =	vor.u32 v25, v39;
	v43 =	vand.u32 $0x3F, v61;
	v49 =	vand.u32 v2, v49  }
0x123: {  	v38 =	vshll.u32 v58, $0x7;
	v45 =	vor.u32 v19, v43;
	[tilespmem:v62+s30+$0x0] =	vst.idx.msk $0xffff, v44;
	v62 =	vor.u32 v0, v36  }
0x124: {  	v47 =	vld.idx.msk [tilespmem:v57+s26+$0x0], $0xffff;
	[tilespmem:v51+s30+$0x0] =	vst.idx.msk $0xffff, v48;
	v48 =	vor.u32 v28, v35;
	v44 =	vand.u32 v2, v62  }
0x125: {  	v42 =	vshll.u32 v61, $0x7;
	v51 =	vor.u32 v25, v41;
	v63 =	vld.idx.msk [tilespmem:v59+s26+$0x0], $0xffff;
	v59 =	vor.u32 v0, v38  }
0x126: {  	[tilespmem:v56+s30+$0x0] =	vst.idx.msk $0xffff, v50;
	v61 =	vor.u32 v0, v42;
	v53 =	vld.idx.msk [tilespmem:v60+s26+$0x0], $0xffff;
	v56 =	vand.u32 v2, v59  }
0x127: {  	v50 =	vor.u32 v20, v32;
	v57 =	vor.u32 v25, v40;
	v58 =	vand.u32 v2, v61  }
0x128: {  	v62 =	vor.u32 v4, v36;
	v60 =	vor.u32 v13, v34;
	v59 =	vor.u32 v26, v41;
	v45 =	vld.idx.msk [tilespmem:v45+s26+$0x0], $0xffff  }
0x129: {  	v54 =	vand.u32 v14, v60;
	v48 =	vld.idx.msk [tilespmem:v48+s26+$0x0], $0xffff;
	[tilespmem:v44+s30+$0x0] =	vst.idx.msk $0xffff, v47;
	v47 =	vor.u32 v25, v43  }
0x12a: {  	v44 =	vand.u32 v5, v62;
	[tilespmem:v49+s30+$0x0] =	vst.idx.msk $0xffff, v63;
	v63 =	vor.u32 v4, v37;
	v51 =	vld.idx.msk [tilespmem:v51+s26+$0x0], $0xffff  }
0x12b: {  	v60 =	vor.u32 v4, v38;
	v52 =	vld.idx.msk [tilespmem:v55+s26+$0x0], $0xffff;
	v49 =	vand.u32 v5, v63;
	[tilespmem:v56+s30+$0x0] =	vst.idx.msk $0xffff, v53  }
0x12c: {  	v50 =	vand.u32 v21, v50;
	v61 =	vor.u32 v26, v39;
	v53 =	vand.u32 v5, v60;
	v56 =	vld.idx.msk [tilespmem:v57+s26+$0x0], $0xffff  }
0x12d: {  	v46 =	vld.idx.msk [tilespmem:v46+s26+$0x0], $0xffff;
	v62 =	vor.u32 v26, v40;
	v63 =	vor.u32 v4, v42;
	[tilespmem:v58+s30+$0x0] =	vst.idx.msk $0xffff, v45  }
0x12e: {  	v60 =	vor.u32 v7, v37;
	v45 =	vand.u32 v5, v63;
	[tilespmem:v54+s30+$0x0] =	vst.idx.msk $0xffff, v48;
	v47 =	vld.idx.msk [tilespmem:v47+s26+$0x0], $0xffff  }
0x12f: {  	v58 =	vor.u32 v7, v36;
	v48 =	vor.u32 v26, v43;
	[tilespmem:v44+s30+$0x0] =	vst.idx.msk $0xffff, v51  }
0x130: {  	v54 =	vor.u32 v27, v41;
	v44 =	vand.u32 v8, v58;
	[tilespmem:v49+s30+$0x0] =	vst.idx.msk $0xffff, v52;
	v51 =	vld.idx.msk [tilespmem:v59+s26+$0x0], $0xffff  }
0x131: {  	v49 =	vand.u32 v8, v60;
	v52 =	vld.idx.msk [tilespmem:v61+s26+$0x0], $0xffff;
	[tilespmem:v53+s30+$0x0] =	vst.idx.msk $0xffff, v56;
	v61 =	vor.u32 v7, v38  }
0x132: {  	[tilespmem:v50+s30+$0x0] =	vst.idx.msk $0xffff, v46;
	v56 =	vor.u32 v27, v39;
	v57 =	vld.idx.msk [tilespmem:v62+s26+$0x0], $0xffff;
	v53 =	vand.u32 v8, v61  }
0x133: {  	v58 =	vor.u32 v27, v40;
	v62 =	vor.u32 v7, v42;
	[tilespmem:v45+s30+$0x0] =	vst.idx.msk $0xffff, v47  }
0x134: {  	v55 =	vor.u32 v29, v35;
	v60 =	vor.u32 v10, v36;
	v45 =	vand.u32 v8, v62;
	v48 =	vld.idx.msk [tilespmem:v48+s26+$0x0], $0xffff  }
0x135: {  	v59 =	vor.u32 v28, v41;
	[tilespmem:v44+s30+$0x0] =	vst.idx.msk $0xffff, v51;
	v51 =	vor.u32 v27, v43  }
0x136: {  	v61 =	vor.u32 v10, v37;
	v44 =	vand.u32 v11, v60;
	[tilespmem:v49+s30+$0x0] =	vst.idx.msk $0xffff, v52;
	v54 =	vld.idx.msk [tilespmem:v54+s26+$0x0], $0xffff  }
0x137: {  	v62 =	vor.u32 v10, v38;
	v49 =	vand.u32 v11, v61;
	v52 =	vld.idx.msk [tilespmem:v56+s26+$0x0], $0xffff;
	[tilespmem:v53+s30+$0x0] =	vst.idx.msk $0xffff, v57  }
0x138: {  	v63 =	vor.u32 v16, v34;
	v56 =	vor.u32 v28, v39;
	v53 =	vand.u32 v11, v62;
	v57 =	vld.idx.msk [tilespmem:v58+s26+$0x0], $0xffff  }
0x139: {  	v58 =	vor.u32 v28, v40;
	[tilespmem:v45+s30+$0x0] =	vst.idx.msk $0xffff, v48;
	v45 =	vor.u32 v10, v42  }
0x13a: {  	v47 =	vand.u32 v17, v63;
	v63 =	vor.u32 v13, v37;
	v51 =	vld.idx.msk [tilespmem:v51+s26+$0x0], $0xffff;
	v45 =	vand.u32 v11, v45  }
0x13b: {  	v55 =	vld.idx.msk [tilespmem:v55+s26+$0x0], $0xffff;
	v60 =	vor.u32 v13, v36;
	[tilespmem:v44+s30+$0x0] =	vst.idx.msk $0xffff, v54;
	v54 =	vor.u32 v28, v43  }
0x13c: {  	v61 =	vor.u32 v13, v38;
	v44 =	vand.u32 v14, v60;
	[tilespmem:v49+s30+$0x0] =	vst.idx.msk $0xffff, v52;
	v59 =	vld.idx.msk [tilespmem:v59+s26+$0x0], $0xffff  }
0x13d: {  	v48 =	vor.u32 v30, v35;
	v49 =	vand.u32 v14, v63;
	v52 =	vld.idx.msk [tilespmem:v56+s26+$0x0], $0xffff;
	[tilespmem:v53+s30+$0x0] =	vst.idx.msk $0xffff, v57  }
0x13e: {  	v62 =	vor.u32 v20, v34;
	v57 =	vor.u32 v29, v39;
	v53 =	vand.u32 v14, v61;
	v58 =	vld.idx.msk [tilespmem:v58+s26+$0x0], $0xffff  }
0x13f: {  	v60 =	vor.u32 v29, v41;
	v63 =	vor.u32 v13, v42;
	[tilespmem:v45+s30+$0x0] =	vst.idx.msk $0xffff, v51  }
0x140: {  	[tilespmem:v47+s30+$0x0] =	vst.idx.msk $0xffff, v55;
	v45 =	vor.u32 v29, v40;
	v51 =	vand.u32 v14, v63;
	v54 =	vld.idx.msk [tilespmem:v54+s26+$0x0], $0xffff  }
0x141: {  	v47 =	vand.u32 v21, v62;
	v55 =	vor.u32 v29, v43;
	[tilespmem:v44+s30+$0x0] =	vst.idx.msk $0xffff, v59  }
0x142: {  	v62 =	vor.u32 v16, v37;
	v61 =	vor.u32 v16, v36;
	v48 =	vld.idx.msk [tilespmem:v48+s26+$0x0], $0xffff;
	[tilespmem:v49+s30+$0x0] =	vst.idx.msk $0xffff, v52  }
0x143: {  	v63 =	vor.u32 v16, v38;
	v52 =	vand.u32 v17, v62;
	[tilespmem:v53+s30+$0x0] =	vst.idx.msk $0xffff, v58;
	v53 =	vld.idx.msk [tilespmem:v57+s26+$0x0], $0xffff  }
0x144: {  	v44 =	vand.u32 v17, v61;
	v49 =	vld.idx.msk [tilespmem:v60+s26+$0x0], $0xffff;
	v60 =	vand.u32 v17, v63;
	v63 =	vor.u32 v30, v39  }
0x145: {  	v61 =	vor.u32 v30, v41;
	v62 =	vor.u32 v16, v42;
	v45 =	vld.idx.msk [tilespmem:v45+s26+$0x0], $0xffff;
	[tilespmem:v51+s30+$0x0] =	vst.idx.msk $0xffff, v54  }
0x146: {  	v35 =	vor.u32 v31, v35;
	v51 =	vand.u32 v17, v62;
	v54 =	vld.idx.msk [tilespmem:v55+s26+$0x0], $0xffff;
	v55 =	vor.u32 v30, v40  }
0x147: {  	v56 =	vor.u32 v30, v43;
	v41 =	vor.u32 v31, v41;
	[tilespmem:v47+s30+$0x0] =	vst.idx.msk $0xffff, v48  }
0x148: {  	v59 =	vor.u32 v20, v37;
	v57 =	vor.u32 v20, v36;
	[tilespmem:v52+s30+$0x0] =	vst.idx.msk $0xffff, v53  }
0x149: {  	v50 =	vand.u32 v21, v59;
	v39 =	vor.u32 v31, v39;
	[tilespmem:v44+s30+$0x0] =	vst.idx.msk $0xffff, v49;
	v47 =	vld.idx.msk [tilespmem:v63+s26+$0x0], $0xffff  }
0x14a: {  	v58 =	vld.idx.msk [tilespmem:v61+s26+$0x0], $0xffff;
	[tilespmem:v60+s30+$0x0] =	vst.idx.msk $0xffff, v45;
	v45 =	vand.u32 v21, v57;
	v60 =	vor.u32 v20, v38  }
0x14b: {  	v61 =	vor.u32 v20, v42;
	v48 =	vand.u32 v21, v60;
	[tilespmem:v51+s30+$0x0] =	vst.idx.msk $0xffff, v54;
	v44 =	vld.idx.msk [tilespmem:v55+s26+$0x0], $0xffff  }
0x14c: {  	v32 =	vor.u32 v23, v32;
	v40 =	vor.u32 v31, v40;
	v51 =	vand.u32 v21, v61;
	v49 =	vld.idx.msk [tilespmem:v56+s26+$0x0], $0xffff  }
0x14d: {  	v32 =	vand.u32 v24, v32;
	v33 =	vld.idx.msk [tilespmem:v33+s26+$0x0], $0xffff;
	v34 =	vor.u32 v23, v34;
	v43 =	vor.u32 v31, v43  }
0x14e: {  	v34 =	vand.u32 v24, v34;
	v37 =	vor.u32 v23, v37;
	v35 =	vld.idx.msk [tilespmem:v35+s26+$0x0], $0xffff;
	[tilespmem:v50+s30+$0x0] =	vst.idx.msk $0xffff, v47  }
0x14f: {  	v36 =	vor.u32 v23, v36;
	v37 =	vand.u32 v24, v37;
	[tilespmem:v45+s30+$0x0] =	vst.idx.msk $0xffff, v58;
	v39 =	vld.idx.msk [tilespmem:v39+s26+$0x0], $0xffff  }
0x150: {  	v36 =	vand.u32 v24, v36;
	v38 =	vor.u32 v23, v38;
	v41 =	vld.idx.msk [tilespmem:v41+s26+$0x0], $0xffff;
	[tilespmem:v48+s30+$0x0] =	vst.idx.msk $0xffff, v44  }
0x151: {  	v42 =	vor.u32 v23, v42;
	v38 =	vand.u32 v24, v38;
	[tilespmem:v51+s30+$0x0] =	vst.idx.msk $0xffff, v49;
	v40 =	vld.idx.msk [tilespmem:v40+s26+$0x0], $0xffff  }
0x152: {  	p1 =	slt.u32 s25, $0x30;
	[tilespmem:v32+s30+$0x0] =	vst.idx.msk $0xffff, v33;
	v63 =	vand.u32 v24, v42;
	v62 =	vld.idx.msk [tilespmem:v43+s26+$0x0], $0xffff  }
.Ltmp2:
0x153: {  	[tilespmem:v34+s30+$0x0] =	vst.idx.msk $0xffff, v35;
	(pc) =	sbr.rel @p1 .LBB2_3-.Ltmp2, $4  }
0x154: {  	[tilespmem:v37+s30+$0x0] =	vst.idx.msk $0xffff, v39  }
0x155: {  	[tilespmem:v36+s30+$0x0] =	vst.idx.msk $0xffff, v41  }
0x156: {  	[tilespmem:v38+s30+$0x0] =	vst.idx.msk $0xffff, v40  }
0x157: {  	s25 =	sadd.s32 $0x10, s25;
	[tilespmem:v63+s30+$0x0] =	vst.idx.msk $0xffff, v62  }
0x158: {  	s2 =	sshll.u32 s5, $0x10  }
0x159: {  	s24 =	rddreg [dreg:$0x1];
	s25 =	sor.u32 s6, s2  }
0x15a: {  	s2 =	sadd.s32 s24, s25  }
0x15b: {  	[hbm4b:s2+s3] =	stream.linear.scatter [tilespmem:s30], [sflag:$0x3], $0x400, $0x38;
	[tilespmem:$0xE400] =	vst v63  }
0x15c: {  	s24 =	simm.s32 $0xA800;
	s2 =	sadd.s32 s25, s7  }
0x15d: {  	[hbm4b:s2+s3] =	stream.linear.scatter [tilespmem:s24], [sflag:$0x3], $0x400, $0x38;
	[tilespmem:$0xE400] =	vst v63  }
0x15e: {  	s2 =	sadd.s32 s25, s8;
	s24 =	simm.s32 $0xAC00  }
0x15f: {  	[hbm4b:s2+s3] =	stream.linear.scatter [tilespmem:s24], [sflag:$0x3], $0x400, $0x38;
	[tilespmem:$0xE400] =	vst v63  }
0x160: {  	s2 =	sadd.s32 s25, s9;
	s24 =	simm.s32 $0xB000  }
0x161: {  	[hbm4b:s2+s3] =	stream.linear.scatter [tilespmem:s24], [sflag:$0x3], $0x400, $0x38;
	[tilespmem:$0xE400] =	vst v63  }
0x162: {  	s2 =	sadd.s32 s25, s10;
	s24 =	simm.s32 $0xB400  }
0x163: {  	[hbm4b:s2+s3] =	stream.linear.scatter [tilespmem:s24], [sflag:$0x3], $0x400, $0x38;
	[tilespmem:$0xE400] =	vst v63  }
0x164: {  	p1 =	sne.s32 s5, $0x63;
	s2 =	sadd.s32 s25, s11;
	s24 =	simm.s32 $0xB800  }
0x165: {  	[hbm4b:s2+s3] =	stream.linear.scatter [tilespmem:s24], [sflag:$0x3], $0x400, $0x38;
	[tilespmem:$0xE400] =	vst v63  }
.Ltmp3:
0x166: {  	_ = 	snop;
	(pc) =	sbr.rel @p1 .LBB2_6-.Ltmp3, $4  }
0x167: {  	s2 =	sadd.s32 s25, s12;
	s24 =	simm.s32 $0xBC00  }
0x168: {  	[hbm4b:s2+s3] =	stream.linear.scatter [tilespmem:s24], [sflag:$0x3], $0x400, $0x38;
	[tilespmem:$0xE400] =	vst v63  }
0x169: {  	s2 =	sadd.s32 s25, s13;
	s24 =	simm.s32 $0xC000  }
0x16a: {  	[hbm4b:s2+s3] =	stream.linear.scatter [tilespmem:s24], [sflag:$0x3], $0x400, $0x38;
	[tilespmem:$0xE400] =	vst v63  }
.Ltmp4:
0x16b: {  	(pc) =	sbr.rel .LBB2_7-.Ltmp4, $4  }
0x16c: {  	_ = 	snop  }
0x16d: {  	_ =	swait.ge [sflag:s1], $0x2000  }
0x16e: {  	[sflag:s1] =	ssyncset.done $0x0  }
0x16f: {  	[sflag:s1] =	ssyncadd.s32 $0xFFFFE000  }
.LBB2_6:
0x170: {  	s2 =	sshrl.u32 s22, $0x2  }
.Ltmp5:
0x171: {  	s2 =	sadd.s32 $0x100, s2;
	(pc) =	sbr.rel @p0 .LBB2_8-.Ltmp5, $4  }
0x172: {  	[tilespmem:s26], [sflag:$0x1] =	stream.indirect.gather [hbm4b:s4+s23], $0x40, s2, s23, $0xb8;
	[tilespmem:$0xE400] =	vst v63  }
0x173: {  	_ =	swait.ge [sflag:s1], $0x2000  }
0x174: {  	[sflag:s1] =	ssyncset.done $0x0  }
0x175: {  	[sflag:s1] =	ssyncadd.s32 $0xFFFFE000  }
.LBB2_7:
0x176: {  	_ =	swait.ge [sflag:s31], $0x400  }
0x177: {  	[sflag:s31] =	ssyncset.done $0x0  }
0x178: {  	[sflag:s31] =	ssyncadd.s32 $0xFFFFFC00  }
0x179: {  	_ =	swait.ge [sflag:s31], $0x400  }
0x17a: {  	[sflag:s31] =	ssyncset.done $0x0  }
0x17b: {  	[sflag:s31] =	ssyncadd.s32 $0xFFFFFC00  }
0x17c: {  	_ =	swait.ge [sflag:s31], $0x400  }
0x17d: {  	[sflag:s31] =	ssyncset.done $0x0  }
0x17e: {  	[sflag:s31] =	ssyncadd.s32 $0xFFFFFC00  }
0x17f: {  	_ =	swait.ge [sflag:s31], $0x400  }
0x180: {  	[sflag:s31] =	ssyncset.done $0x0  }
0x181: {  	[sflag:s31] =	ssyncadd.s32 $0xFFFFFC00  }
0x182: {  	_ =	swait.ge [sflag:s31], $0x400  }
0x183: {  	[sflag:s31] =	ssyncset.done $0x0  }
0x184: {  	[sflag:s31] =	ssyncadd.s32 $0xFFFFFC00  }
0x185: {  	_ =	swait.ge [sflag:s31], $0x400  }
0x186: {  	[sflag:s31] =	ssyncset.done $0x0  }
0x187: {  	[sflag:s31] =	ssyncadd.s32 $0xFFFFFC00  }
0x188: {  	_ =	swait.ge [sflag:s31], $0x400  }
0x189: {  	[sflag:s31] =	ssyncset.done $0x0  }
0x18a: {  	[sflag:s31] =	ssyncadd.s32 $0xFFFFFC00  }
0x18b: {  	_ =	swait.ge [sflag:s31], $0x400  }
0x18c: {  	[sflag:s31] =	ssyncset.done $0x0  }
0x18d: {  	[sflag:s31] =	ssyncadd.s32 $0xFFFFFC00  }
.LBB2_8:
0x18e: {  	s2 =	simm.s32 $0x0  }
.LBB2_9:
0x18f: {  	v32 =	vor.u32 s2, v0  }
0x190: {  	v34 =	vand.u32 $0x38, v32  }
0x191: {  	v33 =	vor.u32 v1, v34;
	_ =	sdelay $0x2  }
0x192: {  	v32 =	vshll.u32 v32, $0x7  }
0x193: {  	v35 =	vor.u32 v0, v32  }
0x194: {  	v35 =	vand.u32 v2, v35;
	v33 =	vld.idx.msk [tilespmem:v33+s28+$0x0], $0xffff  }
0x195: {  	v36 =	vor.u32 v3, v34;
	_ =	sdelay $0x3  }
0x196: {  	v49 =	vor.u32 v4, v32;
	[tilespmem:v35+s0+$0x0] =	vst.idx.msk $0xffff, v33  }
0x197: {  	v33 =	vand.u32 v5, v49;
	v35 =	vld.idx.msk [tilespmem:v36+s28+$0x0], $0xffff  }
0x198: {  	v50 =	vor.u32 v6, v34;
	_ =	sdelay $0x3  }
0x199: {  	s24 =	sadd.s32 $0x1, s2;
	v51 =	vor.u32 v7, v32;
	[tilespmem:v33+s0+$0x0] =	vst.idx.msk $0xffff, v35  }
0x19a: {  	v38 =	vadd.s32 s24, v0;
	v33 =	vand.u32 v8, v51;
	v36 =	vld.idx.msk [tilespmem:v50+s28+$0x0], $0xffff  }
0x19b: {  	v37 =	vor.u32 v9, v34;
	v35 =	vand.u32 $0x3F, v38  }
0x19c: {  	v39 =	vor.u32 v19, v35;
	_ =	sdelay $0x2  }
0x19d: {  	v52 =	vor.u32 v10, v32;
	[tilespmem:v33+s0+$0x0] =	vst.idx.msk $0xffff, v36;
	v36 =	vshll.u32 v38, $0x7  }
0x19e: {  	s24 =	sadd.s32 $0x2, s2;
	v40 =	vand.u32 v11, v52;
	v37 =	vld.idx.msk [tilespmem:v37+s28+$0x0], $0xffff;
	v54 =	vor.u32 v0, v36  }
0x19f: {  	v53 =	vor.u32 v12, v34;
	v42 =	vadd.s32 s24, v0;
	v39 =	vld.idx.msk [tilespmem:v39+s28+$0x0], $0xffff;
	v41 =	vand.u32 v2, v54  }
0x1a0: {  	v43 =	vor.u32 v25, v35;
	v33 =	vand.u32 $0x3F, v42  }
0x1a1: {  	v44 =	vor.u32 v19, v33  }
0x1a2: {  	v55 =	vor.u32 v13, v32  }
0x1a3: {  	v45 =	vand.u32 v14, v55;
	[tilespmem:v40+s0+$0x0] =	vst.idx.msk $0xffff, v37  }
0x1a4: {  	v56 =	vor.u32 v4, v36;
	v37 =	vshll.u32 v42, $0x7;
	v38 =	vld.idx.msk [tilespmem:v53+s28+$0x0], $0xffff;
	[tilespmem:v41+s0+$0x0] =	vst.idx.msk $0xffff, v39  }
0x1a5: {  	v57 =	vor.u32 v15, v34;
	v39 =	vand.u32 v5, v56;
	v59 =	vor.u32 v0, v37;
	v58 =	vld.idx.msk [tilespmem:v43+s28+$0x0], $0xffff  }
0x1a6: {  	s24 =	sadd.s32 $0x3, s2;
	v60 =	vor.u32 v26, v35;
	v44 =	vld.idx.msk [tilespmem:v44+s28+$0x0], $0xffff;
	v46 =	vand.u32 v2, v59  }
0x1a7: {  	v48 =	vadd.s32 s24, v0;
	v47 =	vor.u32 v25, v33  }
0x1a8: {  	v63 =	vor.u32 v18, v34;
	v40 =	vand.u32 $0x3F, v48  }
0x1a9: {  	v49 =	vor.u32 v16, v32;
	v62 =	vor.u32 v19, v40;
	[tilespmem:v45+s0+$0x0] =	vst.idx.msk $0xffff, v38  }
0x1aa: {  	v61 =	vand.u32 v17, v49;
	v54 =	vor.u32 v7, v36;
	v41 =	vld.idx.msk [tilespmem:v57+s28+$0x0], $0xffff;
	[tilespmem:v39+s0+$0x0] =	vst.idx.msk $0xffff, v58  }
0x1ab: {  	v55 =	vand.u32 v8, v54;
	v56 =	vor.u32 v4, v37;
	[tilespmem:v46+s0+$0x0] =	vst.idx.msk $0xffff, v44;
	v42 =	vld.idx.msk [tilespmem:v60+s28+$0x0], $0xffff  }
0x1ac: {  	v57 =	vor.u32 v27, v35;
	v58 =	vand.u32 v5, v56;
	v39 =	vshll.u32 v48, $0x7;
	v46 =	vld.idx.msk [tilespmem:v47+s28+$0x0], $0xffff  }
0x1ad: {  	v59 =	vor.u32 v26, v33;
	v50 =	vor.u32 v0, v39  }
0x1ae: {  	v34 =	vor.u32 v22, v34;
	v45 =	vld.idx.msk [tilespmem:v62+s28+$0x0], $0xffff;
	v50 =	vand.u32 v2, v50  }
0x1af: {  	v51 =	vor.u32 v20, v32;
	[tilespmem:v61+s0+$0x0] =	vst.idx.msk $0xffff, v41;
	v61 =	vor.u32 v25, v40  }
0x1b0: {  	v62 =	vor.u32 v10, v36;
	v60 =	vand.u32 v21, v51;
	v49 =	vld.idx.msk [tilespmem:v63+s28+$0x0], $0xffff;
	[tilespmem:v55+s0+$0x0] =	vst.idx.msk $0xffff, v42  }
0x1b1: {  	s24 =	sadd.s32 $0x4, s2;
	v53 =	vor.u32 v7, v37;
	v63 =	vand.u32 v11, v62;
	[tilespmem:v58+s0+$0x0] =	vst.idx.msk $0xffff, v46;
	v43 =	vld.idx.msk [tilespmem:v57+s28+$0x0], $0xffff  }
0x1b2: {  	v54 =	vor.u32 v28, v35;
	v55 =	vand.u32 v8, v53;
	v47 =	vld.idx.msk [tilespmem:v59+s28+$0x0], $0xffff;
	v59 =	vadd.s32 s24, v0  }
0x1b3: {  	v56 =	vor.u32 v27, v33;
	[tilespmem:v50+s0+$0x0] =	vst.idx.msk $0xffff, v45;
	v57 =	vor.u32 v4, v39;
	v42 =	vand.u32 $0x3F, v59  }
0x1b4: {  	v58 =	vand.u32 v5, v57;
	v62 =	vor.u32 v19, v42;
	v41 =	vld.idx.msk [tilespmem:v61+s28+$0x0], $0xffff  }
0x1b5: {  	v32 =	vor.u32 v23, v32;
	[tilespmem:v60+s0+$0x0] =	vst.idx.msk $0xffff, v49;
	v60 =	vor.u32 v26, v40  }
0x1b6: {  	v32 =	vand.u32 v24, v32;
	v61 =	vor.u32 v13, v36;
	v34 =	vld.idx.msk [tilespmem:v34+s28+$0x0], $0xffff;
	[tilespmem:v63+s0+$0x0] =	vst.idx.msk $0xffff, v43  }
0x1b7: {  	v43 =	vand.u32 v14, v61;
	[tilespmem:v55+s0+$0x0] =	vst.idx.msk $0xffff, v47;
	v46 =	vld.idx.msk [tilespmem:v54+s28+$0x0], $0xffff;
	v54 =	vor.u32 v10, v37  }
0x1b8: {  	v63 =	vor.u32 v29, v35;
	v55 =	vor.u32 v7, v39;
	v48 =	vld.idx.msk [tilespmem:v56+s28+$0x0], $0xffff;
	v49 =	vand.u32 v11, v54  }
0x1b9: {  	v56 =	vor.u32 v28, v33;
	v44 =	vld.idx.msk [tilespmem:v62+s28+$0x0], $0xffff;
	[tilespmem:v58+s0+$0x0] =	vst.idx.msk $0xffff, v41;
	v41 =	vshll.u32 v59, $0x7  }
0x1ba: {  	s24 =	sadd.s32 $0x5, s2;
	v45 =	vand.u32 v8, v55;
	v62 =	vor.u32 v13, v37;
	v38 =	vld.idx.msk [tilespmem:v60+s28+$0x0], $0xffff;
	v57 =	vor.u32 v0, v41  }
0x1bb: {  	v61 =	vadd.s32 s24, v0;
	v58 =	vor.u32 v27, v40;
	[tilespmem:v32+s0+$0x0] =	vst.idx.msk $0xffff, v34;
	v51 =	vand.u32 v2, v57  }
0x1bc: {  	v59 =	vor.u32 v16, v36;
	v60 =	vor.u32 v25, v42;
	v32 =	vand.u32 $0x3F, v61;
	[tilespmem:v43+s0+$0x0] =	vst.idx.msk $0xffff, v46  }
0x1bd: {  	v52 =	vand.u32 v17, v59;
	v47 =	vld.idx.msk [tilespmem:v63+s28+$0x0], $0xffff;
	[tilespmem:v49+s0+$0x0] =	vst.idx.msk $0xffff, v48;
	v63 =	vor.u32 v19, v32  }
0x1be: {  	v53 =	vor.u32 v30, v35;
	v48 =	vand.u32 v14, v62;
	v50 =	vld.idx.msk [tilespmem:v56+s28+$0x0], $0xffff  }
0x1bf: {  	v35 =	vor.u32 v31, v35;
	v55 =	vor.u32 v10, v39;
	v34 =	vshll.u32 v61, $0x7;
	[tilespmem:v45+s0+$0x0] =	vst.idx.msk $0xffff, v38  }
0x1c0: {  	v56 =	vor.u32 v4, v41;
	v38 =	vand.u32 v11, v55;
	v45 =	vld.idx.msk [tilespmem:v58+s28+$0x0], $0xffff;
	[tilespmem:v51+s0+$0x0] =	vst.idx.msk $0xffff, v44  }
0x1c1: {  	v57 =	vor.u32 v28, v40;
	v58 =	vand.u32 v5, v56;
	v43 =	vld.idx.msk [tilespmem:v60+s28+$0x0], $0xffff;
	v60 =	vor.u32 v0, v34  }
0x1c2: {  	v59 =	vor.u32 v26, v42;
	[tilespmem:v52+s0+$0x0] =	vst.idx.msk $0xffff, v47;
	v49 =	vld.idx.msk [tilespmem:v63+s28+$0x0], $0xffff;
	v47 =	vand.u32 v2, v60  }
0x1c3: {  	v61 =	vor.u32 v20, v36;
	[tilespmem:v48+s0+$0x0] =	vst.idx.msk $0xffff, v50;
	v48 =	vor.u32 v25, v32  }
0x1c4: {  	v54 =	vor.u32 v29, v33;
	v36 =	vor.u32 v23, v36;
	v52 =	vand.u32 v21, v61;
	v62 =	vld.idx.msk [tilespmem:v53+s28+$0x0], $0xffff  }
0x1c5: {  	v55 =	vor.u32 v13, v39;
	v56 =	vor.u32 v7, v41;
	[tilespmem:v38+s0+$0x0] =	vst.idx.msk $0xffff, v45  }
0x1c6: {  	v61 =	vor.u32 v4, v34;
	v38 =	vand.u32 v14, v55;
	v44 =	vld.idx.msk [tilespmem:v57+s28+$0x0], $0xffff;
	[tilespmem:v58+s0+$0x0] =	vst.idx.msk $0xffff, v43  }
0x1c7: {  	v58 =	vor.u32 v29, v40;
	v43 =	vand.u32 v8, v56;
	v46 =	vld.idx.msk [tilespmem:v59+s28+$0x0], $0xffff;
	[tilespmem:v47+s0+$0x0] =	vst.idx.msk $0xffff, v49  }
0x1c8: {  	v63 =	vor.u32 v16, v37;
	v60 =	vor.u32 v27, v42;
	v47 =	vand.u32 v5, v61;
	v48 =	vld.idx.msk [tilespmem:v48+s28+$0x0], $0xffff  }
0x1c9: {  	v57 =	vand.u32 v17, v63;
	v59 =	vld.idx.msk [tilespmem:v54+s28+$0x0], $0xffff;
	[tilespmem:v52+s0+$0x0] =	vst.idx.msk $0xffff, v62;
	v62 =	vor.u32 v26, v32  }
0x1ca: {  	v36 =	vand.u32 v24, v36;
	v55 =	vor.u32 v16, v39;
	v45 =	vor.u32 v30, v40  }
0x1cb: {  	s24 =	sadd.s32 $0x6, s2;
	v63 =	vor.u32 v30, v33;
	v56 =	vor.u32 v10, v41;
	v51 =	vld.idx.msk [tilespmem:v35+s28+$0x0], $0xffff;
	[tilespmem:v38+s0+$0x0] =	vst.idx.msk $0xffff, v44  }
0x1cc: {  	v61 =	vadd.s32 s24, v0;
	v38 =	vand.u32 v17, v55;
	v44 =	vld.idx.msk [tilespmem:v58+s28+$0x0], $0xffff;
	[tilespmem:v43+s0+$0x0] =	vst.idx.msk $0xffff, v46  }
0x1cd: {  	v43 =	vand.u32 v11, v56;
	v58 =	vor.u32 v7, v34;
	v46 =	vld.idx.msk [tilespmem:v60+s28+$0x0], $0xffff;
	[tilespmem:v47+s0+$0x0] =	vst.idx.msk $0xffff, v48  }
0x1ce: {  	[tilespmem:v57+s0+$0x0] =	vst.idx.msk $0xffff, v59;
	v57 =	vor.u32 v28, v42;
	v60 =	vand.u32 v8, v58;
	v48 =	vld.idx.msk [tilespmem:v62+s28+$0x0], $0xffff  }
0x1cf: {  	v35 =	vand.u32 $0x3F, v61;
	v62 =	vor.u32 v27, v32  }
0x1d0: {  	v55 =	vor.u32 v19, v35;
	v59 =	vor.u32 v20, v37;
	[tilespmem:v36+s0+$0x0] =	vst.idx.msk $0xffff, v51  }
0x1d1: {  	v56 =	vor.u32 v13, v41;
	v50 =	vld.idx.msk [tilespmem:v63+s28+$0x0], $0xffff;
	v63 =	vor.u32 v20, v39;
	[tilespmem:v38+s0+$0x0] =	vst.idx.msk $0xffff, v44  }
0x1d2: {  	v47 =	vand.u32 v21, v59;
	v38 =	vand.u32 v21, v63;
	v45 =	vld.idx.msk [tilespmem:v45+s28+$0x0], $0xffff;
	[tilespmem:v43+s0+$0x0] =	vst.idx.msk $0xffff, v46  }
0x1d3: {  	v58 =	vor.u32 v10, v34;
	v43 =	vand.u32 v14, v56;
	v46 =	vld.idx.msk [tilespmem:v57+s28+$0x0], $0xffff;
	[tilespmem:v60+s0+$0x0] =	vst.idx.msk $0xffff, v48  }
0x1d4: {  	v36 =	vshll.u32 v61, $0x7;
	v57 =	vor.u32 v29, v42;
	v48 =	vand.u32 v11, v58;
	v59 =	vld.idx.msk [tilespmem:v62+s28+$0x0], $0xffff  }
0x1d5: {  	v33 =	vor.u32 v31, v33;
	v61 =	vor.u32 v28, v32;
	v60 =	vor.u32 v0, v36  }
0x1d6: {  	v40 =	vor.u32 v31, v40;
	s24 =	sadd.s32 $0x7, s2;
	v37 =	vor.u32 v23, v37;
	v44 =	vld.idx.msk [tilespmem:v55+s28+$0x0], $0xffff;
	v49 =	vand.u32 v2, v60  }
0x1d7: {  	v63 =	vadd.s32 s24, v0;
	v56 =	vor.u32 v16, v41;
	v62 =	vor.u32 v25, v35;
	[tilespmem:v38+s0+$0x0] =	vst.idx.msk $0xffff, v45  }
0x1d8: {  	v53 =	vand.u32 v24, v37;
	v38 =	vand.u32 $0x3F, v63;
	[tilespmem:v43+s0+$0x0] =	vst.idx.msk $0xffff, v46;
	v46 =	vand.u32 v17, v56  }
0x1d9: {  	v43 =	vld.idx.msk [tilespmem:v57+s28+$0x0], $0xffff;
	v57 =	vor.u32 v19, v38;
	[tilespmem:v48+s0+$0x0] =	vst.idx.msk $0xffff, v59;
	v59 =	vor.u32 v13, v34  }
0x1da: {  	[tilespmem:v47+s0+$0x0] =	vst.idx.msk $0xffff, v50;
	v58 =	vor.u32 v30, v42;
	v47 =	vld.idx.msk [tilespmem:v61+s28+$0x0], $0xffff;
	v48 =	vand.u32 v14, v59  }
0x1db: {  	v33 =	vld.idx.msk [tilespmem:v33+s28+$0x0], $0xffff;
	v60 =	vor.u32 v4, v36;
	[tilespmem:v49+s0+$0x0] =	vst.idx.msk $0xffff, v44;
	v61 =	vor.u32 v29, v32  }
0x1dc: {  	v39 =	vor.u32 v23, v39;
	v37 =	vshll.u32 v63, $0x7;
	v45 =	vld.idx.msk [tilespmem:v62+s28+$0x0], $0xffff;
	v62 =	vand.u32 v5, v60  }
0x1dd: {  	v52 =	vor.u32 v0, v37;
	v63 =	vor.u32 v26, v35;
	v56 =	vor.u32 v20, v41  }
0x1de: {  	v59 =	vor.u32 v25, v38;
	[tilespmem:v46+s0+$0x0] =	vst.idx.msk $0xffff, v43;
	v46 =	vld.idx.msk [tilespmem:v57+s28+$0x0], $0xffff;
	v57 =	vand.u32 v2, v52  }
0x1df: {  	v60 =	vor.u32 v16, v34;
	v43 =	vand.u32 v21, v56;
	v58 =	vld.idx.msk [tilespmem:v58+s28+$0x0], $0xffff;
	[tilespmem:v48+s0+$0x0] =	vst.idx.msk $0xffff, v47  }
0x1e0: {  	v42 =	vor.u32 v31, v42;
	[tilespmem:v53+s0+$0x0] =	vst.idx.msk $0xffff, v33;
	v47 =	vand.u32 v17, v60;
	v44 =	vld.idx.msk [tilespmem:v61+s28+$0x0], $0xffff  }
0x1e1: {  	v39 =	vand.u32 v24, v39;
	v40 =	vld.idx.msk [tilespmem:v40+s28+$0x0], $0xffff;
	[tilespmem:v62+s0+$0x0] =	vst.idx.msk $0xffff, v45;
	v61 =	vor.u32 v7, v36  }
0x1e2: {  	s24 =	sadd.s32 $0x8, s2;
	v54 =	vor.u32 v27, v38;
	v53 =	vor.u32 v29, v35;
	v62 =	vld.idx.msk [tilespmem:v63+s28+$0x0], $0xffff;
	v45 =	vand.u32 v8, v61  }
0x1e3: {  	v49 =	vadd.s32 s24, v0;
	v63 =	vor.u32 v27, v35;
	[tilespmem:v57+s0+$0x0] =	vst.idx.msk $0xffff, v46;
	v57 =	vor.u32 v4, v37  }
0x1e4: {  	s24 =	sadd.s32 $0x9, s2;
	v56 =	vor.u32 v23, v41;
	[tilespmem:v43+s0+$0x0] =	vst.idx.msk $0xffff, v58;
	v58 =	vld.idx.msk [tilespmem:v59+s28+$0x0], $0xffff;
	v46 =	vand.u32 v5, v57  }
0x1e5: {  	v59 =	vor.u32 v26, v38;
	v50 =	vld.idx.msk [tilespmem:v42+s28+$0x0], $0xffff;
	v42 =	vand.u32 $0x38, v49;
	[tilespmem:v47+s0+$0x0] =	vst.idx.msk $0xffff, v44;
	v47 =	vadd.s32 s24, v0  }
0x1e6: {  	[tilespmem:v39+s0+$0x0] =	vst.idx.msk $0xffff, v40;
	v51 =	vand.u32 v24, v56;
	v44 =	vor.u32 v1, v42;
	v41 =	vand.u32 $0x3F, v47  }
0x1e7: {  	v39 =	vshll.u32 v49, $0x7;
	v61 =	vor.u32 v10, v36;
	[tilespmem:v45+s0+$0x0] =	vst.idx.msk $0xffff, v62;
	v62 =	vor.u32 v19, v41  }
0x1e8: {  	v60 =	vor.u32 v20, v34;
	v57 =	vor.u32 v30, v32;
	v45 =	vld.idx.msk [tilespmem:v63+s28+$0x0], $0xffff;
	v63 =	vand.u32 v11, v61  }
0x1e9: {  	v34 =	vor.u32 v23, v34;
	v40 =	vshll.u32 v47, $0x7;
	[tilespmem:v46+s0+$0x0] =	vst.idx.msk $0xffff, v58;
	v58 =	vor.u32 v7, v37  }
0x1ea: {  	v46 =	vor.u32 v28, v35;
	v49 =	vld.idx.msk [tilespmem:v59+s28+$0x0], $0xffff;
	v43 =	vand.u32 v8, v58;
	v59 =	vor.u32 v0, v39  }
0x1eb: {  	v33 =	vand.u32 v21, v60;
	v56 =	vor.u32 v0, v40;
	v44 =	vld.idx.msk [tilespmem:v44+s28+$0x0], $0xffff;
	v55 =	vand.u32 v2, v59  }
0x1ec: {  	v60 =	vor.u32 v3, v42;
	v61 =	vor.u32 v13, v36;
	v48 =	vld.idx.msk [tilespmem:v62+s28+$0x0], $0xffff;
	v62 =	vand.u32 v2, v56  }
0x1ed: {  	v47 =	vld.idx.msk [tilespmem:v57+s28+$0x0], $0xffff;
	v57 =	vor.u32 v10, v37;
	[tilespmem:v63+s0+$0x0] =	vst.idx.msk $0xffff, v45;
	v63 =	vor.u32 v25, v41  }
0x1ee: {  	[tilespmem:v51+s0+$0x0] =	vst.idx.msk $0xffff, v50;
	v58 =	vor.u32 v4, v39;
	v59 =	vor.u32 v28, v38  }
0x1ef: {  	v45 =	vand.u32 v14, v61;
	v46 =	vld.idx.msk [tilespmem:v46+s28+$0x0], $0xffff;
	[tilespmem:v43+s0+$0x0] =	vst.idx.msk $0xffff, v49;
	v43 =	vand.u32 v11, v57  }
0x1f0: {  	v57 =	vor.u32 v16, v36;
	v49 =	vld.idx.msk [tilespmem:v54+s28+$0x0], $0xffff;
	[tilespmem:v55+s0+$0x0] =	vst.idx.msk $0xffff, v44;
	v44 =	vand.u32 v5, v58  }
0x1f1: {  	s24 =	sadd.s32 $0xA, s2;
	v54 =	vor.u32 v6, v42;
	v58 =	vor.u32 v26, v41;
	v52 =	vld.idx.msk [tilespmem:v60+s28+$0x0], $0xffff;
	[tilespmem:v62+s0+$0x0] =	vst.idx.msk $0xffff, v48  }
0x1f2: {  	v60 =	vor.u32 v4, v40;
	v48 =	vor.u32 v31, v32;
	v61 =	vld.idx.msk [tilespmem:v63+s28+$0x0], $0xffff;
	v63 =	vadd.s32 s24, v0  }
0x1f3: {  	[tilespmem:v33+s0+$0x0] =	vst.idx.msk $0xffff, v47;
	v62 =	vand.u32 v5, v60;
	v60 =	vor.u32 v7, v39;
	v33 =	vand.u32 $0x3F, v63  }
0x1f4: {  	[tilespmem:v45+s0+$0x0] =	vst.idx.msk $0xffff, v46;
	v45 =	vand.u32 v17, v57;
	v55 =	vand.u32 v8, v60;
	v32 =	vshll.u32 v63, $0x7  }
0x1f5: {  	v57 =	vor.u32 v20, v36;
	v60 =	vor.u32 v10, v39;
	v53 =	vld.idx.msk [tilespmem:v53+s28+$0x0], $0xffff;
	[tilespmem:v43+s0+$0x0] =	vst.idx.msk $0xffff, v49  }
0x1f6: {  	v36 =	vor.u32 v23, v36;
	v43 =	vor.u32 v19, v33;
	v47 =	vld.idx.msk [tilespmem:v59+s28+$0x0], $0xffff;
	v59 =	vor.u32 v13, v37  }
0x1f7: {  	v63 =	vor.u32 v0, v32;
	[tilespmem:v44+s0+$0x0] =	vst.idx.msk $0xffff, v52;
	v44 =	vand.u32 v14, v59  }
0x1f8: {  	v36 =	vand.u32 v24, v36;
	v49 =	vor.u32 v30, v35;
	v56 =	vand.u32 v2, v63;
	v54 =	vld.idx.msk [tilespmem:v54+s28+$0x0], $0xffff  }
0x1f9: {  	[tilespmem:v62+s0+$0x0] =	vst.idx.msk $0xffff, v61;
	v61 =	vor.u32 v7, v40;
	v62 =	vor.u32 v9, v42  }
0x1fa: {  	v63 =	vor.u32 v28, v41;
	v52 =	vor.u32 v29, v38;
	v46 =	vld.idx.msk [tilespmem:v58+s28+$0x0], $0xffff;
	v50 =	vand.u32 v8, v61  }
0x1fb: {  	v59 =	vor.u32 v16, v37;
	v58 =	vor.u32 v27, v41;
	[tilespmem:v45+s0+$0x0] =	vst.idx.msk $0xffff, v53;
	v43 =	vld.idx.msk [tilespmem:v43+s28+$0x0], $0xffff  }
0x1fc: {  	v45 =	vand.u32 v21, v57;
	v57 =	vor.u32 v25, v33;
	[tilespmem:v44+s0+$0x0] =	vst.idx.msk $0xffff, v47  }
0x1fd: {  	s24 =	sadd.s32 $0xB, s2;
	v61 =	vor.u32 v10, v40;
	v49 =	vld.idx.msk [tilespmem:v49+s28+$0x0], $0xffff;
	v44 =	vand.u32 v17, v59;
	[tilespmem:v55+s0+$0x0] =	vst.idx.msk $0xffff, v54  }
0x1fe: {  	v47 =	vand.u32 v11, v60;
	v54 =	vor.u32 v12, v42;
	v59 =	vadd.s32 s24, v0;
	v51 =	vld.idx.msk [tilespmem:v62+s28+$0x0], $0xffff  }
0x1ff: {  	v60 =	vor.u32 v13, v39;
	v55 =	vor.u32 v27, v33;
	v52 =	vld.idx.msk [tilespmem:v52+s28+$0x0], $0xffff;
	[tilespmem:v50+s0+$0x0] =	vst.idx.msk $0xffff, v46  }
0x200: {  	v46 =	vand.u32 v11, v61;
	v62 =	vor.u32 v4, v32;
	v50 =	vld.idx.msk [tilespmem:v58+s28+$0x0], $0xffff;
	[tilespmem:v56+s0+$0x0] =	vst.idx.msk $0xffff, v43  }
0x201: {  	v61 =	vor.u32 v13, v40;
	v58 =	vor.u32 v26, v33;
	v43 =	vand.u32 v5, v62;
	v53 =	vld.idx.msk [tilespmem:v57+s28+$0x0], $0xffff  }
0x202: {  	v56 =	vand.u32 v24, v34;
	[tilespmem:v45+s0+$0x0] =	vst.idx.msk $0xffff, v49;
	v49 =	vor.u32 v31, v35;
	v35 =	vand.u32 $0x3F, v59  }
0x203: {  	v62 =	vor.u32 v7, v32;
	[tilespmem:v47+s0+$0x0] =	vst.idx.msk $0xffff, v51;
	v47 =	vor.u32 v19, v35  }
0x204: {  	v45 =	vor.u32 v30, v38;
	[tilespmem:v44+s0+$0x0] =	vst.idx.msk $0xffff, v52;
	v44 =	vand.u32 v14, v60;
	v51 =	vld.idx.msk [tilespmem:v54+s28+$0x0], $0xffff  }
0x205: {  	v34 =	vshll.u32 v59, $0x7;
	v59 =	vor.u32 v16, v39;
	v52 =	vor.u32 v15, v42;
	[tilespmem:v46+s0+$0x0] =	vst.idx.msk $0xffff, v50  }
0x206: {  	v38 =	vor.u32 v31, v38;
	v46 =	vand.u32 v14, v61;
	v50 =	vld.idx.msk [tilespmem:v63+s28+$0x0], $0xffff;
	[tilespmem:v43+s0+$0x0] =	vst.idx.msk $0xffff, v53  }
0x207: {  	v60 =	vor.u32 v0, v34;
	v53 =	vor.u32 v29, v41;
	v43 =	vand.u32 v8, v62;
	v63 =	vld.idx.msk [tilespmem:v58+s28+$0x0], $0xffff  }
0x208: {  	v61 =	vor.u32 v20, v37;
	v57 =	vand.u32 v2, v60;
	v54 =	vor.u32 v30, v41;
	v47 =	vld.idx.msk [tilespmem:v47+s28+$0x0], $0xffff  }
0x209: {  	v48 =	vld.idx.msk [tilespmem:v48+s28+$0x0], $0xffff;
	v60 =	vor.u32 v28, v33;
	[tilespmem:v44+s0+$0x0] =	vst.idx.msk $0xffff, v51;
	v51 =	vor.u32 v25, v35  }
0x20a: {  	v37 =	vor.u32 v23, v37;
	v62 =	vor.u32 v16, v40;
	v44 =	vand.u32 v17, v59;
	v52 =	vld.idx.msk [tilespmem:v52+s28+$0x0], $0xffff  }
0x20b: {  	v59 =	vor.u32 v18, v42;
	[tilespmem:v46+s0+$0x0] =	vst.idx.msk $0xffff, v50;
	v46 =	vand.u32 v17, v62  }
0x20c: {  	v50 =	vld.idx.msk [tilespmem:v53+s28+$0x0], $0xffff;
	v53 =	vand.u32 v21, v61;
	[tilespmem:v43+s0+$0x0] =	vst.idx.msk $0xffff, v63;
	v63 =	vor.u32 v10, v32  }
0x20d: {  	v61 =	vor.u32 v4, v34;
	v55 =	vld.idx.msk [tilespmem:v55+s28+$0x0], $0xffff;
	v43 =	vand.u32 v11, v63;
	[tilespmem:v57+s0+$0x0] =	vst.idx.msk $0xffff, v47  }
0x20e: {  	v37 =	vand.u32 v24, v37;
	[tilespmem:v56+s0+$0x0] =	vst.idx.msk $0xffff, v48;
	v47 =	vand.u32 v5, v61;
	v51 =	vld.idx.msk [tilespmem:v51+s28+$0x0], $0xffff  }
0x20f: {  	v49 =	vld.idx.msk [tilespmem:v49+s28+$0x0], $0xffff;
	v41 =	vor.u32 v31, v41;
	[tilespmem:v44+s0+$0x0] =	vst.idx.msk $0xffff, v52;
	v52 =	vor.u32 v26, v35  }
0x210: {  	v45 =	vld.idx.msk [tilespmem:v45+s28+$0x0], $0xffff;
	v58 =	vor.u32 v27, v35;
	v42 =	vor.u32 v22, v42;
	v62 =	vor.u32 v20, v39  }
0x211: {  	v63 =	vor.u32 v20, v40;
	v44 =	vand.u32 v21, v62;
	v57 =	vld.idx.msk [tilespmem:v59+s28+$0x0], $0xffff;
	[tilespmem:v46+s0+$0x0] =	vst.idx.msk $0xffff, v50  }
0x212: {  	v46 =	vand.u32 v21, v63;
	v59 =	vor.u32 v13, v32;
	v50 =	vld.idx.msk [tilespmem:v54+s28+$0x0], $0xffff;
	[tilespmem:v43+s0+$0x0] =	vst.idx.msk $0xffff, v55  }
0x213: {  	v62 =	vor.u32 v7, v34;
	v43 =	vand.u32 v14, v59;
	v60 =	vld.idx.msk [tilespmem:v60+s28+$0x0], $0xffff;
	[tilespmem:v47+s0+$0x0] =	vst.idx.msk $0xffff, v51  }
0x214: {  	[tilespmem:v36+s0+$0x0] =	vst.idx.msk $0xffff, v49;
	v61 =	vor.u32 v29, v33;
	v47 =	vand.u32 v8, v62;
	v63 =	vld.idx.msk [tilespmem:v52+s28+$0x0], $0xffff  }
0x215: {  	s24 =	sadd.s32 $0xC, s2;
	v39 =	vor.u32 v23, v39;
	[tilespmem:v53+s0+$0x0] =	vst.idx.msk $0xffff, v45;
	v53 =	vor.u32 v23, v40  }
0x216: {  	v45 =	vadd.s32 s24, v0;
	v38 =	vld.idx.msk [tilespmem:v38+s28+$0x0], $0xffff;
	v56 =	vand.u32 v24, v53;
	[tilespmem:v44+s0+$0x0] =	vst.idx.msk $0xffff, v57  }
0x217: {  	v59 =	vand.u32 v24, v39;
	v42 =	vld.idx.msk [tilespmem:v42+s28+$0x0], $0xffff;
	[tilespmem:v46+s0+$0x0] =	vst.idx.msk $0xffff, v50;
	v46 =	vor.u32 v30, v33  }
0x218: {  	v36 =	vshll.u32 v45, $0x7;
	v33 =	vor.u32 v31, v33;
	v50 =	vld.idx.msk [tilespmem:v41+s28+$0x0], $0xffff;
	v41 =	vand.u32 $0x3F, v45;
	[tilespmem:v43+s0+$0x0] =	vst.idx.msk $0xffff, v60  }
0x219: {  	s24 =	sadd.s32 $0xD, s2;
	v60 =	vor.u32 v16, v32;
	v48 =	vld.idx.msk [tilespmem:v61+s28+$0x0], $0xffff;
	[tilespmem:v47+s0+$0x0] =	vst.idx.msk $0xffff, v63;
	v61 =	vor.u32 v10, v34  }
0x21a: {  	v57 =	vor.u32 v19, v41;
	v63 =	vadd.s32 s24, v0;
	s24 =	sadd.s32 $0xE, s2;
	v44 =	vld.idx.msk [tilespmem:v58+s28+$0x0], $0xffff;
	v62 =	vand.u32 v11, v61  }
0x21b: {  	[tilespmem:v37+s0+$0x0] =	vst.idx.msk $0xffff, v38;
	v51 =	vand.u32 v17, v60;
	v39 =	vand.u32 $0x3F, v63;
	v58 =	vadd.s32 s24, v0  }
0x21c: {  	s24 =	sadd.s32 $0xF, s2;
	v37 =	vshll.u32 v63, $0x7;
	[tilespmem:v59+s0+$0x0] =	vst.idx.msk $0xffff, v42;
	v59 =	vor.u32 v19, v39;
	v40 =	vand.u32 $0x3F, v58  }
0x21d: {  	v61 =	vadd.s32 s24, v0;
	v49 =	vor.u32 v0, v37;
	v60 =	vor.u32 v19, v40  }
0x21e: {  	v55 =	vor.u32 v25, v39;
	v43 =	vand.u32 $0x3F, v61;
	v49 =	vand.u32 v2, v49  }
0x21f: {  	v38 =	vshll.u32 v58, $0x7;
	v45 =	vor.u32 v19, v43;
	[tilespmem:v62+s0+$0x0] =	vst.idx.msk $0xffff, v44;
	v62 =	vor.u32 v0, v36  }
0x220: {  	v47 =	vld.idx.msk [tilespmem:v57+s28+$0x0], $0xffff;
	[tilespmem:v51+s0+$0x0] =	vst.idx.msk $0xffff, v48;
	v48 =	vor.u32 v28, v35;
	v44 =	vand.u32 v2, v62  }
0x221: {  	v42 =	vshll.u32 v61, $0x7;
	v51 =	vor.u32 v25, v41;
	v63 =	vld.idx.msk [tilespmem:v59+s28+$0x0], $0xffff;
	v59 =	vor.u32 v0, v38  }
0x222: {  	[tilespmem:v56+s0+$0x0] =	vst.idx.msk $0xffff, v50;
	v61 =	vor.u32 v0, v42;
	v53 =	vld.idx.msk [tilespmem:v60+s28+$0x0], $0xffff;
	v56 =	vand.u32 v2, v59  }
0x223: {  	v50 =	vor.u32 v20, v32;
	v57 =	vor.u32 v25, v40;
	v58 =	vand.u32 v2, v61  }
0x224: {  	v62 =	vor.u32 v4, v36;
	v60 =	vor.u32 v13, v34;
	v59 =	vor.u32 v26, v41;
	v45 =	vld.idx.msk [tilespmem:v45+s28+$0x0], $0xffff  }
0x225: {  	v54 =	vand.u32 v14, v60;
	v48 =	vld.idx.msk [tilespmem:v48+s28+$0x0], $0xffff;
	[tilespmem:v44+s0+$0x0] =	vst.idx.msk $0xffff, v47;
	v47 =	vor.u32 v25, v43  }
0x226: {  	v44 =	vand.u32 v5, v62;
	[tilespmem:v49+s0+$0x0] =	vst.idx.msk $0xffff, v63;
	v63 =	vor.u32 v4, v37;
	v51 =	vld.idx.msk [tilespmem:v51+s28+$0x0], $0xffff  }
0x227: {  	v60 =	vor.u32 v4, v38;
	v52 =	vld.idx.msk [tilespmem:v55+s28+$0x0], $0xffff;
	v49 =	vand.u32 v5, v63;
	[tilespmem:v56+s0+$0x0] =	vst.idx.msk $0xffff, v53  }
0x228: {  	v50 =	vand.u32 v21, v50;
	v61 =	vor.u32 v26, v39;
	v53 =	vand.u32 v5, v60;
	v56 =	vld.idx.msk [tilespmem:v57+s28+$0x0], $0xffff  }
0x229: {  	v46 =	vld.idx.msk [tilespmem:v46+s28+$0x0], $0xffff;
	v62 =	vor.u32 v26, v40;
	v63 =	vor.u32 v4, v42;
	[tilespmem:v58+s0+$0x0] =	vst.idx.msk $0xffff, v45  }
0x22a: {  	v60 =	vor.u32 v7, v37;
	v45 =	vand.u32 v5, v63;
	[tilespmem:v54+s0+$0x0] =	vst.idx.msk $0xffff, v48;
	v47 =	vld.idx.msk [tilespmem:v47+s28+$0x0], $0xffff  }
0x22b: {  	v58 =	vor.u32 v7, v36;
	v48 =	vor.u32 v26, v43;
	[tilespmem:v44+s0+$0x0] =	vst.idx.msk $0xffff, v51  }
0x22c: {  	v54 =	vor.u32 v27, v41;
	v44 =	vand.u32 v8, v58;
	[tilespmem:v49+s0+$0x0] =	vst.idx.msk $0xffff, v52;
	v51 =	vld.idx.msk [tilespmem:v59+s28+$0x0], $0xffff  }
0x22d: {  	v49 =	vand.u32 v8, v60;
	v52 =	vld.idx.msk [tilespmem:v61+s28+$0x0], $0xffff;
	[tilespmem:v53+s0+$0x0] =	vst.idx.msk $0xffff, v56;
	v61 =	vor.u32 v7, v38  }
0x22e: {  	[tilespmem:v50+s0+$0x0] =	vst.idx.msk $0xffff, v46;
	v56 =	vor.u32 v27, v39;
	v57 =	vld.idx.msk [tilespmem:v62+s28+$0x0], $0xffff;
	v53 =	vand.u32 v8, v61  }
0x22f: {  	v58 =	vor.u32 v27, v40;
	v62 =	vor.u32 v7, v42;
	[tilespmem:v45+s0+$0x0] =	vst.idx.msk $0xffff, v47  }
0x230: {  	v55 =	vor.u32 v29, v35;
	v60 =	vor.u32 v10, v36;
	v45 =	vand.u32 v8, v62;
	v48 =	vld.idx.msk [tilespmem:v48+s28+$0x0], $0xffff  }
0x231: {  	v59 =	vor.u32 v28, v41;
	[tilespmem:v44+s0+$0x0] =	vst.idx.msk $0xffff, v51;
	v51 =	vor.u32 v27, v43  }
0x232: {  	v61 =	vor.u32 v10, v37;
	v44 =	vand.u32 v11, v60;
	[tilespmem:v49+s0+$0x0] =	vst.idx.msk $0xffff, v52;
	v54 =	vld.idx.msk [tilespmem:v54+s28+$0x0], $0xffff  }
0x233: {  	v62 =	vor.u32 v10, v38;
	v49 =	vand.u32 v11, v61;
	v52 =	vld.idx.msk [tilespmem:v56+s28+$0x0], $0xffff;
	[tilespmem:v53+s0+$0x0] =	vst.idx.msk $0xffff, v57  }
0x234: {  	v63 =	vor.u32 v16, v34;
	v56 =	vor.u32 v28, v39;
	v53 =	vand.u32 v11, v62;
	v57 =	vld.idx.msk [tilespmem:v58+s28+$0x0], $0xffff  }
0x235: {  	v58 =	vor.u32 v28, v40;
	[tilespmem:v45+s0+$0x0] =	vst.idx.msk $0xffff, v48;
	v45 =	vor.u32 v10, v42  }
0x236: {  	v47 =	vand.u32 v17, v63;
	v63 =	vor.u32 v13, v37;
	v51 =	vld.idx.msk [tilespmem:v51+s28+$0x0], $0xffff;
	v45 =	vand.u32 v11, v45  }
0x237: {  	v55 =	vld.idx.msk [tilespmem:v55+s28+$0x0], $0xffff;
	v60 =	vor.u32 v13, v36;
	[tilespmem:v44+s0+$0x0] =	vst.idx.msk $0xffff, v54;
	v54 =	vor.u32 v28, v43  }
0x238: {  	v61 =	vor.u32 v13, v38;
	v44 =	vand.u32 v14, v60;
	[tilespmem:v49+s0+$0x0] =	vst.idx.msk $0xffff, v52;
	v59 =	vld.idx.msk [tilespmem:v59+s28+$0x0], $0xffff  }
0x239: {  	v48 =	vor.u32 v30, v35;
	v49 =	vand.u32 v14, v63;
	v52 =	vld.idx.msk [tilespmem:v56+s28+$0x0], $0xffff;
	[tilespmem:v53+s0+$0x0] =	vst.idx.msk $0xffff, v57  }
0x23a: {  	v62 =	vor.u32 v20, v34;
	v57 =	vor.u32 v29, v39;
	v53 =	vand.u32 v14, v61;
	v58 =	vld.idx.msk [tilespmem:v58+s28+$0x0], $0xffff  }
0x23b: {  	v60 =	vor.u32 v29, v41;
	v63 =	vor.u32 v13, v42;
	[tilespmem:v45+s0+$0x0] =	vst.idx.msk $0xffff, v51  }
0x23c: {  	[tilespmem:v47+s0+$0x0] =	vst.idx.msk $0xffff, v55;
	v45 =	vor.u32 v29, v40;
	v51 =	vand.u32 v14, v63;
	v54 =	vld.idx.msk [tilespmem:v54+s28+$0x0], $0xffff  }
0x23d: {  	v47 =	vand.u32 v21, v62;
	v55 =	vor.u32 v29, v43;
	[tilespmem:v44+s0+$0x0] =	vst.idx.msk $0xffff, v59  }
0x23e: {  	v62 =	vor.u32 v16, v37;
	v61 =	vor.u32 v16, v36;
	v48 =	vld.idx.msk [tilespmem:v48+s28+$0x0], $0xffff;
	[tilespmem:v49+s0+$0x0] =	vst.idx.msk $0xffff, v52  }
0x23f: {  	v63 =	vor.u32 v16, v38;
	v52 =	vand.u32 v17, v62;
	[tilespmem:v53+s0+$0x0] =	vst.idx.msk $0xffff, v58;
	v53 =	vld.idx.msk [tilespmem:v57+s28+$0x0], $0xffff  }
0x240: {  	v44 =	vand.u32 v17, v61;
	v49 =	vld.idx.msk [tilespmem:v60+s28+$0x0], $0xffff;
	v60 =	vand.u32 v17, v63;
	v63 =	vor.u32 v30, v39  }
0x241: {  	v61 =	vor.u32 v30, v41;
	v62 =	vor.u32 v16, v42;
	v45 =	vld.idx.msk [tilespmem:v45+s28+$0x0], $0xffff;
	[tilespmem:v51+s0+$0x0] =	vst.idx.msk $0xffff, v54  }
0x242: {  	v35 =	vor.u32 v31, v35;
	v51 =	vand.u32 v17, v62;
	v54 =	vld.idx.msk [tilespmem:v55+s28+$0x0], $0xffff;
	v55 =	vor.u32 v30, v40  }
0x243: {  	v56 =	vor.u32 v30, v43;
	v41 =	vor.u32 v31, v41;
	[tilespmem:v47+s0+$0x0] =	vst.idx.msk $0xffff, v48  }
0x244: {  	v59 =	vor.u32 v20, v37;
	v57 =	vor.u32 v20, v36;
	[tilespmem:v52+s0+$0x0] =	vst.idx.msk $0xffff, v53  }
0x245: {  	v50 =	vand.u32 v21, v59;
	v39 =	vor.u32 v31, v39;
	[tilespmem:v44+s0+$0x0] =	vst.idx.msk $0xffff, v49;
	v47 =	vld.idx.msk [tilespmem:v63+s28+$0x0], $0xffff  }
0x246: {  	v58 =	vld.idx.msk [tilespmem:v61+s28+$0x0], $0xffff;
	[tilespmem:v60+s0+$0x0] =	vst.idx.msk $0xffff, v45;
	v45 =	vand.u32 v21, v57;
	v60 =	vor.u32 v20, v38  }
0x247: {  	v61 =	vor.u32 v20, v42;
	v48 =	vand.u32 v21, v60;
	[tilespmem:v51+s0+$0x0] =	vst.idx.msk $0xffff, v54;
	v44 =	vld.idx.msk [tilespmem:v55+s28+$0x0], $0xffff  }
0x248: {  	v32 =	vor.u32 v23, v32;
	v40 =	vor.u32 v31, v40;
	v51 =	vand.u32 v21, v61;
	v49 =	vld.idx.msk [tilespmem:v56+s28+$0x0], $0xffff  }
0x249: {  	v32 =	vand.u32 v24, v32;
	v33 =	vld.idx.msk [tilespmem:v33+s28+$0x0], $0xffff;
	v34 =	vor.u32 v23, v34;
	v43 =	vor.u32 v31, v43  }
0x24a: {  	v34 =	vand.u32 v24, v34;
	v37 =	vor.u32 v23, v37;
	v35 =	vld.idx.msk [tilespmem:v35+s28+$0x0], $0xffff;
	[tilespmem:v50+s0+$0x0] =	vst.idx.msk $0xffff, v47  }
0x24b: {  	v36 =	vor.u32 v23, v36;
	v37 =	vand.u32 v24, v37;
	[tilespmem:v45+s0+$0x0] =	vst.idx.msk $0xffff, v58;
	v39 =	vld.idx.msk [tilespmem:v39+s28+$0x0], $0xffff  }
0x24c: {  	v36 =	vand.u32 v24, v36;
	v38 =	vor.u32 v23, v38;
	v41 =	vld.idx.msk [tilespmem:v41+s28+$0x0], $0xffff;
	[tilespmem:v48+s0+$0x0] =	vst.idx.msk $0xffff, v44  }
0x24d: {  	v42 =	vor.u32 v23, v42;
	v38 =	vand.u32 v24, v38;
	[tilespmem:v51+s0+$0x0] =	vst.idx.msk $0xffff, v49;
	v40 =	vld.idx.msk [tilespmem:v40+s28+$0x0], $0xffff  }
0x24e: {  	p0 =	slt.u32 s2, $0x30;
	[tilespmem:v32+s0+$0x0] =	vst.idx.msk $0xffff, v33;
	v63 =	vand.u32 v24, v42;
	v62 =	vld.idx.msk [tilespmem:v43+s28+$0x0], $0xffff  }
.Ltmp6:
0x24f: {  	[tilespmem:v34+s0+$0x0] =	vst.idx.msk $0xffff, v35;
	(pc) =	sbr.rel @p0 .LBB2_9-.Ltmp6, $4  }
0x250: {  	[tilespmem:v37+s0+$0x0] =	vst.idx.msk $0xffff, v39  }
0x251: {  	[tilespmem:v36+s0+$0x0] =	vst.idx.msk $0xffff, v41  }
0x252: {  	[tilespmem:v38+s0+$0x0] =	vst.idx.msk $0xffff, v40  }
0x253: {  	s2 =	sadd.s32 $0x10, s2;
	[tilespmem:v63+s0+$0x0] =	vst.idx.msk $0xffff, v62  }
0x254: {  	s2 =	sadd.s32 s25, s14  }
0x255: {  	[hbm4b:s2+s3] =	stream.linear.scatter [tilespmem:s0], [sflag:$0x4], $0x400, $0x38;
	[tilespmem:$0xE400] =	vst v63  }
0x256: {  	s24 =	simm.s32 $0xC800;
	s2 =	sadd.s32 s25, s15  }
0x257: {  	[hbm4b:s2+s3] =	stream.linear.scatter [tilespmem:s24], [sflag:$0x4], $0x400, $0x38;
	[tilespmem:$0xE400] =	vst v63  }
0x258: {  	s2 =	sadd.s32 s25, s16;
	s24 =	simm.s32 $0xCC00  }
0x259: {  	[hbm4b:s2+s3] =	stream.linear.scatter [tilespmem:s24], [sflag:$0x4], $0x400, $0x38;
	[tilespmem:$0xE400] =	vst v63  }
0x25a: {  	s2 =	sadd.s32 s25, s17;
	s24 =	simm.s32 $0xD000  }
0x25b: {  	[hbm4b:s2+s3] =	stream.linear.scatter [tilespmem:s24], [sflag:$0x4], $0x400, $0x38;
	[tilespmem:$0xE400] =	vst v63  }
0x25c: {  	s2 =	sadd.s32 s25, s18;
	s24 =	simm.s32 $0xD400  }
0x25d: {  	[hbm4b:s2+s3] =	stream.linear.scatter [tilespmem:s24], [sflag:$0x4], $0x400, $0x38;
	[tilespmem:$0xE400] =	vst v63  }
0x25e: {  	p0 =	seq.s32 s5, $0x63;
	s2 =	sadd.s32 s25, s19;
	s24 =	simm.s32 $0xD800  }
0x25f: {  	[hbm4b:s2+s3] =	stream.linear.scatter [tilespmem:s24], [sflag:$0x4], $0x400, $0x38;
	[tilespmem:$0xE400] =	vst v63  }
.Ltmp7:
0x260: {  	_ = 	snop;
	(pc) =	sbr.rel @p0 .LBB2_12-.Ltmp7, $4  }
0x261: {  	s2 =	sadd.s32 s25, s20;
	s24 =	simm.s32 $0xDC00  }
0x262: {  	[hbm4b:s2+s3] =	stream.linear.scatter [tilespmem:s24], [sflag:$0x4], $0x400, $0x38;
	[tilespmem:$0xE400] =	vst v63  }
0x263: {  	s24 =	sadd.s32 s25, s21;
	s25 =	simm.s32 $0xE000  }
0x264: {  	[hbm4b:s24+s3] =	stream.linear.scatter [tilespmem:s25], [sflag:$0x4], $0x400, $0x38;
	[tilespmem:$0xE400] =	vst v63  }
.Ltmp8:
0x265: {  	(pc) =	sbr.rel .LBB2_2-.Ltmp8, $4  }
0x266: {  	_ = 	snop  }
0x267: {  	s2 =	sshrl.u32 s22, $0x2  }
0x268: {  	s5 =	sadd.s32 $0x1, s5;
	s2 =	sadd.s32 $0x180, s2  }
0x269: {  	[tilespmem:s28], [sflag:$0x2] =	stream.indirect.gather [hbm4b:s4+s23], $0x40, s2, s23, $0xb8;
	[tilespmem:$0xE400] =	vst v63  }
.LBB2_13:
0x26a: {  	_ =	sfence.sel $0x180000  }
0x26b: {  	[bflag:$0x0] =	sbarrier.arrive $0xFFFF  }
0x26c: {  	_ =	strace $0x90000047  }
0x26d: {  	s0 =	stileid.u32;
	[bflag:$0x2] =	sbarrier.arrive $0xFFFF  }
0x26e: {  	p0 =	sne.s32 s0, $0x0;
	s0 =	rddreg [dreg:$0x2]  }
0x26f: {  	s0 =	sadd.s32 @!p0 $0x100000, s0  }
0x270: {  	[sflag:s0] =	ssyncadd.tile.s32 @!p0 $0x1;
	_ =	shalt  }
.Lfunc_end2:
_tile_overlayer_lowered:
.L_overlay_start_2:
0x271: {  	(tag) =	ssettag $0x2  }
0x272: {  	s0 =	rddreg [dreg:$0x0];
	s2 =	stileid.u32  }
0x273: {  	s1 =	rddreg [dreg:$0x1];
	p0 =	sne.s32 s2, $0x0  }
0x274: {  	s3 =	rddreg [dreg:$0x2];
	[bflag:$0x3] =	sbarrier.arrive $0xFFFF;
	s2 =	simm.s32 @!p0 $0x1C05  }
0x275: {  	[timem:s3], [sflag:s2] =	dma.local @!p0 [hbm:s0], s1  }
0x276: {  	s0 =	simm.s32 @!p0 $0x5  }
0x277: {  	_ =	swait.ge @!p0 [sflag:s0], s1  }
0x278: {  	s1 =	ssub.s32 @!p0 $0x0, s1;
	[sflag:s0] =	ssyncset.done @!p0 $0x0  }
0x279: {  	[sflag:s0] =	ssyncadd.s32 @!p0 s1  }
0x27a: {  	[bflag:$0x3] =	sbarrier.arrive $0xFFFF  }
0x27b: {  	_ =	shalt  }

</sc_bundles>
